<compile_context>
chip_gen: v7x
topology: tpu7x:2x2x1
jax: 0.10.2.dev20260603
libtpu: 0.0.44.dev20260713+nightly
codegen_flags: <defaults>
</compile_context>

<pallas_src>
import jax
import jax.numpy as jnp
from jax import lax
from jax.experimental import pallas as pl
from jax.experimental.pallas import tpu as pltpu
from jax.experimental.pallas import tpu_sc as plsc

_B = 16384
_D = 64
_NC = 2
_NS = 16
_NW = _NC * _NS
_BPW = _B // _NW
_H = _BPW // 2
_L = 16

_N = 1000000


def _svd_score_body(uid_hbm, iid_hbm, ut_hbm, it_hbm, ub_hbm, ib_hbm, gb_hbm,
                    out_hbm, idx_u, idx_i, u2, v2, bu_v, bi_v,
                    gb_v, out_v, sem, bsem):
    wid = lax.axis_index("s") * _NC + lax.axis_index("c")
    base = wid * _BPW

    pltpu.sync_copy(uid_hbm.at[pl.ds(base, _BPW)], idx_u)
    pltpu.sync_copy(iid_hbm.at[pl.ds(base, _BPW)], idx_i)

    cp_bu = pltpu.async_copy(ub_hbm.at[idx_u], bu_v, bsem)
    cp_bi = pltpu.async_copy(ib_hbm.at[idx_i], bi_v, bsem)
    pltpu.sync_copy(gb_hbm, gb_v)

    cp_bu.wait()
    cp_bi.wait()

    gb_vec = gb_v[...]
    lane = lax.iota(jnp.int32, _L)
    onehots = [(lane == l).astype(jnp.float32) for l in range(_L)]

    for half in range(2):
        hbase = half * _H
        cp_u = pltpu.async_copy(ut_hbm.at[idx_u.at[pl.ds(hbase, _H)]], u2, sem)
        cp_v = pltpu.async_copy(it_hbm.at[idx_i.at[pl.ds(hbase, _H)]], v2, sem)
        cp_u.wait()
        cp_v.wait()

        @pl.loop(0, _H, step=_L)
        def _(r0):
            res = (bu_v[pl.ds(hbase + r0, _L)] + bi_v[pl.ds(hbase + r0, _L)]
                   + gb_vec)
            for l in range(_L):
                r = r0 + l
                acc = u2[r, pl.ds(0, _L)] * v2[r, pl.ds(0, _L)]
                for c in range(1, _D // _L):
                    acc += (u2[r, pl.ds(c * _L, _L)]
                            * v2[r, pl.ds(c * _L, _L)])
                res += jnp.sum(acc) * onehots[l]
            out_v[pl.ds(hbase + r0, _L)] = res

    pltpu.sync_copy(out_v, out_hbm.at[pl.ds(base, _BPW)])


@jax.jit
def kernel(user_ids, item_ids, user_table, item_table, user_bias, item_bias,
           global_bias):
    mesh = plsc.VectorSubcoreMesh(core_axis_name="c", subcore_axis_name="s")

    score = pl.kernel(
        _svd_score_body,
        out_type=jax.ShapeDtypeStruct((_B,), jnp.float32),
        mesh=mesh,
        compiler_params=pltpu.CompilerParams(use_tc_tiling_on_sc=False,
                                             needs_layout_passes=False),
        scratch_types=[
            pltpu.VMEM((_BPW,), jnp.int32),
            pltpu.VMEM((_BPW,), jnp.int32),
            pltpu.VMEM((_H, 2 * _D), jnp.float32),
            pltpu.VMEM((_H, 2 * _D), jnp.float32),
            pltpu.VMEM((_BPW,), jnp.float32),
            pltpu.VMEM((_BPW,), jnp.float32),
            pltpu.VMEM((_L,), jnp.float32),
            pltpu.VMEM((_BPW,), jnp.float32),
            pltpu.SemaphoreType.DMA,
            pltpu.SemaphoreType.DMA,
        ],
    )

    ut2 = jnp.pad(user_table, ((0, 0), (0, 128 - _D)))
    it2 = jnp.pad(item_table, ((0, 0), (0, 128 - _D)))
    gb_b = jnp.broadcast_to(global_bias, (_L,))
    return score(user_ids.astype(jnp.int32), item_ids.astype(jnp.int32),
                 ut2, it2, user_bias, item_bias, gb_b)

# --- scband reference (transcript-rebuilt; emitter-appended) ---
"""Pipeline reference for scband-svd-prompt-19774029431539 (READ-ONLY COPY).

The authoritative reference and input builder live on the scoring server;
editing this copy changes nothing except your own understanding.
"""

import jax, jax.numpy as jnp
import numpy as np

NUM_USERS = 1000000
NUM_ITEMS = 1000000
EMBED_DIM = 64
BATCH = 16384


def setup_inputs(seed: int = 0) -> dict:
    key = jax.random.key(seed)
    k1, k2, k3, k4, k5, k6 = jax.random.split(key, 6)
    user_ids = jax.random.randint(k1, (BATCH,), 0, NUM_USERS)
    item_ids = jax.random.randint(k2, (BATCH,), 0, NUM_ITEMS)
    user_table = jax.random.normal(k3, (NUM_USERS, EMBED_DIM), dtype=jnp.float32) * 0.1
    item_table = jax.random.normal(k4, (NUM_ITEMS, EMBED_DIM), dtype=jnp.float32) * 0.1
    user_bias = jax.random.normal(k5, (NUM_USERS,), dtype=jnp.float32) * 0.01
    item_bias = jax.random.normal(k6, (NUM_ITEMS,), dtype=jnp.float32) * 0.01
    global_bias = jnp.zeros((1,), dtype=jnp.float32)
    return {
        "user_ids": user_ids,
        "item_ids": item_ids,
        "user_table": user_table,
        "item_table": item_table,
        "user_bias": user_bias,
        "item_bias": item_bias,
        "global_bias": global_bias,
    }


def reference(user_ids, item_ids, user_table, item_table, user_bias, item_bias, global_bias):
    # svd_prompt core scoring: biased matrix factorization (SVD) over
    # user/item embedding tables plus per-row bias terms and a global bias.
    u = jnp.take(user_table, user_ids, axis=0)          # [B, D] gather
    v = jnp.take(item_table, item_ids, axis=0)          # [B, D] gather
    dot = jnp.sum(u * v, axis=-1)                       # [B]
    bu = jnp.take(user_bias, user_ids, axis=0)          # [B] gather
    bi = jnp.take(item_bias, item_ids, axis=0)          # [B] gather
    score = dot + bu + bi + global_bias[0]
    return score

if __name__ == "__main__":
    import jax
    _d = setup_inputs()
    print(jax.jit(kernel)(*tuple(_d.values())))

</pallas_src>

<mosaic_0001>
#map = affine_map<(d0, d1) -> (0)>
#map1 = affine_map<(d0, d1) -> (0, 0)>
module attributes {stable_mosaic.version = 14 : i64} {
  func.func @_svd_score_body(%arg0: i32, %arg1: i32, %arg2: memref<16384xi32, #tpu.memory_space<hbm>>, %arg3: memref<16384xi32, #tpu.memory_space<hbm>>, %arg4: memref<1000000x128xf32, #tpu.memory_space<hbm>>, %arg5: memref<1000000x128xf32, #tpu.memory_space<hbm>>, %arg6: memref<1000000xf32, #tpu.memory_space<hbm>>, %arg7: memref<1000000xf32, #tpu.memory_space<hbm>>, %arg8: memref<16xf32, #tpu.memory_space<hbm>>, %arg9: memref<16384xf32, #tpu.memory_space<hbm>>, %arg10: memref<512xi32, #tpu.memory_space<vmem>>, %arg11: memref<512xi32, #tpu.memory_space<vmem>>, %arg12: memref<256x128xf32, #tpu.memory_space<vmem>>, %arg13: memref<256x128xf32, #tpu.memory_space<vmem>>, %arg14: memref<512xf32, #tpu.memory_space<vmem>>, %arg15: memref<512xf32, #tpu.memory_space<vmem>>, %arg16: memref<16xf32, #tpu.memory_space<vmem>>, %arg17: memref<512xf32, #tpu.memory_space<vmem>>, %arg18: memref<!tpu.dma_semaphore, #tpu.memory_space<semaphore_mem>>, %arg19: memref<!tpu.dma_semaphore, #tpu.memory_space<semaphore_mem>>) attributes {dimension_semantics = [#tpu.dimension_semantics<core_parallel>, #tpu.dimension_semantics<subcore_parallel>], iteration_bounds = array<i64: 2, 16>, scalar_prefetch = 0 : i64, scratch_operands = 10 : i64, tpu.core_type = #tpu.core_type<sc_vector_subcore>, window_params = [{transform_indices = #map}, {transform_indices = #map}, {transform_indices = #map1}, {transform_indices = #map1}, {transform_indices = #map}, {transform_indices = #map}, {transform_indices = #map}, {transform_indices = #map}]} {
    %mul3A = arith.constant 2 : i32
    %mul3A_0 = arith.muli %arg1, %mul3A : i32
    %add3A = arith.addi %mul3A_0, %arg0 : i32
    %mul3A_1 = arith.constant 512 : i32
    %mul3A_2 = arith.muli %add3A, %mul3A_1 : i32
    "tpu.region"() ({
      %run_scoped3A = tpu.sem_alloc : memref<!tpu.dma_semaphore, #tpu.memory_space<semaphore_mem>>
      %dma_start3A_137 = tpu.memref_slice %arg2[%mul3A_2] : memref<16384xi32, #tpu.memory_space<hbm>> -> memref<512xi32, #tpu.memory_space<hbm>>
      %dma_start3A_138 = tpu.memref_slice %arg2[%mul3A_2] : memref<16384xi32, #tpu.memory_space<hbm>> -> memref<512xi32, #tpu.memory_space<hbm>>
      tpu.enqueue_dma source(%dma_start3A_138 : memref<512xi32, #tpu.memory_space<hbm>>) target(%arg10 : memref<512xi32, #tpu.memory_space<vmem>>) target_semaphore(%run_scoped3A : memref<!tpu.dma_semaphore, #tpu.memory_space<semaphore_mem>>)
      %dma_wait3A_139 = tpu.memref_slice %arg2[%mul3A_2] : memref<16384xi32, #tpu.memory_space<hbm>> -> memref<512xi32, #tpu.memory_space<hbm>>
      %dma_wait3A_140 = tpu.memref_slice %arg2[%mul3A_2] : memref<16384xi32, #tpu.memory_space<hbm>> -> memref<512xi32, #tpu.memory_space<hbm>>
      tpu.wait_dma2 semaphore(%run_scoped3A : memref<!tpu.dma_semaphore, #tpu.memory_space<semaphore_mem>>) src(%dma_wait3A_140 : memref<512xi32, #tpu.memory_space<hbm>>) dst(%arg10 : memref<512xi32, #tpu.memory_space<vmem>>)
      tpu.yield
    }) : () -> ()
    "tpu.region"() ({
      %run_scoped3A = tpu.sem_alloc : memref<!tpu.dma_semaphore, #tpu.memory_space<semaphore_mem>>
      %dma_start3A_137 = tpu.memref_slice %arg3[%mul3A_2] : memref<16384xi32, #tpu.memory_space<hbm>> -> memref<512xi32, #tpu.memory_space<hbm>>
      %dma_start3A_138 = tpu.memref_slice %arg3[%mul3A_2] : memref<16384xi32, #tpu.memory_space<hbm>> -> memref<512xi32, #tpu.memory_space<hbm>>
      tpu.enqueue_dma source(%dma_start3A_138 : memref<512xi32, #tpu.memory_space<hbm>>) target(%arg11 : memref<512xi32, #tpu.memory_space<vmem>>) target_semaphore(%run_scoped3A : memref<!tpu.dma_semaphore, #tpu.memory_space<semaphore_mem>>)
      %dma_wait3A_139 = tpu.memref_slice %arg3[%mul3A_2] : memref<16384xi32, #tpu.memory_space<hbm>> -> memref<512xi32, #tpu.memory_space<hbm>>
      %dma_wait3A_140 = tpu.memref_slice %arg3[%mul3A_2] : memref<16384xi32, #tpu.memory_space<hbm>> -> memref<512xi32, #tpu.memory_space<hbm>>
      tpu.wait_dma2 semaphore(%run_scoped3A : memref<!tpu.dma_semaphore, #tpu.memory_space<semaphore_mem>>) src(%dma_wait3A_140 : memref<512xi32, #tpu.memory_space<hbm>>) dst(%arg11 : memref<512xi32, #tpu.memory_space<vmem>>)
      tpu.yield
    }) : () -> ()
    %dma_start3A = arith.constant 0 : i32
    %dma_start3A_3 = tpu.memref_slice %arg6[%dma_start3A] : memref<1000000xf32, #tpu.memory_space<hbm>> -> memref<1000000xf32, #tpu.memory_space<hbm>>
    tpu.enqueue_indirect_dma source(%dma_start3A_3 : memref<1000000xf32, #tpu.memory_space<hbm>>) target(%arg14 : memref<512xf32, #tpu.memory_space<vmem>>) offsets(%arg10 : memref<512xi32, #tpu.memory_space<vmem>>) semaphore(%arg19 : memref<!tpu.dma_semaphore, #tpu.memory_space<semaphore_mem>>)
    %dma_start3A_4 = arith.constant 0 : i32
    %dma_start3A_5 = tpu.memref_slice %arg7[%dma_start3A_4] : memref<1000000xf32, #tpu.memory_space<hbm>> -> memref<1000000xf32, #tpu.memory_space<hbm>>
    tpu.enqueue_indirect_dma source(%dma_start3A_5 : memref<1000000xf32, #tpu.memory_space<hbm>>) target(%arg15 : memref<512xf32, #tpu.memory_space<vmem>>) offsets(%arg11 : memref<512xi32, #tpu.memory_space<vmem>>) semaphore(%arg19 : memref<!tpu.dma_semaphore, #tpu.memory_space<semaphore_mem>>)
    "tpu.region"() ({
      %run_scoped3A = tpu.sem_alloc : memref<!tpu.dma_semaphore, #tpu.memory_space<semaphore_mem>>
      tpu.enqueue_dma source(%arg8 : memref<16xf32, #tpu.memory_space<hbm>>) target(%arg16 : memref<16xf32, #tpu.memory_space<vmem>>) target_semaphore(%run_scoped3A : memref<!tpu.dma_semaphore, #tpu.memory_space<semaphore_mem>>)
      tpu.wait_dma2 semaphore(%run_scoped3A : memref<!tpu.dma_semaphore, #tpu.memory_space<semaphore_mem>>) src(%arg8 : memref<16xf32, #tpu.memory_space<hbm>>) dst(%arg16 : memref<16xf32, #tpu.memory_space<vmem>>)
      tpu.yield
    }) : () -> ()
    %dma_wait3A = arith.constant 0 : i32
    %dma_wait3A_6 = tpu.memref_slice %arg6[%dma_wait3A] : memref<1000000xf32, #tpu.memory_space<hbm>> -> memref<1000000xf32, #tpu.memory_space<hbm>>
    tpu.wait_indirect_dma semaphore(%arg19 : memref<!tpu.dma_semaphore, #tpu.memory_space<semaphore_mem>>) src(%dma_wait3A_6 : memref<1000000xf32, #tpu.memory_space<hbm>>) dst(%arg14 : memref<512xf32, #tpu.memory_space<vmem>>)
    %dma_wait3A_7 = arith.constant 0 : i32
    %dma_wait3A_8 = tpu.memref_slice %arg7[%dma_wait3A_7] : memref<1000000xf32, #tpu.memory_space<hbm>> -> memref<1000000xf32, #tpu.memory_space<hbm>>
    tpu.wait_indirect_dma semaphore(%arg19 : memref<!tpu.dma_semaphore, #tpu.memory_space<semaphore_mem>>) src(%dma_wait3A_8 : memref<1000000xf32, #tpu.memory_space<hbm>>) dst(%arg15 : memref<512xf32, #tpu.memory_space<vmem>>)
    %get3A = arith.constant 0 : index
    %get3A_9 = tpu.vector_load %arg16[%get3A] {strides = array<i32>} : memref<16xf32, #tpu.memory_space<vmem>>, vector<16xf32>,
    %iota3A = tpu.iota {dimensions = array<i32: 0>} : vector<16xi32>
    %eq3A = arith.constant 0 : i32
    %eq3A_10 = vector.broadcast %eq3A : i32 to vector<16xi32>
    %eq3A_11 = arith.cmpi eq, %iota3A, %eq3A_10 : vector<16xi32>
    %convert_element_type3A = arith.extui %eq3A_11 : vector<16xi1> to vector<16xi32>
    %convert_element_type3A_12 = arith.sitofp %convert_element_type3A : vector<16xi32> to vector<16xf32>
    %eq3A_13 = arith.constant 1 : i32
    %eq3A_14 = vector.broadcast %eq3A_13 : i32 to vector<16xi32>
    %eq3A_15 = arith.cmpi eq, %iota3A, %eq3A_14 : vector<16xi32>
    %convert_element_type3A_16 = arith.extui %eq3A_15 : vector<16xi1> to vector<16xi32>
    %convert_element_type3A_17 = arith.sitofp %convert_element_type3A_16 : vector<16xi32> to vector<16xf32>
    %eq3A_18 = arith.constant 2 : i32
    %eq3A_19 = vector.broadcast %eq3A_18 : i32 to vector<16xi32>
    %eq3A_20 = arith.cmpi eq, %iota3A, %eq3A_19 : vector<16xi32>
    %convert_element_type3A_21 = arith.extui %eq3A_20 : vector<16xi1> to vector<16xi32>
    %convert_element_type3A_22 = arith.sitofp %convert_element_type3A_21 : vector<16xi32> to vector<16xf32>
    %eq3A_23 = arith.constant 3 : i32
    %eq3A_24 = vector.broadcast %eq3A_23 : i32 to vector<16xi32>
    %eq3A_25 = arith.cmpi eq, %iota3A, %eq3A_24 : vector<16xi32>
    %convert_element_type3A_26 = arith.extui %eq3A_25 : vector<16xi1> to vector<16xi32>
    %convert_element_type3A_27 = arith.sitofp %convert_element_type3A_26 : vector<16xi32> to vector<16xf32>
    %eq3A_28 = arith.constant 4 : i32
    %eq3A_29 = vector.broadcast %eq3A_28 : i32 to vector<16xi32>
    %eq3A_30 = arith.cmpi eq, %iota3A, %eq3A_29 : vector<16xi32>
    %convert_element_type3A_31 = arith.extui %eq3A_30 : vector<16xi1> to vector<16xi32>
    %convert_element_type3A_32 = arith.sitofp %convert_element_type3A_31 : vector<16xi32> to vector<16xf32>
    %eq3A_33 = arith.constant 5 : i32
    %eq3A_34 = vector.broadcast %eq3A_33 : i32 to vector<16xi32>
    %eq3A_35 = arith.cmpi eq, %iota3A, %eq3A_34 : vector<16xi32>
    %convert_element_type3A_36 = arith.extui %eq3A_35 : vector<16xi1> to vector<16xi32>
    %convert_element_type3A_37 = arith.sitofp %convert_element_type3A_36 : vector<16xi32> to vector<16xf32>
    %eq3A_38 = arith.constant 6 : i32
    %eq3A_39 = vector.broadcast %eq3A_38 : i32 to vector<16xi32>
    %eq3A_40 = arith.cmpi eq, %iota3A, %eq3A_39 : vector<16xi32>
    %convert_element_type3A_41 = arith.extui %eq3A_40 : vector<16xi1> to vector<16xi32>
    %convert_element_type3A_42 = arith.sitofp %convert_element_type3A_41 : vector<16xi32> to vector<16xf32>
    %eq3A_43 = arith.constant 7 : i32
    %eq3A_44 = vector.broadcast %eq3A_43 : i32 to vector<16xi32>
    %eq3A_45 = arith.cmpi eq, %iota3A, %eq3A_44 : vector<16xi32>
    %convert_element_type3A_46 = arith.extui %eq3A_45 : vector<16xi1> to vector<16xi32>
    %convert_element_type3A_47 = arith.sitofp %convert_element_type3A_46 : vector<16xi32> to vector<16xf32>
    %eq3A_48 = arith.constant 8 : i32
    %eq3A_49 = vector.broadcast %eq3A_48 : i32 to vector<16xi32>
    %eq3A_50 = arith.cmpi eq, %iota3A, %eq3A_49 : vector<16xi32>
    %convert_element_type3A_51 = arith.extui %eq3A_50 : vector<16xi1> to vector<16xi32>
    %convert_element_type3A_52 = arith.sitofp %convert_element_type3A_51 : vector<16xi32> to vector<16xf32>
    %eq3A_53 = arith.constant 9 : i32
    %eq3A_54 = vector.broadcast %eq3A_53 : i32 to vector<16xi32>
    %eq3A_55 = arith.cmpi eq, %iota3A, %eq3A_54 : vector<16xi32>
    %convert_element_type3A_56 = arith.extui %eq3A_55 : vector<16xi1> to vector<16xi32>
    %convert_element_type3A_57 = arith.sitofp %convert_element_type3A_56 : vector<16xi32> to vector<16xf32>
    %eq3A_58 = arith.constant 10 : i32
    %eq3A_59 = vector.broadcast %eq3A_58 : i32 to vector<16xi32>
    %eq3A_60 = arith.cmpi eq, %iota3A, %eq3A_59 : vector<16xi32>
    %convert_element_type3A_61 = arith.extui %eq3A_60 : vector<16xi1> to vector<16xi32>
    %convert_element_type3A_62 = arith.sitofp %convert_element_type3A_61 : vector<16xi32> to vector<16xf32>
    %eq3A_63 = arith.constant 11 : i32
    %eq3A_64 = vector.broadcast %eq3A_63 : i32 to vector<16xi32>
    %eq3A_65 = arith.cmpi eq, %iota3A, %eq3A_64 : vector<16xi32>
    %convert_element_type3A_66 = arith.extui %eq3A_65 : vector<16xi1> to vector<16xi32>
    %convert_element_type3A_67 = arith.sitofp %convert_element_type3A_66 : vector<16xi32> to vector<16xf32>
    %eq3A_68 = arith.constant 12 : i32
    %eq3A_69 = vector.broadcast %eq3A_68 : i32 to vector<16xi32>
    %eq3A_70 = arith.cmpi eq, %iota3A, %eq3A_69 : vector<16xi32>
    %convert_element_type3A_71 = arith.extui %eq3A_70 : vector<16xi1> to vector<16xi32>
    %convert_element_type3A_72 = arith.sitofp %convert_element_type3A_71 : vector<16xi32> to vector<16xf32>
    %eq3A_73 = arith.constant 13 : i32
    %eq3A_74 = vector.broadcast %eq3A_73 : i32 to vector<16xi32>
    %eq3A_75 = arith.cmpi eq, %iota3A, %eq3A_74 : vector<16xi32>
    %convert_element_type3A_76 = arith.extui %eq3A_75 : vector<16xi1> to vector<16xi32>
    %convert_element_type3A_77 = arith.sitofp %convert_element_type3A_76 : vector<16xi32> to vector<16xf32>
    %eq3A_78 = arith.constant 14 : i32
    %eq3A_79 = vector.broadcast %eq3A_78 : i32 to vector<16xi32>
    %eq3A_80 = arith.cmpi eq, %iota3A, %eq3A_79 : vector<16xi32>
    %convert_element_type3A_81 = arith.extui %eq3A_80 : vector<16xi1> to vector<16xi32>
    %convert_element_type3A_82 = arith.sitofp %convert_element_type3A_81 : vector<16xi32> to vector<16xf32>
    %eq3A_83 = arith.constant 15 : i32
    %eq3A_84 = vector.broadcast %eq3A_83 : i32 to vector<16xi32>
    %eq3A_85 = arith.cmpi eq, %iota3A, %eq3A_84 : vector<16xi32>
    %convert_element_type3A_86 = arith.extui %eq3A_85 : vector<16xi1> to vector<16xi32>
    %convert_element_type3A_87 = arith.sitofp %convert_element_type3A_86 : vector<16xi32> to vector<16xf32>
    %dma_start3A_88 = arith.constant 0 : i32
    %dma_start3A_89 = tpu.memref_slice %arg10[%dma_start3A_88] : memref<512xi32, #tpu.memory_space<vmem>> -> memref<256xi32, #tpu.memory_space<vmem>>
    %dma_start3A_90 = arith.constant 0 : i32
    %dma_start3A_91 = arith.constant 0 : i32
    %dma_start3A_92 = tpu.memref_slice %arg4[%dma_start3A_90, %dma_start3A_91] : memref<1000000x128xf32, #tpu.memory_space<hbm>> -> memref<1000000x128xf32, #tpu.memory_space<hbm>>
    tpu.enqueue_indirect_dma source(%dma_start3A_92 : memref<1000000x128xf32, #tpu.memory_space<hbm>>) target(%arg12 : memref<256x128xf32, #tpu.memory_space<vmem>>) offsets(%dma_start3A_89 : memref<256xi32, #tpu.memory_space<vmem>>) semaphore(%arg18 : memref<!tpu.dma_semaphore, #tpu.memory_space<semaphore_mem>>)
    %dma_start3A_93 = arith.constant 0 : i32
    %dma_start3A_94 = tpu.memref_slice %arg11[%dma_start3A_93] : memref<512xi32, #tpu.memory_space<vmem>> -> memref<256xi32, #tpu.memory_space<vmem>>
    %dma_start3A_95 = arith.constant 0 : i32
    %dma_start3A_96 = arith.constant 0 : i32
    %dma_start3A_97 = tpu.memref_slice %arg5[%dma_start3A_95, %dma_start3A_96] : memref<1000000x128xf32, #tpu.memory_space<hbm>> -> memref<1000000x128xf32, #tpu.memory_space<hbm>>
    tpu.enqueue_indirect_dma source(%dma_start3A_97 : memref<1000000x128xf32, #tpu.memory_space<hbm>>) target(%arg13 : memref<256x128xf32, #tpu.memory_space<vmem>>) offsets(%dma_start3A_94 : memref<256xi32, #tpu.memory_space<vmem>>) semaphore(%arg18 : memref<!tpu.dma_semaphore, #tpu.memory_space<semaphore_mem>>)
    %dma_wait3A_98 = arith.constant 0 : i32
    %dma_wait3A_99 = tpu.memref_slice %arg10[%dma_wait3A_98] : memref<512xi32, #tpu.memory_space<vmem>> -> memref<256xi32, #tpu.memory_space<vmem>>
    %dma_wait3A_100 = arith.constant 0 : i32
    %dma_wait3A_101 = arith.constant 0 : i32
    %dma_wait3A_102 = tpu.memref_slice %arg4[%dma_wait3A_100, %dma_wait3A_101] : memref<1000000x128xf32, #tpu.memory_space<hbm>> -> memref<1000000x128xf32, #tpu.memory_space<hbm>>
    tpu.wait_indirect_dma semaphore(%arg18 : memref<!tpu.dma_semaphore, #tpu.memory_space<semaphore_mem>>) src(%dma_wait3A_102 : memref<1000000x128xf32, #tpu.memory_space<hbm>>) dst(%arg12 : memref<256x128xf32, #tpu.memory_space<vmem>>)
    %dma_wait3A_103 = arith.constant 0 : i32
    %dma_wait3A_104 = tpu.memref_slice %arg11[%dma_wait3A_103] : memref<512xi32, #tpu.memory_space<vmem>> -> memref<256xi32, #tpu.memory_space<vmem>>
    %dma_wait3A_105 = arith.constant 0 : i32
    %dma_wait3A_106 = arith.constant 0 : i32
    %dma_wait3A_107 = tpu.memref_slice %arg5[%dma_wait3A_105, %dma_wait3A_106] : memref<1000000x128xf32, #tpu.memory_space<hbm>> -> memref<1000000x128xf32, #tpu.memory_space<hbm>>
    tpu.wait_indirect_dma semaphore(%arg18 : memref<!tpu.dma_semaphore, #tpu.memory_space<semaphore_mem>>) src(%dma_wait3A_107 : memref<1000000x128xf32, #tpu.memory_space<hbm>>) dst(%arg13 : memref<256x128xf32, #tpu.memory_space<vmem>>)
    %scan3A = arith.constant 0 : i32
    %scan3A_108 = arith.constant 16 : i32
    %scan3A_109 = arith.addi %scan3A, %scan3A_108 : i32
    %scan3A_110 = arith.constant 1 : i32
    scf.for %scan3A_137 = %scan3A to %scan3A_109 step %scan3A_110  : i32 {
      %mul3A_138 = arith.constant 16 : i32
      %mul3A_139 = arith.muli %scan3A_137, %mul3A_138 : i32
      %add3A_140 = arith.constant 0 : i32
      %add3A_141 = arith.addi %add3A_140, %mul3A_139 : i32
      %add3A_142 = arith.constant 0 : i32
      %add3A_143 = arith.addi %add3A_142, %add3A_141 : i32
      %get3A_144 = arith.index_cast %add3A_143 : i32 to index
      %get3A_145 = tpu.vector_load %arg14[%get3A_144] {strides = array<i32>} : memref<512xf32, #tpu.memory_space<vmem>>, vector<16xf32>,
      %add3A_146 = arith.constant 0 : i32
      %add3A_147 = arith.addi %add3A_146, %add3A_141 : i32
      %get3A_148 = arith.index_cast %add3A_147 : i32 to index
      %get3A_149 = tpu.vector_load %arg15[%get3A_148] {strides = array<i32>} : memref<512xf32, #tpu.memory_space<vmem>>, vector<16xf32>,
      %add3A_150 = arith.addf %get3A_145, %get3A_149 : vector<16xf32>
      %add3A_151 = arith.addf %add3A_150, %get3A_9 : vector<16xf32>
      %add3A_152 = arith.constant 0 : i32
      %add3A_153 = arith.addi %add3A_141, %add3A_152 : i32
      %get3A_154 = arith.index_cast %add3A_153 : i32 to index
      %get3A_155 = arith.constant 0 : index
      %get3A_156 = tpu.vector_load %arg12[%get3A_154, %get3A_155] {strides = array<i32>} : memref<256x128xf32, #tpu.memory_space<vmem>>, vector<16xf32>,
      %get3A_157 = arith.index_cast %add3A_153 : i32 to index
      %get3A_158 = arith.constant 0 : index
      %get3A_159 = tpu.vector_load %arg13[%get3A_157, %get3A_158] {strides = array<i32>} : memref<256x128xf32, #tpu.memory_space<vmem>>, vector<16xf32>,
      %mul3A_160 = arith.mulf %get3A_156, %get3A_159 : vector<16xf32>
      %get3A_161 = arith.index_cast %add3A_153 : i32 to index
      %get3A_162 = arith.constant 16 : index
      %get3A_163 = tpu.vector_load %arg12[%get3A_161, %get3A_162] {strides = array<i32>} : memref<256x128xf32, #tpu.memory_space<vmem>>, vector<16xf32>,
      %get3A_164 = arith.index_cast %add3A_153 : i32 to index
      %get3A_165 = arith.constant 16 : index
      %get3A_166 = tpu.vector_load %arg13[%get3A_164, %get3A_165] {strides = array<i32>} : memref<256x128xf32, #tpu.memory_space<vmem>>, vector<16xf32>,
      %mul3A_167 = arith.mulf %get3A_163, %get3A_166 : vector<16xf32>
      %add3A_168 = arith.addf %mul3A_160, %mul3A_167 : vector<16xf32>
      %get3A_169 = arith.index_cast %add3A_153 : i32 to index
      %get3A_170 = arith.constant 32 : index
      %get3A_171 = tpu.vector_load %arg12[%get3A_169, %get3A_170] {strides = array<i32>} : memref<256x128xf32, #tpu.memory_space<vmem>>, vector<16xf32>,
      %get3A_172 = arith.index_cast %add3A_153 : i32 to index
      %get3A_173 = arith.constant 32 : index
      %get3A_174 = tpu.vector_load %arg13[%get3A_172, %get3A_173] {strides = array<i32>} : memref<256x128xf32, #tpu.memory_space<vmem>>, vector<16xf32>,
      %mul3A_175 = arith.mulf %get3A_171, %get3A_174 : vector<16xf32>
      %add3A_176 = arith.addf %add3A_168, %mul3A_175 : vector<16xf32>
      %get3A_177 = arith.index_cast %add3A_153 : i32 to index
      %get3A_178 = arith.constant 48 : index
      %get3A_179 = tpu.vector_load %arg12[%get3A_177, %get3A_178] {strides = array<i32>} : memref<256x128xf32, #tpu.memory_space<vmem>>, vector<16xf32>,
      %get3A_180 = arith.index_cast %add3A_153 : i32 to index
      %get3A_181 = arith.constant 48 : index
      %get3A_182 = tpu.vector_load %arg13[%get3A_180, %get3A_181] {strides = array<i32>} : memref<256x128xf32, #tpu.memory_space<vmem>>, vector<16xf32>,
      %mul3A_183 = arith.mulf %get3A_179, %get3A_182 : vector<16xf32>
      %add3A_184 = arith.addf %add3A_176, %mul3A_183 : vector<16xf32>
      %reduce_sum3A = arith.constant true
      %reduce_sum3A_185 = vector.broadcast %reduce_sum3A : i1 to vector<16xi1>
      %reduce_sum3A_186 = tpu.scan <sum>, %add3A_184 masked %reduce_sum3A_185 : vector<16xf32>, vector<16xi1> -> vector<16xf32>
      %reduce_sum3A_187 = vector.extract %reduce_sum3A_186[15] : f32 from vector<16xf32>
      %mul3A_188 = vector.broadcast %reduce_sum3A_187 : f32 to vector<16xf32>
      %mul3A_189 = arith.mulf %mul3A_188, %convert_element_type3A_12 : vector<16xf32>
      %add3A_190 = arith.addf %add3A_151, %mul3A_189 : vector<16xf32>
      %add3A_191 = arith.constant 1 : i32
      %add3A_192 = arith.addi %add3A_141, %add3A_191 : i32
      %get3A_193 = arith.index_cast %add3A_192 : i32 to index
      %get3A_194 = arith.constant 0 : index
      %get3A_195 = tpu.vector_load %arg12[%get3A_193, %get3A_194] {strides = array<i32>} : memref<256x128xf32, #tpu.memory_space<vmem>>, vector<16xf32>,
      %get3A_196 = arith.index_cast %add3A_192 : i32 to index
      %get3A_197 = arith.constant 0 : index
      %get3A_198 = tpu.vector_load %arg13[%get3A_196, %get3A_197] {strides = array<i32>} : memref<256x128xf32, #tpu.memory_space<vmem>>, vector<16xf32>,
      %mul3A_199 = arith.mulf %get3A_195, %get3A_198 : vector<16xf32>
      %get3A_200 = arith.index_cast %add3A_192 : i32 to index
      %get3A_201 = arith.constant 16 : index
      %get3A_202 = tpu.vector_load %arg12[%get3A_200, %get3A_201] {strides = array<i32>} : memref<256x128xf32, #tpu.memory_space<vmem>>, vector<16xf32>,
      %get3A_203 = arith.index_cast %add3A_192 : i32 to index
      %get3A_204 = arith.constant 16 : index
      %get3A_205 = tpu.vector_load %arg13[%get3A_203, %get3A_204] {strides = array<i32>} : memref<256x128xf32, #tpu.memory_space<vmem>>, vector<16xf32>,
      %mul3A_206 = arith.mulf %get3A_202, %get3A_205 : vector<16xf32>
      %add3A_207 = arith.addf %mul3A_199, %mul3A_206 : vector<16xf32>
      %get3A_208 = arith.index_cast %add3A_192 : i32 to index
      %get3A_209 = arith.constant 32 : index
      %get3A_210 = tpu.vector_load %arg12[%get3A_208, %get3A_209] {strides = array<i32>} : memref<256x128xf32, #tpu.memory_space<vmem>>, vector<16xf32>,
      %get3A_211 = arith.index_cast %add3A_192 : i32 to index
      %get3A_212 = arith.constant 32 : index
      %get3A_213 = tpu.vector_load %arg13[%get3A_211, %get3A_212] {strides = array<i32>} : memref<256x128xf32, #tpu.memory_space<vmem>>, vector<16xf32>,
      %mul3A_214 = arith.mulf %get3A_210, %get3A_213 : vector<16xf32>
      %add3A_215 = arith.addf %add3A_207, %mul3A_214 : vector<16xf32>
      %get3A_216 = arith.index_cast %add3A_192 : i32 to index
      %get3A_217 = arith.constant 48 : index
      %get3A_218 = tpu.vector_load %arg12[%get3A_216, %get3A_217] {strides = array<i32>} : memref<256x128xf32, #tpu.memory_space<vmem>>, vector<16xf32>,
      %get3A_219 = arith.index_cast %add3A_192 : i32 to index
      %get3A_220 = arith.constant 48 : index
      %get3A_221 = tpu.vector_load %arg13[%get3A_219, %get3A_220] {strides = array<i32>} : memref<256x128xf32, #tpu.memory_space<vmem>>, vector<16xf32>,
      %mul3A_222 = arith.mulf %get3A_218, %get3A_221 : vector<16xf32>
      %add3A_223 = arith.addf %add3A_215, %mul3A_222 : vector<16xf32>
      %reduce_sum3A_224 = arith.constant true
      %reduce_sum3A_225 = vector.broadcast %reduce_sum3A_224 : i1 to vector<16xi1>
      %reduce_sum3A_226 = tpu.scan <sum>, %add3A_223 masked %reduce_sum3A_225 : vector<16xf32>, vector<16xi1> -> vector<16xf32>
      %reduce_sum3A_227 = vector.extract %reduce_sum3A_226[15] : f32 from vector<16xf32>
      %mul3A_228 = vector.broadcast %reduce_sum3A_227 : f32 to vector<16xf32>
      %mul3A_229 = arith.mulf %mul3A_228, %convert_element_type3A_17 : vector<16xf32>
      %add3A_230 = arith.addf %add3A_190, %mul3A_229 : vector<16xf32>
      %add3A_231 = arith.constant 2 : i32
      %add3A_232 = arith.addi %add3A_141, %add3A_231 : i32
      %get3A_233 = arith.index_cast %add3A_232 : i32 to index
      %get3A_234 = arith.constant 0 : index
      %get3A_235 = tpu.vector_load %arg12[%get3A_233, %get3A_234] {strides = array<i32>} : memref<256x128xf32, #tpu.memory_space<vmem>>, vector<16xf32>,
      %get3A_236 = arith.index_cast %add3A_232 : i32 to index
      %get3A_237 = arith.constant 0 : index
      %get3A_238 = tpu.vector_load %arg13[%get3A_236, %get3A_237] {strides = array<i32>} : memref<256x128xf32, #tpu.memory_space<vmem>>, vector<16xf32>,
      %mul3A_239 = arith.mulf %get3A_235, %get3A_238 : vector<16xf32>
      %get3A_240 = arith.index_cast %add3A_232 : i32 to index
      %get3A_241 = arith.constant 16 : index
      %get3A_242 = tpu.vector_load %arg12[%get3A_240, %get3A_241] {strides = array<i32>} : memref<256x128xf32, #tpu.memory_space<vmem>>, vector<16xf32>,
      %get3A_243 = arith.index_cast %add3A_232 : i32 to index
      %get3A_244 = arith.constant 16 : index
      %get3A_245 = tpu.vector_load %arg13[%get3A_243, %get3A_244] {strides = array<i32>} : memref<256x128xf32, #tpu.memory_space<vmem>>, vector<16xf32>,
      %mul3A_246 = arith.mulf %get3A_242, %get3A_245 : vector<16xf32>
      %add3A_247 = arith.addf %mul3A_239, %mul3A_246 : vector<16xf32>
      %get3A_248 = arith.index_cast %add3A_232 : i32 to index
      %get3A_249 = arith.constant 32 : index
      %get3A_250 = tpu.vector_load %arg12[%get3A_248, %get3A_249] {strides = array<i32>} : memref<256x128xf32, #tpu.memory_space<vmem>>, vector<16xf32>,
      %get3A_251 = arith.index_cast %add3A_232 : i32 to index
      %get3A_252 = arith.constant 32 : index
      %get3A_253 = tpu.vector_load %arg13[%get3A_251, %get3A_252] {strides = array<i32>} : memref<256x128xf32, #tpu.memory_space<vmem>>, vector<16xf32>,
      %mul3A_254 = arith.mulf %get3A_250, %get3A_253 : vector<16xf32>
      %add3A_255 = arith.addf %add3A_247, %mul3A_254 : vector<16xf32>
      %get3A_256 = arith.index_cast %add3A_232 : i32 to index
      %get3A_257 = arith.constant 48 : index
      %get3A_258 = tpu.vector_load %arg12[%get3A_256, %get3A_257] {strides = array<i32>} : memref<256x128xf32, #tpu.memory_space<vmem>>, vector<16xf32>,
      %get3A_259 = arith.index_cast %add3A_232 : i32 to index
      %get3A_260 = arith.constant 48 : index
      %get3A_261 = tpu.vector_load %arg13[%get3A_259, %get3A_260] {strides = array<i32>} : memref<256x128xf32, #tpu.memory_space<vmem>>, vector<16xf32>,
      %mul3A_262 = arith.mulf %get3A_258, %get3A_261 : vector<16xf32>
      %add3A_263 = arith.addf %add3A_255, %mul3A_262 : vector<16xf32>
      %reduce_sum3A_264 = arith.constant true
      %reduce_sum3A_265 = vector.broadcast %reduce_sum3A_264 : i1 to vector<16xi1>
      %reduce_sum3A_266 = tpu.scan <sum>, %add3A_263 masked %reduce_sum3A_265 : vector<16xf32>, vector<16xi1> -> vector<16xf32>
      %reduce_sum3A_267 = vector.extract %reduce_sum3A_266[15] : f32 from vector<16xf32>
      %mul3A_268 = vector.broadcast %reduce_sum3A_267 : f32 to vector<16xf32>
      %mul3A_269 = arith.mulf %mul3A_268, %convert_element_type3A_22 : vector<16xf32>
      %add3A_270 = arith.addf %add3A_230, %mul3A_269 : vector<16xf32>
      %add3A_271 = arith.constant 3 : i32
      %add3A_272 = arith.addi %add3A_141, %add3A_271 : i32
      %get3A_273 = arith.index_cast %add3A_272 : i32 to index
      %get3A_274 = arith.constant 0 : index
      %get3A_275 = tpu.vector_load %arg12[%get3A_273, %get3A_274] {strides = array<i32>} : memref<256x128xf32, #tpu.memory_space<vmem>>, vector<16xf32>,
      %get3A_276 = arith.index_cast %add3A_272 : i32 to index
      %get3A_277 = arith.constant 0 : index
      %get3A_278 = tpu.vector_load %arg13[%get3A_276, %get3A_277] {strides = array<i32>} : memref<256x128xf32, #tpu.memory_space<vmem>>, vector<16xf32>,
      %mul3A_279 = arith.mulf %get3A_275, %get3A_278 : vector<16xf32>
      %get3A_280 = arith.index_cast %add3A_272 : i32 to index
      %get3A_281 = arith.constant 16 : index
      %get3A_282 = tpu.vector_load %arg12[%get3A_280, %get3A_281] {strides = array<i32>} : memref<256x128xf32, #tpu.memory_space<vmem>>, vector<16xf32>,
      %get3A_283 = arith.index_cast %add3A_272 : i32 to index
      %get3A_284 = arith.constant 16 : index
      %get3A_285 = tpu.vector_load %arg13[%get3A_283, %get3A_284] {strides = array<i32>} : memref<256x128xf32, #tpu.memory_space<vmem>>, vector<16xf32>,
      %mul3A_286 = arith.mulf %get3A_282, %get3A_285 : vector<16xf32>
      %add3A_287 = arith.addf %mul3A_279, %mul3A_286 : vector<16xf32>
      %get3A_288 = arith.index_cast %add3A_272 : i32 to index
      %get3A_289 = arith.constant 32 : index
      %get3A_290 = tpu.vector_load %arg12[%get3A_288, %get3A_289] {strides = array<i32>} : memref<256x128xf32, #tpu.memory_space<vmem>>, vector<16xf32>,
      %get3A_291 = arith.index_cast %add3A_272 : i32 to index
      %get3A_292 = arith.constant 32 : index
      %get3A_293 = tpu.vector_load %arg13[%get3A_291, %get3A_292] {strides = array<i32>} : memref<256x128xf32, #tpu.memory_space<vmem>>, vector<16xf32>,
      %mul3A_294 = arith.mulf %get3A_290, %get3A_293 : vector<16xf32>
      %add3A_295 = arith.addf %add3A_287, %mul3A_294 : vector<16xf32>
      %get3A_296 = arith.index_cast %add3A_272 : i32 to index
      %get3A_297 = arith.constant 48 : index
      %get3A_298 = tpu.vector_load %arg12[%get3A_296, %get3A_297] {strides = array<i32>} : memref<256x128xf32, #tpu.memory_space<vmem>>, vector<16xf32>,
      %get3A_299 = arith.index_cast %add3A_272 : i32 to index
      %get3A_300 = arith.constant 48 : index
      %get3A_301 = tpu.vector_load %arg13[%get3A_299, %get3A_300] {strides = array<i32>} : memref<256x128xf32, #tpu.memory_space<vmem>>, vector<16xf32>,
      %mul3A_302 = arith.mulf %get3A_298, %get3A_301 : vector<16xf32>
      %add3A_303 = arith.addf %add3A_295, %mul3A_302 : vector<16xf32>
      %reduce_sum3A_304 = arith.constant true
      %reduce_sum3A_305 = vector.broadcast %reduce_sum3A_304 : i1 to vector<16xi1>
      %reduce_sum3A_306 = tpu.scan <sum>, %add3A_303 masked %reduce_sum3A_305 : vector<16xf32>, vector<16xi1> -> vector<16xf32>
      %reduce_sum3A_307 = vector.extract %reduce_sum3A_306[15] : f32 from vector<16xf32>
      %mul3A_308 = vector.broadcast %reduce_sum3A_307 : f32 to vector<16xf32>
      %mul3A_309 = arith.mulf %mul3A_308, %convert_element_type3A_27 : vector<16xf32>
      %add3A_310 = arith.addf %add3A_270, %mul3A_309 : vector<16xf32>
      %add3A_311 = arith.constant 4 : i32
      %add3A_312 = arith.addi %add3A_141, %add3A_311 : i32
      %get3A_313 = arith.index_cast %add3A_312 : i32 to index
      %get3A_314 = arith.constant 0 : index
      %get3A_315 = tpu.vector_load %arg12[%get3A_313, %get3A_314] {strides = array<i32>} : memref<256x128xf32, #tpu.memory_space<vmem>>, vector<16xf32>,
      %get3A_316 = arith.index_cast %add3A_312 : i32 to index
      %get3A_317 = arith.constant 0 : index
      %get3A_318 = tpu.vector_load %arg13[%get3A_316, %get3A_317] {strides = array<i32>} : memref<256x128xf32, #tpu.memory_space<vmem>>, vector<16xf32>,
      %mul3A_319 = arith.mulf %get3A_315, %get3A_318 : vector<16xf32>
      %get3A_320 = arith.index_cast %add3A_312 : i32 to index
      %get3A_321 = arith.constant 16 : index
      %get3A_322 = tpu.vector_load %arg12[%get3A_320, %get3A_321] {strides = array<i32>} : memref<256x128xf32, #tpu.memory_space<vmem>>, vector<16xf32>,
      %get3A_323 = arith.index_cast %add3A_312 : i32 to index
      %get3A_324 = arith.constant 16 : index
      %get3A_325 = tpu.vector_load %arg13[%get3A_323, %get3A_324] {strides = array<i32>} : memref<256x128xf32, #tpu.memory_space<vmem>>, vector<16xf32>,
      %mul3A_326 = arith.mulf %get3A_322, %get3A_325 : vector<16xf32>
      %add3A_327 = arith.addf %mul3A_319, %mul3A_326 : vector<16xf32>
      %get3A_328 = arith.index_cast %add3A_312 : i32 to index
      %get3A_329 = arith.constant 32 : index
      %get3A_330 = tpu.vector_load %arg12[%get3A_328, %get3A_329] {strides = array<i32>} : memref<256x128xf32, #tpu.memory_space<vmem>>, vector<16xf32>,
      %get3A_331 = arith.index_cast %add3A_312 : i32 to index
      %get3A_332 = arith.constant 32 : index
      %get3A_333 = tpu.vector_load %arg13[%get3A_331, %get3A_332] {strides = array<i32>} : memref<256x128xf32, #tpu.memory_space<vmem>>, vector<16xf32>,
      %mul3A_334 = arith.mulf %get3A_330, %get3A_333 : vector<16xf32>
      %add3A_335 = arith.addf %add3A_327, %mul3A_334 : vector<16xf32>
      %get3A_336 = arith.index_cast %add3A_312 : i32 to index
      %get3A_337 = arith.constant 48 : index
      %get3A_338 = tpu.vector_load %arg12[%get3A_336, %get3A_337] {strides = array<i32>} : memref<256x128xf32, #tpu.memory_space<vmem>>, vector<16xf32>,
      %get3A_339 = arith.index_cast %add3A_312 : i32 to index
      %get3A_340 = arith.constant 48 : index
      %get3A_341 = tpu.vector_load %arg13[%get3A_339, %get3A_340] {strides = array<i32>} : memref<256x128xf32, #tpu.memory_space<vmem>>, vector<16xf32>,
      %mul3A_342 = arith.mulf %get3A_338, %get3A_341 : vector<16xf32>
      %add3A_343 = arith.addf %add3A_335, %mul3A_342 : vector<16xf32>
      %reduce_sum3A_344 = arith.constant true
      %reduce_sum3A_345 = vector.broadcast %reduce_sum3A_344 : i1 to vector<16xi1>
      %reduce_sum3A_346 = tpu.scan <sum>, %add3A_343 masked %reduce_sum3A_345 : vector<16xf32>, vector<16xi1> -> vector<16xf32>
      %reduce_sum3A_347 = vector.extract %reduce_sum3A_346[15] : f32 from vector<16xf32>
      %mul3A_348 = vector.broadcast %reduce_sum3A_347 : f32 to vector<16xf32>
      %mul3A_349 = arith.mulf %mul3A_348, %convert_element_type3A_32 : vector<16xf32>
      %add3A_350 = arith.addf %add3A_310, %mul3A_349 : vector<16xf32>
      %add3A_351 = arith.constant 5 : i32
      %add3A_352 = arith.addi %add3A_141, %add3A_351 : i32
      %get3A_353 = arith.index_cast %add3A_352 : i32 to index
      %get3A_354 = arith.constant 0 : index
      %get3A_355 = tpu.vector_load %arg12[%get3A_353, %get3A_354] {strides = array<i32>} : memref<256x128xf32, #tpu.memory_space<vmem>>, vector<16xf32>,
      %get3A_356 = arith.index_cast %add3A_352 : i32 to index
      %get3A_357 = arith.constant 0 : index
      %get3A_358 = tpu.vector_load %arg13[%get3A_356, %get3A_357] {strides = array<i32>} : memref<256x128xf32, #tpu.memory_space<vmem>>, vector<16xf32>,
      %mul3A_359 = arith.mulf %get3A_355, %get3A_358 : vector<16xf32>
      %get3A_360 = arith.index_cast %add3A_352 : i32 to index
      %get3A_361 = arith.constant 16 : index
      %get3A_362 = tpu.vector_load %arg12[%get3A_360, %get3A_361] {strides = array<i32>} : memref<256x128xf32, #tpu.memory_space<vmem>>, vector<16xf32>,
      %get3A_363 = arith.index_cast %add3A_352 : i32 to index
      %get3A_364 = arith.constant 16 : index
      %get3A_365 = tpu.vector_load %arg13[%get3A_363, %get3A_364] {strides = array<i32>} : memref<256x128xf32, #tpu.memory_space<vmem>>, vector<16xf32>,
      %mul3A_366 = arith.mulf %get3A_362, %get3A_365 : vector<16xf32>
      %add3A_367 = arith.addf %mul3A_359, %mul3A_366 : vector<16xf32>
      %get3A_368 = arith.index_cast %add3A_352 : i32 to index
      %get3A_369 = arith.constant 32 : index
      %get3A_370 = tpu.vector_load %arg12[%get3A_368, %get3A_369] {strides = array<i32>} : memref<256x128xf32, #tpu.memory_space<vmem>>, vector<16xf32>,
      %get3A_371 = arith.index_cast %add3A_352 : i32 to index
      %get3A_372 = arith.constant 32 : index
      %get3A_373 = tpu.vector_load %arg13[%get3A_371, %get3A_372] {strides = array<i32>} : memref<256x128xf32, #tpu.memory_space<vmem>>, vector<16xf32>,
      %mul3A_374 = arith.mulf %get3A_370, %get3A_373 : vector<16xf32>
      %add3A_375 = arith.addf %add3A_367, %mul3A_374 : vector<16xf32>
      %get3A_376 = arith.index_cast %add3A_352 : i32 to index
      %get3A_377 = arith.constant 48 : index
      %get3A_378 = tpu.vector_load %arg12[%get3A_376, %get3A_377] {strides = array<i32>} : memref<256x128xf32, #tpu.memory_space<vmem>>, vector<16xf32>,
      %get3A_379 = arith.index_cast %add3A_352 : i32 to index
      %get3A_380 = arith.constant 48 : index
      %get3A_381 = tpu.vector_load %arg13[%get3A_379, %get3A_380] {strides = array<i32>} : memref<256x128xf32, #tpu.memory_space<vmem>>, vector<16xf32>,
      %mul3A_382 = arith.mulf %get3A_378, %get3A_381 : vector<16xf32>
      %add3A_383 = arith.addf %add3A_375, %mul3A_382 : vector<16xf32>
      %reduce_sum3A_384 = arith.constant true
      %reduce_sum3A_385 = vector.broadcast %reduce_sum3A_384 : i1 to vector<16xi1>
      %reduce_sum3A_386 = tpu.scan <sum>, %add3A_383 masked %reduce_sum3A_385 : vector<16xf32>, vector<16xi1> -> vector<16xf32>
      %reduce_sum3A_387 = vector.extract %reduce_sum3A_386[15] : f32 from vector<16xf32>
      %mul3A_388 = vector.broadcast %reduce_sum3A_387 : f32 to vector<16xf32>
      %mul3A_389 = arith.mulf %mul3A_388, %convert_element_type3A_37 : vector<16xf32>
      %add3A_390 = arith.addf %add3A_350, %mul3A_389 : vector<16xf32>
      %add3A_391 = arith.constant 6 : i32
      %add3A_392 = arith.addi %add3A_141, %add3A_391 : i32
      %get3A_393 = arith.index_cast %add3A_392 : i32 to index
      %get3A_394 = arith.constant 0 : index
      %get3A_395 = tpu.vector_load %arg12[%get3A_393, %get3A_394] {strides = array<i32>} : memref<256x128xf32, #tpu.memory_space<vmem>>, vector<16xf32>,
      %get3A_396 = arith.index_cast %add3A_392 : i32 to index
      %get3A_397 = arith.constant 0 : index
      %get3A_398 = tpu.vector_load %arg13[%get3A_396, %get3A_397] {strides = array<i32>} : memref<256x128xf32, #tpu.memory_space<vmem>>, vector<16xf32>,
      %mul3A_399 = arith.mulf %get3A_395, %get3A_398 : vector<16xf32>
      %get3A_400 = arith.index_cast %add3A_392 : i32 to index
      %get3A_401 = arith.constant 16 : index
      %get3A_402 = tpu.vector_load %arg12[%get3A_400, %get3A_401] {strides = array<i32>} : memref<256x128xf32, #tpu.memory_space<vmem>>, vector<16xf32>,
      %get3A_403 = arith.index_cast %add3A_392 : i32 to index
      %get3A_404 = arith.constant 16 : index
      %get3A_405 = tpu.vector_load %arg13[%get3A_403, %get3A_404] {strides = array<i32>} : memref<256x128xf32, #tpu.memory_space<vmem>>, vector<16xf32>,
      %mul3A_406 = arith.mulf %get3A_402, %get3A_405 : vector<16xf32>
      %add3A_407 = arith.addf %mul3A_399, %mul3A_406 : vector<16xf32>
      %get3A_408 = arith.index_cast %add3A_392 : i32 to index
      %get3A_409 = arith.constant 32 : index
      %get3A_410 = tpu.vector_load %arg12[%get3A_408, %get3A_409] {strides = array<i32>} : memref<256x128xf32, #tpu.memory_space<vmem>>, vector<16xf32>,
      %get3A_411 = arith.index_cast %add3A_392 : i32 to index
      %get3A_412 = arith.constant 32 : index
      %get3A_413 = tpu.vector_load %arg13[%get3A_411, %get3A_412] {strides = array<i32>} : memref<256x128xf32, #tpu.memory_space<vmem>>, vector<16xf32>,
      %mul3A_414 = arith.mulf %get3A_410, %get3A_413 : vector<16xf32>
      %add3A_415 = arith.addf %add3A_407, %mul3A_414 : vector<16xf32>
      %get3A_416 = arith.index_cast %add3A_392 : i32 to index
      %get3A_417 = arith.constant 48 : index
      %get3A_418 = tpu.vector_load %arg12[%get3A_416, %get3A_417] {strides = array<i32>} : memref<256x128xf32, #tpu.memory_space<vmem>>, vector<16xf32>,
      %get3A_419 = arith.index_cast %add3A_392 : i32 to index
      %get3A_420 = arith.constant 48 : index
      %get3A_421 = tpu.vector_load %arg13[%get3A_419, %get3A_420] {strides = array<i32>} : memref<256x128xf32, #tpu.memory_space<vmem>>, vector<16xf32>,
      %mul3A_422 = arith.mulf %get3A_418, %get3A_421 : vector<16xf32>
      %add3A_423 = arith.addf %add3A_415, %mul3A_422 : vector<16xf32>
      %reduce_sum3A_424 = arith.constant true
      %reduce_sum3A_425 = vector.broadcast %reduce_sum3A_424 : i1 to vector<16xi1>
      %reduce_sum3A_426 = tpu.scan <sum>, %add3A_423 masked %reduce_sum3A_425 : vector<16xf32>, vector<16xi1> -> vector<16xf32>
      %reduce_sum3A_427 = vector.extract %reduce_sum3A_426[15] : f32 from vector<16xf32>
      %mul3A_428 = vector.broadcast %reduce_sum3A_427 : f32 to vector<16xf32>
      %mul3A_429 = arith.mulf %mul3A_428, %convert_element_type3A_42 : vector<16xf32>
      %add3A_430 = arith.addf %add3A_390, %mul3A_429 : vector<16xf32>
      %add3A_431 = arith.constant 7 : i32
      %add3A_432 = arith.addi %add3A_141, %add3A_431 : i32
      %get3A_433 = arith.index_cast %add3A_432 : i32 to index
      %get3A_434 = arith.constant 0 : index
      %get3A_435 = tpu.vector_load %arg12[%get3A_433, %get3A_434] {strides = array<i32>} : memref<256x128xf32, #tpu.memory_space<vmem>>, vector<16xf32>,
      %get3A_436 = arith.index_cast %add3A_432 : i32 to index
      %get3A_437 = arith.constant 0 : index
      %get3A_438 = tpu.vector_load %arg13[%get3A_436, %get3A_437] {strides = array<i32>} : memref<256x128xf32, #tpu.memory_space<vmem>>, vector<16xf32>,
      %mul3A_439 = arith.mulf %get3A_435, %get3A_438 : vector<16xf32>
      %get3A_440 = arith.index_cast %add3A_432 : i32 to index
      %get3A_441 = arith.constant 16 : index
      %get3A_442 = tpu.vector_load %arg12[%get3A_440, %get3A_441] {strides = array<i32>} : memref<256x128xf32, #tpu.memory_space<vmem>>, vector<16xf32>,
      %get3A_443 = arith.index_cast %add3A_432 : i32 to index
      %get3A_444 = arith.constant 16 : index
      %get3A_445 = tpu.vector_load %arg13[%get3A_443, %get3A_444] {strides = array<i32>} : memref<256x128xf32, #tpu.memory_space<vmem>>, vector<16xf32>,
      %mul3A_446 = arith.mulf %get3A_442, %get3A_445 : vector<16xf32>
      %add3A_447 = arith.addf %mul3A_439, %mul3A_446 : vector<16xf32>
      %get3A_448 = arith.index_cast %add3A_432 : i32 to index
      %get3A_449 = arith.constant 32 : index
      %get3A_450 = tpu.vector_load %arg12[%get3A_448, %get3A_449] {strides = array<i32>} : memref<256x128xf32, #tpu.memory_space<vmem>>, vector<16xf32>,
      %get3A_451 = arith.index_cast %add3A_432 : i32 to index
      %get3A_452 = arith.constant 32 : index
      %get3A_453 = tpu.vector_load %arg13[%get3A_451, %get3A_452] {strides = array<i32>} : memref<256x128xf32, #tpu.memory_space<vmem>>, vector<16xf32>,
      %mul3A_454 = arith.mulf %get3A_450, %get3A_453 : vector<16xf32>
      %add3A_455 = arith.addf %add3A_447, %mul3A_454 : vector<16xf32>
      %get3A_456 = arith.index_cast %add3A_432 : i32 to index
      %get3A_457 = arith.constant 48 : index
      %get3A_458 = tpu.vector_load %arg12[%get3A_456, %get3A_457] {strides = array<i32>} : memref<256x128xf32, #tpu.memory_space<vmem>>, vector<16xf32>,
      %get3A_459 = arith.index_cast %add3A_432 : i32 to index
      %get3A_460 = arith.constant 48 : index
      %get3A_461 = tpu.vector_load %arg13[%get3A_459, %get3A_460] {strides = array<i32>} : memref<256x128xf32, #tpu.memory_space<vmem>>, vector<16xf32>,
      %mul3A_462 = arith.mulf %get3A_458, %get3A_461 : vector<16xf32>
      %add3A_463 = arith.addf %add3A_455, %mul3A_462 : vector<16xf32>
      %reduce_sum3A_464 = arith.constant true
      %reduce_sum3A_465 = vector.broadcast %reduce_sum3A_464 : i1 to vector<16xi1>
      %reduce_sum3A_466 = tpu.scan <sum>, %add3A_463 masked %reduce_sum3A_465 : vector<16xf32>, vector<16xi1> -> vector<16xf32>
      %reduce_sum3A_467 = vector.extract %reduce_sum3A_466[15] : f32 from vector<16xf32>
      %mul3A_468 = vector.broadcast %reduce_sum3A_467 : f32 to vector<16xf32>
      %mul3A_469 = arith.mulf %mul3A_468, %convert_element_type3A_47 : vector<16xf32>
      %add3A_470 = arith.addf %add3A_430, %mul3A_469 : vector<16xf32>
      %add3A_471 = arith.constant 8 : i32
      %add3A_472 = arith.addi %add3A_141, %add3A_471 : i32
      %get3A_473 = arith.index_cast %add3A_472 : i32 to index
      %get3A_474 = arith.constant 0 : index
      %get3A_475 = tpu.vector_load %arg12[%get3A_473, %get3A_474] {strides = array<i32>} : memref<256x128xf32, #tpu.memory_space<vmem>>, vector<16xf32>,
      %get3A_476 = arith.index_cast %add3A_472 : i32 to index
      %get3A_477 = arith.constant 0 : index
      %get3A_478 = tpu.vector_load %arg13[%get3A_476, %get3A_477] {strides = array<i32>} : memref<256x128xf32, #tpu.memory_space<vmem>>, vector<16xf32>,
      %mul3A_479 = arith.mulf %get3A_475, %get3A_478 : vector<16xf32>
      %get3A_480 = arith.index_cast %add3A_472 : i32 to index
      %get3A_481 = arith.constant 16 : index
      %get3A_482 = tpu.vector_load %arg12[%get3A_480, %get3A_481] {strides = array<i32>} : memref<256x128xf32, #tpu.memory_space<vmem>>, vector<16xf32>,
      %get3A_483 = arith.index_cast %add3A_472 : i32 to index
      %get3A_484 = arith.constant 16 : index
      %get3A_485 = tpu.vector_load %arg13[%get3A_483, %get3A_484] {strides = array<i32>} : memref<256x128xf32, #tpu.memory_space<vmem>>, vector<16xf32>,
      %mul3A_486 = arith.mulf %get3A_482, %get3A_485 : vector<16xf32>
      %add3A_487 = arith.addf %mul3A_479, %mul3A_486 : vector<16xf32>
      %get3A_488 = arith.index_cast %add3A_472 : i32 to index
      %get3A_489 = arith.constant 32 : index
      %get3A_490 = tpu.vector_load %arg12[%get3A_488, %get3A_489] {strides = array<i32>} : memref<256x128xf32, #tpu.memory_space<vmem>>, vector<16xf32>,
      %get3A_491 = arith.index_cast %add3A_472 : i32 to index
      %get3A_492 = arith.constant 32 : index
      %get3A_493 = tpu.vector_load %arg13[%get3A_491, %get3A_492] {strides = array<i32>} : memref<256x128xf32, #tpu.memory_space<vmem>>, vector<16xf32>,
      %mul3A_494 = arith.mulf %get3A_490, %get3A_493 : vector<16xf32>
      %add3A_495 = arith.addf %add3A_487, %mul3A_494 : vector<16xf32>
      %get3A_496 = arith.index_cast %add3A_472 : i32 to index
      %get3A_497 = arith.constant 48 : index
      %get3A_498 = tpu.vector_load %arg12[%get3A_496, %get3A_497] {strides = array<i32>} : memref<256x128xf32, #tpu.memory_space<vmem>>, vector<16xf32>,
      %get3A_499 = arith.index_cast %add3A_472 : i32 to index
      %get3A_500 = arith.constant 48 : index
      %get3A_501 = tpu.vector_load %arg13[%get3A_499, %get3A_500] {strides = array<i32>} : memref<256x128xf32, #tpu.memory_space<vmem>>, vector<16xf32>,
      %mul3A_502 = arith.mulf %get3A_498, %get3A_501 : vector<16xf32>
      %add3A_503 = arith.addf %add3A_495, %mul3A_502 : vector<16xf32>
      %reduce_sum3A_504 = arith.constant true
      %reduce_sum3A_505 = vector.broadcast %reduce_sum3A_504 : i1 to vector<16xi1>
      %reduce_sum3A_506 = tpu.scan <sum>, %add3A_503 masked %reduce_sum3A_505 : vector<16xf32>, vector<16xi1> -> vector<16xf32>
      %reduce_sum3A_507 = vector.extract %reduce_sum3A_506[15] : f32 from vector<16xf32>
      %mul3A_508 = vector.broadcast %reduce_sum3A_507 : f32 to vector<16xf32>
      %mul3A_509 = arith.mulf %mul3A_508, %convert_element_type3A_52 : vector<16xf32>
      %add3A_510 = arith.addf %add3A_470, %mul3A_509 : vector<16xf32>
      %add3A_511 = arith.constant 9 : i32
      %add3A_512 = arith.addi %add3A_141, %add3A_511 : i32
      %get3A_513 = arith.index_cast %add3A_512 : i32 to index
      %get3A_514 = arith.constant 0 : index
      %get3A_515 = tpu.vector_load %arg12[%get3A_513, %get3A_514] {strides = array<i32>} : memref<256x128xf32, #tpu.memory_space<vmem>>, vector<16xf32>,
      %get3A_516 = arith.index_cast %add3A_512 : i32 to index
      %get3A_517 = arith.constant 0 : index
      %get3A_518 = tpu.vector_load %arg13[%get3A_516, %get3A_517] {strides = array<i32>} : memref<256x128xf32, #tpu.memory_space<vmem>>, vector<16xf32>,
      %mul3A_519 = arith.mulf %get3A_515, %get3A_518 : vector<16xf32>
      %get3A_520 = arith.index_cast %add3A_512 : i32 to index
      %get3A_521 = arith.constant 16 : index
      %get3A_522 = tpu.vector_load %arg12[%get3A_520, %get3A_521] {strides = array<i32>} : memref<256x128xf32, #tpu.memory_space<vmem>>, vector<16xf32>,
      %get3A_523 = arith.index_cast %add3A_512 : i32 to index
      %get3A_524 = arith.constant 16 : index
      %get3A_525 = tpu.vector_load %arg13[%get3A_523, %get3A_524] {strides = array<i32>} : memref<256x128xf32, #tpu.memory_space<vmem>>, vector<16xf32>,
      %mul3A_526 = arith.mulf %get3A_522, %get3A_525 : vector<16xf32>
      %add3A_527 = arith.addf %mul3A_519, %mul3A_526 : vector<16xf32>
      %get3A_528 = arith.index_cast %add3A_512 : i32 to index
      %get3A_529 = arith.constant 32 : index
      %get3A_530 = tpu.vector_load %arg12[%get3A_528, %get3A_529] {strides = array<i32>} : memref<256x128xf32, #tpu.memory_space<vmem>>, vector<16xf32>,
      %get3A_531 = arith.index_cast %add3A_512 : i32 to index
      %get3A_532 = arith.constant 32 : index
      %get3A_533 = tpu.vector_load %arg13[%get3A_531, %get3A_532] {strides = array<i32>} : memref<256x128xf32, #tpu.memory_space<vmem>>, vector<16xf32>,
      %mul3A_534 = arith.mulf %get3A_530, %get3A_533 : vector<16xf32>
      %add3A_535 = arith.addf %add3A_527, %mul3A_534 : vector<16xf32>
      %get3A_536 = arith.index_cast %add3A_512 : i32 to index
      %get3A_537 = arith.constant 48 : index
      %get3A_538 = tpu.vector_load %arg12[%get3A_536, %get3A_537] {strides = array<i32>} : memref<256x128xf32, #tpu.memory_space<vmem>>, vector<16xf32>,
      %get3A_539 = arith.index_cast %add3A_512 : i32 to index
      %get3A_540 = arith.constant 48 : index
      %get3A_541 = tpu.vector_load %arg13[%get3A_539, %get3A_540] {strides = array<i32>} : memref<256x128xf32, #tpu.memory_space<vmem>>, vector<16xf32>,
      %mul3A_542 = arith.mulf %get3A_538, %get3A_541 : vector<16xf32>
      %add3A_543 = arith.addf %add3A_535, %mul3A_542 : vector<16xf32>
      %reduce_sum3A_544 = arith.constant true
      %reduce_sum3A_545 = vector.broadcast %reduce_sum3A_544 : i1 to vector<16xi1>
      %reduce_sum3A_546 = tpu.scan <sum>, %add3A_543 masked %reduce_sum3A_545 : vector<16xf32>, vector<16xi1> -> vector<16xf32>
      %reduce_sum3A_547 = vector.extract %reduce_sum3A_546[15] : f32 from vector<16xf32>
      %mul3A_548 = vector.broadcast %reduce_sum3A_547 : f32 to vector<16xf32>
      %mul3A_549 = arith.mulf %mul3A_548, %convert_element_type3A_57 : vector<16xf32>
      %add3A_550 = arith.addf %add3A_510, %mul3A_549 : vector<16xf32>
      %add3A_551 = arith.constant 10 : i32
      %add3A_552 = arith.addi %add3A_141, %add3A_551 : i32
      %get3A_553 = arith.index_cast %add3A_552 : i32 to index
      %get3A_554 = arith.constant 0 : index
      %get3A_555 = tpu.vector_load %arg12[%get3A_553, %get3A_554] {strides = array<i32>} : memref<256x128xf32, #tpu.memory_space<vmem>>, vector<16xf32>,
      %get3A_556 = arith.index_cast %add3A_552 : i32 to index
      %get3A_557 = arith.constant 0 : index
      %get3A_558 = tpu.vector_load %arg13[%get3A_556, %get3A_557] {strides = array<i32>} : memref<256x128xf32, #tpu.memory_space<vmem>>, vector<16xf32>,
      %mul3A_559 = arith.mulf %get3A_555, %get3A_558 : vector<16xf32>
      %get3A_560 = arith.index_cast %add3A_552 : i32 to index
      %get3A_561 = arith.constant 16 : index
      %get3A_562 = tpu.vector_load %arg12[%get3A_560, %get3A_561] {strides = array<i32>} : memref<256x128xf32, #tpu.memory_space<vmem>>, vector<16xf32>,
      %get3A_563 = arith.index_cast %add3A_552 : i32 to index
      %get3A_564 = arith.constant 16 : index
      %get3A_565 = tpu.vector_load %arg13[%get3A_563, %get3A_564] {strides = array<i32>} : memref<256x128xf32, #tpu.memory_space<vmem>>, vector<16xf32>,
      %mul3A_566 = arith.mulf %get3A_562, %get3A_565 : vector<16xf32>
      %add3A_567 = arith.addf %mul3A_559, %mul3A_566 : vector<16xf32>
      %get3A_568 = arith.index_cast %add3A_552 : i32 to index
      %get3A_569 = arith.constant 32 : index
      %get3A_570 = tpu.vector_load %arg12[%get3A_568, %get3A_569] {strides = array<i32>} : memref<256x128xf32, #tpu.memory_space<vmem>>, vector<16xf32>,
      %get3A_571 = arith.index_cast %add3A_552 : i32 to index
      %get3A_572 = arith.constant 32 : index
      %get3A_573 = tpu.vector_load %arg13[%get3A_571, %get3A_572] {strides = array<i32>} : memref<256x128xf32, #tpu.memory_space<vmem>>, vector<16xf32>,
      %mul3A_574 = arith.mulf %get3A_570, %get3A_573 : vector<16xf32>
      %add3A_575 = arith.addf %add3A_567, %mul3A_574 : vector<16xf32>
      %get3A_576 = arith.index_cast %add3A_552 : i32 to index
      %get3A_577 = arith.constant 48 : index
      %get3A_578 = tpu.vector_load %arg12[%get3A_576, %get3A_577] {strides = array<i32>} : memref<256x128xf32, #tpu.memory_space<vmem>>, vector<16xf32>,
      %get3A_579 = arith.index_cast %add3A_552 : i32 to index
      %get3A_580 = arith.constant 48 : index
      %get3A_581 = tpu.vector_load %arg13[%get3A_579, %get3A_580] {strides = array<i32>} : memref<256x128xf32, #tpu.memory_space<vmem>>, vector<16xf32>,
      %mul3A_582 = arith.mulf %get3A_578, %get3A_581 : vector<16xf32>
      %add3A_583 = arith.addf %add3A_575, %mul3A_582 : vector<16xf32>
      %reduce_sum3A_584 = arith.constant true
      %reduce_sum3A_585 = vector.broadcast %reduce_sum3A_584 : i1 to vector<16xi1>
      %reduce_sum3A_586 = tpu.scan <sum>, %add3A_583 masked %reduce_sum3A_585 : vector<16xf32>, vector<16xi1> -> vector<16xf32>
      %reduce_sum3A_587 = vector.extract %reduce_sum3A_586[15] : f32 from vector<16xf32>
      %mul3A_588 = vector.broadcast %reduce_sum3A_587 : f32 to vector<16xf32>
      %mul3A_589 = arith.mulf %mul3A_588, %convert_element_type3A_62 : vector<16xf32>
      %add3A_590 = arith.addf %add3A_550, %mul3A_589 : vector<16xf32>
      %add3A_591 = arith.constant 11 : i32
      %add3A_592 = arith.addi %add3A_141, %add3A_591 : i32
      %get3A_593 = arith.index_cast %add3A_592 : i32 to index
      %get3A_594 = arith.constant 0 : index
      %get3A_595 = tpu.vector_load %arg12[%get3A_593, %get3A_594] {strides = array<i32>} : memref<256x128xf32, #tpu.memory_space<vmem>>, vector<16xf32>,
      %get3A_596 = arith.index_cast %add3A_592 : i32 to index
      %get3A_597 = arith.constant 0 : index
      %get3A_598 = tpu.vector_load %arg13[%get3A_596, %get3A_597] {strides = array<i32>} : memref<256x128xf32, #tpu.memory_space<vmem>>, vector<16xf32>,
      %mul3A_599 = arith.mulf %get3A_595, %get3A_598 : vector<16xf32>
      %get3A_600 = arith.index_cast %add3A_592 : i32 to index
      %get3A_601 = arith.constant 16 : index
      %get3A_602 = tpu.vector_load %arg12[%get3A_600, %get3A_601] {strides = array<i32>} : memref<256x128xf32, #tpu.memory_space<vmem>>, vector<16xf32>,
      %get3A_603 = arith.index_cast %add3A_592 : i32 to index
      %get3A_604 = arith.constant 16 : index
      %get3A_605 = tpu.vector_load %arg13[%get3A_603, %get3A_604] {strides = array<i32>} : memref<256x128xf32, #tpu.memory_space<vmem>>, vector<16xf32>,
      %mul3A_606 = arith.mulf %get3A_602, %get3A_605 : vector<16xf32>
      %add3A_607 = arith.addf %mul3A_599, %mul3A_606 : vector<16xf32>
      %get3A_608 = arith.index_cast %add3A_592 : i32 to index
      %get3A_609 = arith.constant 32 : index
      %get3A_610 = tpu.vector_load %arg12[%get3A_608, %get3A_609] {strides = array<i32>} : memref<256x128xf32, #tpu.memory_space<vmem>>, vector<16xf32>,
      %get3A_611 = arith.index_cast %add3A_592 : i32 to index
      %get3A_612 = arith.constant 32 : index
      %get3A_613 = tpu.vector_load %arg13[%get3A_611, %get3A_612] {strides = array<i32>} : memref<256x128xf32, #tpu.memory_space<vmem>>, vector<16xf32>,
      %mul3A_614 = arith.mulf %get3A_610, %get3A_613 : vector<16xf32>
      %add3A_615 = arith.addf %add3A_607, %mul3A_614 : vector<16xf32>
      %get3A_616 = arith.index_cast %add3A_592 : i32 to index
      %get3A_617 = arith.constant 48 : index
      %get3A_618 = tpu.vector_load %arg12[%get3A_616, %get3A_617] {strides = array<i32>} : memref<256x128xf32, #tpu.memory_space<vmem>>, vector<16xf32>,
      %get3A_619 = arith.index_cast %add3A_592 : i32 to index
      %get3A_620 = arith.constant 48 : index
      %get3A_621 = tpu.vector_load %arg13[%get3A_619, %get3A_620] {strides = array<i32>} : memref<256x128xf32, #tpu.memory_space<vmem>>, vector<16xf32>,
      %mul3A_622 = arith.mulf %get3A_618, %get3A_621 : vector<16xf32>
      %add3A_623 = arith.addf %add3A_615, %mul3A_622 : vector<16xf32>
      %reduce_sum3A_624 = arith.constant true
      %reduce_sum3A_625 = vector.broadcast %reduce_sum3A_624 : i1 to vector<16xi1>
      %reduce_sum3A_626 = tpu.scan <sum>, %add3A_623 masked %reduce_sum3A_625 : vector<16xf32>, vector<16xi1> -> vector<16xf32>
      %reduce_sum3A_627 = vector.extract %reduce_sum3A_626[15] : f32 from vector<16xf32>
      %mul3A_628 = vector.broadcast %reduce_sum3A_627 : f32 to vector<16xf32>
      %mul3A_629 = arith.mulf %mul3A_628, %convert_element_type3A_67 : vector<16xf32>
      %add3A_630 = arith.addf %add3A_590, %mul3A_629 : vector<16xf32>
      %add3A_631 = arith.constant 12 : i32
      %add3A_632 = arith.addi %add3A_141, %add3A_631 : i32
      %get3A_633 = arith.index_cast %add3A_632 : i32 to index
      %get3A_634 = arith.constant 0 : index
      %get3A_635 = tpu.vector_load %arg12[%get3A_633, %get3A_634] {strides = array<i32>} : memref<256x128xf32, #tpu.memory_space<vmem>>, vector<16xf32>,
      %get3A_636 = arith.index_cast %add3A_632 : i32 to index
      %get3A_637 = arith.constant 0 : index
      %get3A_638 = tpu.vector_load %arg13[%get3A_636, %get3A_637] {strides = array<i32>} : memref<256x128xf32, #tpu.memory_space<vmem>>, vector<16xf32>,
      %mul3A_639 = arith.mulf %get3A_635, %get3A_638 : vector<16xf32>
      %get3A_640 = arith.index_cast %add3A_632 : i32 to index
      %get3A_641 = arith.constant 16 : index
      %get3A_642 = tpu.vector_load %arg12[%get3A_640, %get3A_641] {strides = array<i32>} : memref<256x128xf32, #tpu.memory_space<vmem>>, vector<16xf32>,
      %get3A_643 = arith.index_cast %add3A_632 : i32 to index
      %get3A_644 = arith.constant 16 : index
      %get3A_645 = tpu.vector_load %arg13[%get3A_643, %get3A_644] {strides = array<i32>} : memref<256x128xf32, #tpu.memory_space<vmem>>, vector<16xf32>,
      %mul3A_646 = arith.mulf %get3A_642, %get3A_645 : vector<16xf32>
      %add3A_647 = arith.addf %mul3A_639, %mul3A_646 : vector<16xf32>
      %get3A_648 = arith.index_cast %add3A_632 : i32 to index
      %get3A_649 = arith.constant 32 : index
      %get3A_650 = tpu.vector_load %arg12[%get3A_648, %get3A_649] {strides = array<i32>} : memref<256x128xf32, #tpu.memory_space<vmem>>, vector<16xf32>,
      %get3A_651 = arith.index_cast %add3A_632 : i32 to index
      %get3A_652 = arith.constant 32 : index
      %get3A_653 = tpu.vector_load %arg13[%get3A_651, %get3A_652] {strides = array<i32>} : memref<256x128xf32, #tpu.memory_space<vmem>>, vector<16xf32>,
      %mul3A_654 = arith.mulf %get3A_650, %get3A_653 : vector<16xf32>
      %add3A_655 = arith.addf %add3A_647, %mul3A_654 : vector<16xf32>
      %get3A_656 = arith.index_cast %add3A_632 : i32 to index
      %get3A_657 = arith.constant 48 : index
      %get3A_658 = tpu.vector_load %arg12[%get3A_656, %get3A_657] {strides = array<i32>} : memref<256x128xf32, #tpu.memory_space<vmem>>, vector<16xf32>,
      %get3A_659 = arith.index_cast %add3A_632 : i32 to index
      %get3A_660 = arith.constant 48 : index
      %get3A_661 = tpu.vector_load %arg13[%get3A_659, %get3A_660] {strides = array<i32>} : memref<256x128xf32, #tpu.memory_space<vmem>>, vector<16xf32>,
      %mul3A_662 = arith.mulf %get3A_658, %get3A_661 : vector<16xf32>
      %add3A_663 = arith.addf %add3A_655, %mul3A_662 : vector<16xf32>
      %reduce_sum3A_664 = arith.constant true
      %reduce_sum3A_665 = vector.broadcast %reduce_sum3A_664 : i1 to vector<16xi1>
      %reduce_sum3A_666 = tpu.scan <sum>, %add3A_663 masked %reduce_sum3A_665 : vector<16xf32>, vector<16xi1> -> vector<16xf32>
      %reduce_sum3A_667 = vector.extract %reduce_sum3A_666[15] : f32 from vector<16xf32>
      %mul3A_668 = vector.broadcast %reduce_sum3A_667 : f32 to vector<16xf32>
      %mul3A_669 = arith.mulf %mul3A_668, %convert_element_type3A_72 : vector<16xf32>
      %add3A_670 = arith.addf %add3A_630, %mul3A_669 : vector<16xf32>
      %add3A_671 = arith.constant 13 : i32
      %add3A_672 = arith.addi %add3A_141, %add3A_671 : i32
      %get3A_673 = arith.index_cast %add3A_672 : i32 to index
      %get3A_674 = arith.constant 0 : index
      %get3A_675 = tpu.vector_load %arg12[%get3A_673, %get3A_674] {strides = array<i32>} : memref<256x128xf32, #tpu.memory_space<vmem>>, vector<16xf32>,
      %get3A_676 = arith.index_cast %add3A_672 : i32 to index
      %get3A_677 = arith.constant 0 : index
      %get3A_678 = tpu.vector_load %arg13[%get3A_676, %get3A_677] {strides = array<i32>} : memref<256x128xf32, #tpu.memory_space<vmem>>, vector<16xf32>,
      %mul3A_679 = arith.mulf %get3A_675, %get3A_678 : vector<16xf32>
      %get3A_680 = arith.index_cast %add3A_672 : i32 to index
      %get3A_681 = arith.constant 16 : index
      %get3A_682 = tpu.vector_load %arg12[%get3A_680, %get3A_681] {strides = array<i32>} : memref<256x128xf32, #tpu.memory_space<vmem>>, vector<16xf32>,
      %get3A_683 = arith.index_cast %add3A_672 : i32 to index
      %get3A_684 = arith.constant 16 : index
      %get3A_685 = tpu.vector_load %arg13[%get3A_683, %get3A_684] {strides = array<i32>} : memref<256x128xf32, #tpu.memory_space<vmem>>, vector<16xf32>,
      %mul3A_686 = arith.mulf %get3A_682, %get3A_685 : vector<16xf32>
      %add3A_687 = arith.addf %mul3A_679, %mul3A_686 : vector<16xf32>
      %get3A_688 = arith.index_cast %add3A_672 : i32 to index
      %get3A_689 = arith.constant 32 : index
      %get3A_690 = tpu.vector_load %arg12[%get3A_688, %get3A_689] {strides = array<i32>} : memref<256x128xf32, #tpu.memory_space<vmem>>, vector<16xf32>,
      %get3A_691 = arith.index_cast %add3A_672 : i32 to index
      %get3A_692 = arith.constant 32 : index
      %get3A_693 = tpu.vector_load %arg13[%get3A_691, %get3A_692] {strides = array<i32>} : memref<256x128xf32, #tpu.memory_space<vmem>>, vector<16xf32>,
      %mul3A_694 = arith.mulf %get3A_690, %get3A_693 : vector<16xf32>
      %add3A_695 = arith.addf %add3A_687, %mul3A_694 : vector<16xf32>
      %get3A_696 = arith.index_cast %add3A_672 : i32 to index
      %get3A_697 = arith.constant 48 : index
      %get3A_698 = tpu.vector_load %arg12[%get3A_696, %get3A_697] {strides = array<i32>} : memref<256x128xf32, #tpu.memory_space<vmem>>, vector<16xf32>,
      %get3A_699 = arith.index_cast %add3A_672 : i32 to index
      %get3A_700 = arith.constant 48 : index
      %get3A_701 = tpu.vector_load %arg13[%get3A_699, %get3A_700] {strides = array<i32>} : memref<256x128xf32, #tpu.memory_space<vmem>>, vector<16xf32>,
      %mul3A_702 = arith.mulf %get3A_698, %get3A_701 : vector<16xf32>
      %add3A_703 = arith.addf %add3A_695, %mul3A_702 : vector<16xf32>
      %reduce_sum3A_704 = arith.constant true
      %reduce_sum3A_705 = vector.broadcast %reduce_sum3A_704 : i1 to vector<16xi1>
      %reduce_sum3A_706 = tpu.scan <sum>, %add3A_703 masked %reduce_sum3A_705 : vector<16xf32>, vector<16xi1> -> vector<16xf32>
      %reduce_sum3A_707 = vector.extract %reduce_sum3A_706[15] : f32 from vector<16xf32>
      %mul3A_708 = vector.broadcast %reduce_sum3A_707 : f32 to vector<16xf32>
      %mul3A_709 = arith.mulf %mul3A_708, %convert_element_type3A_77 : vector<16xf32>
      %add3A_710 = arith.addf %add3A_670, %mul3A_709 : vector<16xf32>
      %add3A_711 = arith.constant 14 : i32
      %add3A_712 = arith.addi %add3A_141, %add3A_711 : i32
      %get3A_713 = arith.index_cast %add3A_712 : i32 to index
      %get3A_714 = arith.constant 0 : index
      %get3A_715 = tpu.vector_load %arg12[%get3A_713, %get3A_714] {strides = array<i32>} : memref<256x128xf32, #tpu.memory_space<vmem>>, vector<16xf32>,
      %get3A_716 = arith.index_cast %add3A_712 : i32 to index
      %get3A_717 = arith.constant 0 : index
      %get3A_718 = tpu.vector_load %arg13[%get3A_716, %get3A_717] {strides = array<i32>} : memref<256x128xf32, #tpu.memory_space<vmem>>, vector<16xf32>,
      %mul3A_719 = arith.mulf %get3A_715, %get3A_718 : vector<16xf32>
      %get3A_720 = arith.index_cast %add3A_712 : i32 to index
      %get3A_721 = arith.constant 16 : index
      %get3A_722 = tpu.vector_load %arg12[%get3A_720, %get3A_721] {strides = array<i32>} : memref<256x128xf32, #tpu.memory_space<vmem>>, vector<16xf32>,
      %get3A_723 = arith.index_cast %add3A_712 : i32 to index
      %get3A_724 = arith.constant 16 : index
      %get3A_725 = tpu.vector_load %arg13[%get3A_723, %get3A_724] {strides = array<i32>} : memref<256x128xf32, #tpu.memory_space<vmem>>, vector<16xf32>,
      %mul3A_726 = arith.mulf %get3A_722, %get3A_725 : vector<16xf32>
      %add3A_727 = arith.addf %mul3A_719, %mul3A_726 : vector<16xf32>
      %get3A_728 = arith.index_cast %add3A_712 : i32 to index
      %get3A_729 = arith.constant 32 : index
      %get3A_730 = tpu.vector_load %arg12[%get3A_728, %get3A_729] {strides = array<i32>} : memref<256x128xf32, #tpu.memory_space<vmem>>, vector<16xf32>,
      %get3A_731 = arith.index_cast %add3A_712 : i32 to index
      %get3A_732 = arith.constant 32 : index
      %get3A_733 = tpu.vector_load %arg13[%get3A_731, %get3A_732] {strides = array<i32>} : memref<256x128xf32, #tpu.memory_space<vmem>>, vector<16xf32>,
      %mul3A_734 = arith.mulf %get3A_730, %get3A_733 : vector<16xf32>
      %add3A_735 = arith.addf %add3A_727, %mul3A_734 : vector<16xf32>
      %get3A_736 = arith.index_cast %add3A_712 : i32 to index
      %get3A_737 = arith.constant 48 : index
      %get3A_738 = tpu.vector_load %arg12[%get3A_736, %get3A_737] {strides = array<i32>} : memref<256x128xf32, #tpu.memory_space<vmem>>, vector<16xf32>,
      %get3A_739 = arith.index_cast %add3A_712 : i32 to index
      %get3A_740 = arith.constant 48 : index
      %get3A_741 = tpu.vector_load %arg13[%get3A_739, %get3A_740] {strides = array<i32>} : memref<256x128xf32, #tpu.memory_space<vmem>>, vector<16xf32>,
      %mul3A_742 = arith.mulf %get3A_738, %get3A_741 : vector<16xf32>
      %add3A_743 = arith.addf %add3A_735, %mul3A_742 : vector<16xf32>
      %reduce_sum3A_744 = arith.constant true
      %reduce_sum3A_745 = vector.broadcast %reduce_sum3A_744 : i1 to vector<16xi1>
      %reduce_sum3A_746 = tpu.scan <sum>, %add3A_743 masked %reduce_sum3A_745 : vector<16xf32>, vector<16xi1> -> vector<16xf32>
      %reduce_sum3A_747 = vector.extract %reduce_sum3A_746[15] : f32 from vector<16xf32>
      %mul3A_748 = vector.broadcast %reduce_sum3A_747 : f32 to vector<16xf32>
      %mul3A_749 = arith.mulf %mul3A_748, %convert_element_type3A_82 : vector<16xf32>
      %add3A_750 = arith.addf %add3A_710, %mul3A_749 : vector<16xf32>
      %add3A_751 = arith.constant 15 : i32
      %add3A_752 = arith.addi %add3A_141, %add3A_751 : i32
      %get3A_753 = arith.index_cast %add3A_752 : i32 to index
      %get3A_754 = arith.constant 0 : index
      %get3A_755 = tpu.vector_load %arg12[%get3A_753, %get3A_754] {strides = array<i32>} : memref<256x128xf32, #tpu.memory_space<vmem>>, vector<16xf32>,
      %get3A_756 = arith.index_cast %add3A_752 : i32 to index
      %get3A_757 = arith.constant 0 : index
      %get3A_758 = tpu.vector_load %arg13[%get3A_756, %get3A_757] {strides = array<i32>} : memref<256x128xf32, #tpu.memory_space<vmem>>, vector<16xf32>,
      %mul3A_759 = arith.mulf %get3A_755, %get3A_758 : vector<16xf32>
      %get3A_760 = arith.index_cast %add3A_752 : i32 to index
      %get3A_761 = arith.constant 16 : index
      %get3A_762 = tpu.vector_load %arg12[%get3A_760, %get3A_761] {strides = array<i32>} : memref<256x128xf32, #tpu.memory_space<vmem>>, vector<16xf32>,
      %get3A_763 = arith.index_cast %add3A_752 : i32 to index
      %get3A_764 = arith.constant 16 : index
      %get3A_765 = tpu.vector_load %arg13[%get3A_763, %get3A_764] {strides = array<i32>} : memref<256x128xf32, #tpu.memory_space<vmem>>, vector<16xf32>,
      %mul3A_766 = arith.mulf %get3A_762, %get3A_765 : vector<16xf32>
      %add3A_767 = arith.addf %mul3A_759, %mul3A_766 : vector<16xf32>
      %get3A_768 = arith.index_cast %add3A_752 : i32 to index
      %get3A_769 = arith.constant 32 : index
      %get3A_770 = tpu.vector_load %arg12[%get3A_768, %get3A_769] {strides = array<i32>} : memref<256x128xf32, #tpu.memory_space<vmem>>, vector<16xf32>,
      %get3A_771 = arith.index_cast %add3A_752 : i32 to index
      %get3A_772 = arith.constant 32 : index
      %get3A_773 = tpu.vector_load %arg13[%get3A_771, %get3A_772] {strides = array<i32>} : memref<256x128xf32, #tpu.memory_space<vmem>>, vector<16xf32>,
      %mul3A_774 = arith.mulf %get3A_770, %get3A_773 : vector<16xf32>
      %add3A_775 = arith.addf %add3A_767, %mul3A_774 : vector<16xf32>
      %get3A_776 = arith.index_cast %add3A_752 : i32 to index
      %get3A_777 = arith.constant 48 : index
      %get3A_778 = tpu.vector_load %arg12[%get3A_776, %get3A_777] {strides = array<i32>} : memref<256x128xf32, #tpu.memory_space<vmem>>, vector<16xf32>,
      %get3A_779 = arith.index_cast %add3A_752 : i32 to index
      %get3A_780 = arith.constant 48 : index
      %get3A_781 = tpu.vector_load %arg13[%get3A_779, %get3A_780] {strides = array<i32>} : memref<256x128xf32, #tpu.memory_space<vmem>>, vector<16xf32>,
      %mul3A_782 = arith.mulf %get3A_778, %get3A_781 : vector<16xf32>
      %add3A_783 = arith.addf %add3A_775, %mul3A_782 : vector<16xf32>
      %reduce_sum3A_784 = arith.constant true
      %reduce_sum3A_785 = vector.broadcast %reduce_sum3A_784 : i1 to vector<16xi1>
      %reduce_sum3A_786 = tpu.scan <sum>, %add3A_783 masked %reduce_sum3A_785 : vector<16xf32>, vector<16xi1> -> vector<16xf32>
      %reduce_sum3A_787 = vector.extract %reduce_sum3A_786[15] : f32 from vector<16xf32>
      %mul3A_788 = vector.broadcast %reduce_sum3A_787 : f32 to vector<16xf32>
      %mul3A_789 = arith.mulf %mul3A_788, %convert_element_type3A_87 : vector<16xf32>
      %add3A_790 = arith.addf %add3A_750, %mul3A_789 : vector<16xf32>
      %add3A_791 = arith.constant 0 : i32
      %add3A_792 = arith.addi %add3A_791, %add3A_141 : i32
      %swap3A = arith.index_cast %add3A_792 : i32 to index
      %swap3A_793 = tpu.vector_load %arg17[%swap3A] {strides = array<i32>} : memref<512xf32, #tpu.memory_space<vmem>>, vector<16xf32>,
      tpu.vector_store %arg17[%swap3A], %add3A_790 {strides = array<i32>} : memref<512xf32, #tpu.memory_space<vmem>>, vector<16xf32>,
    }
    %scan3A_111 = arith.constant 16 : i32
    %dma_start3A_112 = arith.constant 256 : i32
    %dma_start3A_113 = tpu.memref_slice %arg10[%dma_start3A_112] : memref<512xi32, #tpu.memory_space<vmem>> -> memref<256xi32, #tpu.memory_space<vmem>>
    %dma_start3A_114 = arith.constant 0 : i32
    %dma_start3A_115 = arith.constant 0 : i32
    %dma_start3A_116 = tpu.memref_slice %arg4[%dma_start3A_114, %dma_start3A_115] : memref<1000000x128xf32, #tpu.memory_space<hbm>> -> memref<1000000x128xf32, #tpu.memory_space<hbm>>
    tpu.enqueue_indirect_dma source(%dma_start3A_116 : memref<1000000x128xf32, #tpu.memory_space<hbm>>) target(%arg12 : memref<256x128xf32, #tpu.memory_space<vmem>>) offsets(%dma_start3A_113 : memref<256xi32, #tpu.memory_space<vmem>>) semaphore(%arg18 : memref<!tpu.dma_semaphore, #tpu.memory_space<semaphore_mem>>)
    %dma_start3A_117 = arith.constant 256 : i32
    %dma_start3A_118 = tpu.memref_slice %arg11[%dma_start3A_117] : memref<512xi32, #tpu.memory_space<vmem>> -> memref<256xi32, #tpu.memory_space<vmem>>
    %dma_start3A_119 = arith.constant 0 : i32
    %dma_start3A_120 = arith.constant 0 : i32
    %dma_start3A_121 = tpu.memref_slice %arg5[%dma_start3A_119, %dma_start3A_120] : memref<1000000x128xf32, #tpu.memory_space<hbm>> -> memref<1000000x128xf32, #tpu.memory_space<hbm>>
    tpu.enqueue_indirect_dma source(%dma_start3A_121 : memref<1000000x128xf32, #tpu.memory_space<hbm>>) target(%arg13 : memref<256x128xf32, #tpu.memory_space<vmem>>) offsets(%dma_start3A_118 : memref<256xi32, #tpu.memory_space<vmem>>) semaphore(%arg18 : memref<!tpu.dma_semaphore, #tpu.memory_space<semaphore_mem>>)
    %dma_wait3A_122 = arith.constant 256 : i32
    %dma_wait3A_123 = tpu.memref_slice %arg10[%dma_wait3A_122] : memref<512xi32, #tpu.memory_space<vmem>> -> memref<256xi32, #tpu.memory_space<vmem>>
    %dma_wait3A_124 = arith.constant 0 : i32
    %dma_wait3A_125 = arith.constant 0 : i32
    %dma_wait3A_126 = tpu.memref_slice %arg4[%dma_wait3A_124, %dma_wait3A_125] : memref<1000000x128xf32, #tpu.memory_space<hbm>> -> memref<1000000x128xf32, #tpu.memory_space<hbm>>
    tpu.wait_indirect_dma semaphore(%arg18 : memref<!tpu.dma_semaphore, #tpu.memory_space<semaphore_mem>>) src(%dma_wait3A_126 : memref<1000000x128xf32, #tpu.memory_space<hbm>>) dst(%arg12 : memref<256x128xf32, #tpu.memory_space<vmem>>)
    %dma_wait3A_127 = arith.constant 256 : i32
    %dma_wait3A_128 = tpu.memref_slice %arg11[%dma_wait3A_127] : memref<512xi32, #tpu.memory_space<vmem>> -> memref<256xi32, #tpu.memory_space<vmem>>
    %dma_wait3A_129 = arith.constant 0 : i32
    %dma_wait3A_130 = arith.constant 0 : i32
    %dma_wait3A_131 = tpu.memref_slice %arg5[%dma_wait3A_129, %dma_wait3A_130] : memref<1000000x128xf32, #tpu.memory_space<hbm>> -> memref<1000000x128xf32, #tpu.memory_space<hbm>>
    tpu.wait_indirect_dma semaphore(%arg18 : memref<!tpu.dma_semaphore, #tpu.memory_space<semaphore_mem>>) src(%dma_wait3A_131 : memref<1000000x128xf32, #tpu.memory_space<hbm>>) dst(%arg13 : memref<256x128xf32, #tpu.memory_space<vmem>>)
    %scan3A_132 = arith.constant 0 : i32
    %scan3A_133 = arith.constant 16 : i32
    %scan3A_134 = arith.addi %scan3A_132, %scan3A_133 : i32
    %scan3A_135 = arith.constant 1 : i32
    scf.for %scan3A_137 = %scan3A_132 to %scan3A_134 step %scan3A_135  : i32 {
      %mul3A_138 = arith.constant 16 : i32
      %mul3A_139 = arith.muli %scan3A_137, %mul3A_138 : i32
      %add3A_140 = arith.constant 0 : i32
      %add3A_141 = arith.addi %add3A_140, %mul3A_139 : i32
      %add3A_142 = arith.constant 256 : i32
      %add3A_143 = arith.addi %add3A_142, %add3A_141 : i32
      %get3A_144 = arith.index_cast %add3A_143 : i32 to index
      %get3A_145 = tpu.vector_load %arg14[%get3A_144] {strides = array<i32>} : memref<512xf32, #tpu.memory_space<vmem>>, vector<16xf32>,
      %add3A_146 = arith.constant 256 : i32
      %add3A_147 = arith.addi %add3A_146, %add3A_141 : i32
      %get3A_148 = arith.index_cast %add3A_147 : i32 to index
      %get3A_149 = tpu.vector_load %arg15[%get3A_148] {strides = array<i32>} : memref<512xf32, #tpu.memory_space<vmem>>, vector<16xf32>,
      %add3A_150 = arith.addf %get3A_145, %get3A_149 : vector<16xf32>
      %add3A_151 = arith.addf %add3A_150, %get3A_9 : vector<16xf32>
      %add3A_152 = arith.constant 0 : i32
      %add3A_153 = arith.addi %add3A_141, %add3A_152 : i32
      %get3A_154 = arith.index_cast %add3A_153 : i32 to index
      %get3A_155 = arith.constant 0 : index
      %get3A_156 = tpu.vector_load %arg12[%get3A_154, %get3A_155] {strides = array<i32>} : memref<256x128xf32, #tpu.memory_space<vmem>>, vector<16xf32>,
      %get3A_157 = arith.index_cast %add3A_153 : i32 to index
      %get3A_158 = arith.constant 0 : index
      %get3A_159 = tpu.vector_load %arg13[%get3A_157, %get3A_158] {strides = array<i32>} : memref<256x128xf32, #tpu.memory_space<vmem>>, vector<16xf32>,
      %mul3A_160 = arith.mulf %get3A_156, %get3A_159 : vector<16xf32>
      %get3A_161 = arith.index_cast %add3A_153 : i32 to index
      %get3A_162 = arith.constant 16 : index
      %get3A_163 = tpu.vector_load %arg12[%get3A_161, %get3A_162] {strides = array<i32>} : memref<256x128xf32, #tpu.memory_space<vmem>>, vector<16xf32>,
      %get3A_164 = arith.index_cast %add3A_153 : i32 to index
      %get3A_165 = arith.constant 16 : index
      %get3A_166 = tpu.vector_load %arg13[%get3A_164, %get3A_165] {strides = array<i32>} : memref<256x128xf32, #tpu.memory_space<vmem>>, vector<16xf32>,
      %mul3A_167 = arith.mulf %get3A_163, %get3A_166 : vector<16xf32>
      %add3A_168 = arith.addf %mul3A_160, %mul3A_167 : vector<16xf32>
      %get3A_169 = arith.index_cast %add3A_153 : i32 to index
      %get3A_170 = arith.constant 32 : index
      %get3A_171 = tpu.vector_load %arg12[%get3A_169, %get3A_170] {strides = array<i32>} : memref<256x128xf32, #tpu.memory_space<vmem>>, vector<16xf32>,
      %get3A_172 = arith.index_cast %add3A_153 : i32 to index
      %get3A_173 = arith.constant 32 : index
      %get3A_174 = tpu.vector_load %arg13[%get3A_172, %get3A_173] {strides = array<i32>} : memref<256x128xf32, #tpu.memory_space<vmem>>, vector<16xf32>,
      %mul3A_175 = arith.mulf %get3A_171, %get3A_174 : vector<16xf32>
      %add3A_176 = arith.addf %add3A_168, %mul3A_175 : vector<16xf32>
      %get3A_177 = arith.index_cast %add3A_153 : i32 to index
      %get3A_178 = arith.constant 48 : index
      %get3A_179 = tpu.vector_load %arg12[%get3A_177, %get3A_178] {strides = array<i32>} : memref<256x128xf32, #tpu.memory_space<vmem>>, vector<16xf32>,
      %get3A_180 = arith.index_cast %add3A_153 : i32 to index
      %get3A_181 = arith.constant 48 : index
      %get3A_182 = tpu.vector_load %arg13[%get3A_180, %get3A_181] {strides = array<i32>} : memref<256x128xf32, #tpu.memory_space<vmem>>, vector<16xf32>,
      %mul3A_183 = arith.mulf %get3A_179, %get3A_182 : vector<16xf32>
      %add3A_184 = arith.addf %add3A_176, %mul3A_183 : vector<16xf32>
      %reduce_sum3A = arith.constant true
      %reduce_sum3A_185 = vector.broadcast %reduce_sum3A : i1 to vector<16xi1>
      %reduce_sum3A_186 = tpu.scan <sum>, %add3A_184 masked %reduce_sum3A_185 : vector<16xf32>, vector<16xi1> -> vector<16xf32>
      %reduce_sum3A_187 = vector.extract %reduce_sum3A_186[15] : f32 from vector<16xf32>
      %mul3A_188 = vector.broadcast %reduce_sum3A_187 : f32 to vector<16xf32>
      %mul3A_189 = arith.mulf %mul3A_188, %convert_element_type3A_12 : vector<16xf32>
      %add3A_190 = arith.addf %add3A_151, %mul3A_189 : vector<16xf32>
      %add3A_191 = arith.constant 1 : i32
      %add3A_192 = arith.addi %add3A_141, %add3A_191 : i32
      %get3A_193 = arith.index_cast %add3A_192 : i32 to index
      %get3A_194 = arith.constant 0 : index
      %get3A_195 = tpu.vector_load %arg12[%get3A_193, %get3A_194] {strides = array<i32>} : memref<256x128xf32, #tpu.memory_space<vmem>>, vector<16xf32>,
      %get3A_196 = arith.index_cast %add3A_192 : i32 to index
      %get3A_197 = arith.constant 0 : index
      %get3A_198 = tpu.vector_load %arg13[%get3A_196, %get3A_197] {strides = array<i32>} : memref<256x128xf32, #tpu.memory_space<vmem>>, vector<16xf32>,
      %mul3A_199 = arith.mulf %get3A_195, %get3A_198 : vector<16xf32>
      %get3A_200 = arith.index_cast %add3A_192 : i32 to index
      %get3A_201 = arith.constant 16 : index
      %get3A_202 = tpu.vector_load %arg12[%get3A_200, %get3A_201] {strides = array<i32>} : memref<256x128xf32, #tpu.memory_space<vmem>>, vector<16xf32>,
      %get3A_203 = arith.index_cast %add3A_192 : i32 to index
      %get3A_204 = arith.constant 16 : index
      %get3A_205 = tpu.vector_load %arg13[%get3A_203, %get3A_204] {strides = array<i32>} : memref<256x128xf32, #tpu.memory_space<vmem>>, vector<16xf32>,
      %mul3A_206 = arith.mulf %get3A_202, %get3A_205 : vector<16xf32>
      %add3A_207 = arith.addf %mul3A_199, %mul3A_206 : vector<16xf32>
      %get3A_208 = arith.index_cast %add3A_192 : i32 to index
      %get3A_209 = arith.constant 32 : index
      %get3A_210 = tpu.vector_load %arg12[%get3A_208, %get3A_209] {strides = array<i32>} : memref<256x128xf32, #tpu.memory_space<vmem>>, vector<16xf32>,
      %get3A_211 = arith.index_cast %add3A_192 : i32 to index
      %get3A_212 = arith.constant 32 : index
      %get3A_213 = tpu.vector_load %arg13[%get3A_211, %get3A_212] {strides = array<i32>} : memref<256x128xf32, #tpu.memory_space<vmem>>, vector<16xf32>,
      %mul3A_214 = arith.mulf %get3A_210, %get3A_213 : vector<16xf32>
      %add3A_215 = arith.addf %add3A_207, %mul3A_214 : vector<16xf32>
      %get3A_216 = arith.index_cast %add3A_192 : i32 to index
      %get3A_217 = arith.constant 48 : index
      %get3A_218 = tpu.vector_load %arg12[%get3A_216, %get3A_217] {strides = array<i32>} : memref<256x128xf32, #tpu.memory_space<vmem>>, vector<16xf32>,
      %get3A_219 = arith.index_cast %add3A_192 : i32 to index
      %get3A_220 = arith.constant 48 : index
      %get3A_221 = tpu.vector_load %arg13[%get3A_219, %get3A_220] {strides = array<i32>} : memref<256x128xf32, #tpu.memory_space<vmem>>, vector<16xf32>,
      %mul3A_222 = arith.mulf %get3A_218, %get3A_221 : vector<16xf32>
      %add3A_223 = arith.addf %add3A_215, %mul3A_222 : vector<16xf32>
      %reduce_sum3A_224 = arith.constant true
      %reduce_sum3A_225 = vector.broadcast %reduce_sum3A_224 : i1 to vector<16xi1>
      %reduce_sum3A_226 = tpu.scan <sum>, %add3A_223 masked %reduce_sum3A_225 : vector<16xf32>, vector<16xi1> -> vector<16xf32>
      %reduce_sum3A_227 = vector.extract %reduce_sum3A_226[15] : f32 from vector<16xf32>
      %mul3A_228 = vector.broadcast %reduce_sum3A_227 : f32 to vector<16xf32>
      %mul3A_229 = arith.mulf %mul3A_228, %convert_element_type3A_17 : vector<16xf32>
      %add3A_230 = arith.addf %add3A_190, %mul3A_229 : vector<16xf32>
      %add3A_231 = arith.constant 2 : i32
      %add3A_232 = arith.addi %add3A_141, %add3A_231 : i32
      %get3A_233 = arith.index_cast %add3A_232 : i32 to index
      %get3A_234 = arith.constant 0 : index
      %get3A_235 = tpu.vector_load %arg12[%get3A_233, %get3A_234] {strides = array<i32>} : memref<256x128xf32, #tpu.memory_space<vmem>>, vector<16xf32>,
      %get3A_236 = arith.index_cast %add3A_232 : i32 to index
      %get3A_237 = arith.constant 0 : index
      %get3A_238 = tpu.vector_load %arg13[%get3A_236, %get3A_237] {strides = array<i32>} : memref<256x128xf32, #tpu.memory_space<vmem>>, vector<16xf32>,
      %mul3A_239 = arith.mulf %get3A_235, %get3A_238 : vector<16xf32>
      %get3A_240 = arith.index_cast %add3A_232 : i32 to index
      %get3A_241 = arith.constant 16 : index
      %get3A_242 = tpu.vector_load %arg12[%get3A_240, %get3A_241] {strides = array<i32>} : memref<256x128xf32, #tpu.memory_space<vmem>>, vector<16xf32>,
      %get3A_243 = arith.index_cast %add3A_232 : i32 to index
      %get3A_244 = arith.constant 16 : index
      %get3A_245 = tpu.vector_load %arg13[%get3A_243, %get3A_244] {strides = array<i32>} : memref<256x128xf32, #tpu.memory_space<vmem>>, vector<16xf32>,
      %mul3A_246 = arith.mulf %get3A_242, %get3A_245 : vector<16xf32>
      %add3A_247 = arith.addf %mul3A_239, %mul3A_246 : vector<16xf32>
      %get3A_248 = arith.index_cast %add3A_232 : i32 to index
      %get3A_249 = arith.constant 32 : index
      %get3A_250 = tpu.vector_load %arg12[%get3A_248, %get3A_249] {strides = array<i32>} : memref<256x128xf32, #tpu.memory_space<vmem>>, vector<16xf32>,
      %get3A_251 = arith.index_cast %add3A_232 : i32 to index
      %get3A_252 = arith.constant 32 : index
      %get3A_253 = tpu.vector_load %arg13[%get3A_251, %get3A_252] {strides = array<i32>} : memref<256x128xf32, #tpu.memory_space<vmem>>, vector<16xf32>,
      %mul3A_254 = arith.mulf %get3A_250, %get3A_253 : vector<16xf32>
      %add3A_255 = arith.addf %add3A_247, %mul3A_254 : vector<16xf32>
      %get3A_256 = arith.index_cast %add3A_232 : i32 to index
      %get3A_257 = arith.constant 48 : index
      %get3A_258 = tpu.vector_load %arg12[%get3A_256, %get3A_257] {strides = array<i32>} : memref<256x128xf32, #tpu.memory_space<vmem>>, vector<16xf32>,
      %get3A_259 = arith.index_cast %add3A_232 : i32 to index
      %get3A_260 = arith.constant 48 : index
      %get3A_261 = tpu.vector_load %arg13[%get3A_259, %get3A_260] {strides = array<i32>} : memref<256x128xf32, #tpu.memory_space<vmem>>, vector<16xf32>,
      %mul3A_262 = arith.mulf %get3A_258, %get3A_261 : vector<16xf32>
      %add3A_263 = arith.addf %add3A_255, %mul3A_262 : vector<16xf32>
      %reduce_sum3A_264 = arith.constant true
      %reduce_sum3A_265 = vector.broadcast %reduce_sum3A_264 : i1 to vector<16xi1>
      %reduce_sum3A_266 = tpu.scan <sum>, %add3A_263 masked %reduce_sum3A_265 : vector<16xf32>, vector<16xi1> -> vector<16xf32>
      %reduce_sum3A_267 = vector.extract %reduce_sum3A_266[15] : f32 from vector<16xf32>
      %mul3A_268 = vector.broadcast %reduce_sum3A_267 : f32 to vector<16xf32>
      %mul3A_269 = arith.mulf %mul3A_268, %convert_element_type3A_22 : vector<16xf32>
      %add3A_270 = arith.addf %add3A_230, %mul3A_269 : vector<16xf32>
      %add3A_271 = arith.constant 3 : i32
      %add3A_272 = arith.addi %add3A_141, %add3A_271 : i32
      %get3A_273 = arith.index_cast %add3A_272 : i32 to index
      %get3A_274 = arith.constant 0 : index
      %get3A_275 = tpu.vector_load %arg12[%get3A_273, %get3A_274] {strides = array<i32>} : memref<256x128xf32, #tpu.memory_space<vmem>>, vector<16xf32>,
      %get3A_276 = arith.index_cast %add3A_272 : i32 to index
      %get3A_277 = arith.constant 0 : index
      %get3A_278 = tpu.vector_load %arg13[%get3A_276, %get3A_277] {strides = array<i32>} : memref<256x128xf32, #tpu.memory_space<vmem>>, vector<16xf32>,
      %mul3A_279 = arith.mulf %get3A_275, %get3A_278 : vector<16xf32>
      %get3A_280 = arith.index_cast %add3A_272 : i32 to index
      %get3A_281 = arith.constant 16 : index
      %get3A_282 = tpu.vector_load %arg12[%get3A_280, %get3A_281] {strides = array<i32>} : memref<256x128xf32, #tpu.memory_space<vmem>>, vector<16xf32>,
      %get3A_283 = arith.index_cast %add3A_272 : i32 to index
      %get3A_284 = arith.constant 16 : index
      %get3A_285 = tpu.vector_load %arg13[%get3A_283, %get3A_284] {strides = array<i32>} : memref<256x128xf32, #tpu.memory_space<vmem>>, vector<16xf32>,
      %mul3A_286 = arith.mulf %get3A_282, %get3A_285 : vector<16xf32>
      %add3A_287 = arith.addf %mul3A_279, %mul3A_286 : vector<16xf32>
      %get3A_288 = arith.index_cast %add3A_272 : i32 to index
      %get3A_289 = arith.constant 32 : index
      %get3A_290 = tpu.vector_load %arg12[%get3A_288, %get3A_289] {strides = array<i32>} : memref<256x128xf32, #tpu.memory_space<vmem>>, vector<16xf32>,
      %get3A_291 = arith.index_cast %add3A_272 : i32 to index
      %get3A_292 = arith.constant 32 : index
      %get3A_293 = tpu.vector_load %arg13[%get3A_291, %get3A_292] {strides = array<i32>} : memref<256x128xf32, #tpu.memory_space<vmem>>, vector<16xf32>,
      %mul3A_294 = arith.mulf %get3A_290, %get3A_293 : vector<16xf32>
      %add3A_295 = arith.addf %add3A_287, %mul3A_294 : vector<16xf32>
      %get3A_296 = arith.index_cast %add3A_272 : i32 to index
      %get3A_297 = arith.constant 48 : index
      %get3A_298 = tpu.vector_load %arg12[%get3A_296, %get3A_297] {strides = array<i32>} : memref<256x128xf32, #tpu.memory_space<vmem>>, vector<16xf32>,
      %get3A_299 = arith.index_cast %add3A_272 : i32 to index
      %get3A_300 = arith.constant 48 : index
      %get3A_301 = tpu.vector_load %arg13[%get3A_299, %get3A_300] {strides = array<i32>} : memref<256x128xf32, #tpu.memory_space<vmem>>, vector<16xf32>,
      %mul3A_302 = arith.mulf %get3A_298, %get3A_301 : vector<16xf32>
      %add3A_303 = arith.addf %add3A_295, %mul3A_302 : vector<16xf32>
      %reduce_sum3A_304 = arith.constant true
      %reduce_sum3A_305 = vector.broadcast %reduce_sum3A_304 : i1 to vector<16xi1>
      %reduce_sum3A_306 = tpu.scan <sum>, %add3A_303 masked %reduce_sum3A_305 : vector<16xf32>, vector<16xi1> -> vector<16xf32>
      %reduce_sum3A_307 = vector.extract %reduce_sum3A_306[15] : f32 from vector<16xf32>
      %mul3A_308 = vector.broadcast %reduce_sum3A_307 : f32 to vector<16xf32>
      %mul3A_309 = arith.mulf %mul3A_308, %convert_element_type3A_27 : vector<16xf32>
      %add3A_310 = arith.addf %add3A_270, %mul3A_309 : vector<16xf32>
      %add3A_311 = arith.constant 4 : i32
      %add3A_312 = arith.addi %add3A_141, %add3A_311 : i32
      %get3A_313 = arith.index_cast %add3A_312 : i32 to index
      %get3A_314 = arith.constant 0 : index
      %get3A_315 = tpu.vector_load %arg12[%get3A_313, %get3A_314] {strides = array<i32>} : memref<256x128xf32, #tpu.memory_space<vmem>>, vector<16xf32>,
      %get3A_316 = arith.index_cast %add3A_312 : i32 to index
      %get3A_317 = arith.constant 0 : index
      %get3A_318 = tpu.vector_load %arg13[%get3A_316, %get3A_317] {strides = array<i32>} : memref<256x128xf32, #tpu.memory_space<vmem>>, vector<16xf32>,
      %mul3A_319 = arith.mulf %get3A_315, %get3A_318 : vector<16xf32>
      %get3A_320 = arith.index_cast %add3A_312 : i32 to index
      %get3A_321 = arith.constant 16 : index
      %get3A_322 = tpu.vector_load %arg12[%get3A_320, %get3A_321] {strides = array<i32>} : memref<256x128xf32, #tpu.memory_space<vmem>>, vector<16xf32>,
      %get3A_323 = arith.index_cast %add3A_312 : i32 to index
      %get3A_324 = arith.constant 16 : index
      %get3A_325 = tpu.vector_load %arg13[%get3A_323, %get3A_324] {strides = array<i32>} : memref<256x128xf32, #tpu.memory_space<vmem>>, vector<16xf32>,
      %mul3A_326 = arith.mulf %get3A_322, %get3A_325 : vector<16xf32>
      %add3A_327 = arith.addf %mul3A_319, %mul3A_326 : vector<16xf32>
      %get3A_328 = arith.index_cast %add3A_312 : i32 to index
      %get3A_329 = arith.constant 32 : index
      %get3A_330 = tpu.vector_load %arg12[%get3A_328, %get3A_329] {strides = array<i32>} : memref<256x128xf32, #tpu.memory_space<vmem>>, vector<16xf32>,
      %get3A_331 = arith.index_cast %add3A_312 : i32 to index
      %get3A_332 = arith.constant 32 : index
      %get3A_333 = tpu.vector_load %arg13[%get3A_331, %get3A_332] {strides = array<i32>} : memref<256x128xf32, #tpu.memory_space<vmem>>, vector<16xf32>,
      %mul3A_334 = arith.mulf %get3A_330, %get3A_333 : vector<16xf32>
      %add3A_335 = arith.addf %add3A_327, %mul3A_334 : vector<16xf32>
      %get3A_336 = arith.index_cast %add3A_312 : i32 to index
      %get3A_337 = arith.constant 48 : index
      %get3A_338 = tpu.vector_load %arg12[%get3A_336, %get3A_337] {strides = array<i32>} : memref<256x128xf32, #tpu.memory_space<vmem>>, vector<16xf32>,
      %get3A_339 = arith.index_cast %add3A_312 : i32 to index
      %get3A_340 = arith.constant 48 : index
      %get3A_341 = tpu.vector_load %arg13[%get3A_339, %get3A_340] {strides = array<i32>} : memref<256x128xf32, #tpu.memory_space<vmem>>, vector<16xf32>,
      %mul3A_342 = arith.mulf %get3A_338, %get3A_341 : vector<16xf32>
      %add3A_343 = arith.addf %add3A_335, %mul3A_342 : vector<16xf32>
      %reduce_sum3A_344 = arith.constant true
      %reduce_sum3A_345 = vector.broadcast %reduce_sum3A_344 : i1 to vector<16xi1>
      %reduce_sum3A_346 = tpu.scan <sum>, %add3A_343 masked %reduce_sum3A_345 : vector<16xf32>, vector<16xi1> -> vector<16xf32>
      %reduce_sum3A_347 = vector.extract %reduce_sum3A_346[15] : f32 from vector<16xf32>
      %mul3A_348 = vector.broadcast %reduce_sum3A_347 : f32 to vector<16xf32>
      %mul3A_349 = arith.mulf %mul3A_348, %convert_element_type3A_32 : vector<16xf32>
      %add3A_350 = arith.addf %add3A_310, %mul3A_349 : vector<16xf32>
      %add3A_351 = arith.constant 5 : i32
      %add3A_352 = arith.addi %add3A_141, %add3A_351 : i32
      %get3A_353 = arith.index_cast %add3A_352 : i32 to index
      %get3A_354 = arith.constant 0 : index
      %get3A_355 = tpu.vector_load %arg12[%get3A_353, %get3A_354] {strides = array<i32>} : memref<256x128xf32, #tpu.memory_space<vmem>>, vector<16xf32>,
      %get3A_356 = arith.index_cast %add3A_352 : i32 to index
      %get3A_357 = arith.constant 0 : index
      %get3A_358 = tpu.vector_load %arg13[%get3A_356, %get3A_357] {strides = array<i32>} : memref<256x128xf32, #tpu.memory_space<vmem>>, vector<16xf32>,
      %mul3A_359 = arith.mulf %get3A_355, %get3A_358 : vector<16xf32>
      %get3A_360 = arith.index_cast %add3A_352 : i32 to index
      %get3A_361 = arith.constant 16 : index
      %get3A_362 = tpu.vector_load %arg12[%get3A_360, %get3A_361] {strides = array<i32>} : memref<256x128xf32, #tpu.memory_space<vmem>>, vector<16xf32>,
      %get3A_363 = arith.index_cast %add3A_352 : i32 to index
      %get3A_364 = arith.constant 16 : index
      %get3A_365 = tpu.vector_load %arg13[%get3A_363, %get3A_364] {strides = array<i32>} : memref<256x128xf32, #tpu.memory_space<vmem>>, vector<16xf32>,
      %mul3A_366 = arith.mulf %get3A_362, %get3A_365 : vector<16xf32>
      %add3A_367 = arith.addf %mul3A_359, %mul3A_366 : vector<16xf32>
      %get3A_368 = arith.index_cast %add3A_352 : i32 to index
      %get3A_369 = arith.constant 32 : index
      %get3A_370 = tpu.vector_load %arg12[%get3A_368, %get3A_369] {strides = array<i32>} : memref<256x128xf32, #tpu.memory_space<vmem>>, vector<16xf32>,
      %get3A_371 = arith.index_cast %add3A_352 : i32 to index
      %get3A_372 = arith.constant 32 : index
      %get3A_373 = tpu.vector_load %arg13[%get3A_371, %get3A_372] {strides = array<i32>} : memref<256x128xf32, #tpu.memory_space<vmem>>, vector<16xf32>,
      %mul3A_374 = arith.mulf %get3A_370, %get3A_373 : vector<16xf32>
      %add3A_375 = arith.addf %add3A_367, %mul3A_374 : vector<16xf32>
      %get3A_376 = arith.index_cast %add3A_352 : i32 to index
      %get3A_377 = arith.constant 48 : index
      %get3A_378 = tpu.vector_load %arg12[%get3A_376, %get3A_377] {strides = array<i32>} : memref<256x128xf32, #tpu.memory_space<vmem>>, vector<16xf32>,
      %get3A_379 = arith.index_cast %add3A_352 : i32 to index
      %get3A_380 = arith.constant 48 : index
      %get3A_381 = tpu.vector_load %arg13[%get3A_379, %get3A_380] {strides = array<i32>} : memref<256x128xf32, #tpu.memory_space<vmem>>, vector<16xf32>,
      %mul3A_382 = arith.mulf %get3A_378, %get3A_381 : vector<16xf32>
      %add3A_383 = arith.addf %add3A_375, %mul3A_382 : vector<16xf32>
      %reduce_sum3A_384 = arith.constant true
      %reduce_sum3A_385 = vector.broadcast %reduce_sum3A_384 : i1 to vector<16xi1>
      %reduce_sum3A_386 = tpu.scan <sum>, %add3A_383 masked %reduce_sum3A_385 : vector<16xf32>, vector<16xi1> -> vector<16xf32>
      %reduce_sum3A_387 = vector.extract %reduce_sum3A_386[15] : f32 from vector<16xf32>
      %mul3A_388 = vector.broadcast %reduce_sum3A_387 : f32 to vector<16xf32>
      %mul3A_389 = arith.mulf %mul3A_388, %convert_element_type3A_37 : vector<16xf32>
      %add3A_390 = arith.addf %add3A_350, %mul3A_389 : vector<16xf32>
      %add3A_391 = arith.constant 6 : i32
      %add3A_392 = arith.addi %add3A_141, %add3A_391 : i32
      %get3A_393 = arith.index_cast %add3A_392 : i32 to index
      %get3A_394 = arith.constant 0 : index
      %get3A_395 = tpu.vector_load %arg12[%get3A_393, %get3A_394] {strides = array<i32>} : memref<256x128xf32, #tpu.memory_space<vmem>>, vector<16xf32>,
      %get3A_396 = arith.index_cast %add3A_392 : i32 to index
      %get3A_397 = arith.constant 0 : index
      %get3A_398 = tpu.vector_load %arg13[%get3A_396, %get3A_397] {strides = array<i32>} : memref<256x128xf32, #tpu.memory_space<vmem>>, vector<16xf32>,
      %mul3A_399 = arith.mulf %get3A_395, %get3A_398 : vector<16xf32>
      %get3A_400 = arith.index_cast %add3A_392 : i32 to index
      %get3A_401 = arith.constant 16 : index
      %get3A_402 = tpu.vector_load %arg12[%get3A_400, %get3A_401] {strides = array<i32>} : memref<256x128xf32, #tpu.memory_space<vmem>>, vector<16xf32>,
      %get3A_403 = arith.index_cast %add3A_392 : i32 to index
      %get3A_404 = arith.constant 16 : index
      %get3A_405 = tpu.vector_load %arg13[%get3A_403, %get3A_404] {strides = array<i32>} : memref<256x128xf32, #tpu.memory_space<vmem>>, vector<16xf32>,
      %mul3A_406 = arith.mulf %get3A_402, %get3A_405 : vector<16xf32>
      %add3A_407 = arith.addf %mul3A_399, %mul3A_406 : vector<16xf32>
      %get3A_408 = arith.index_cast %add3A_392 : i32 to index
      %get3A_409 = arith.constant 32 : index
      %get3A_410 = tpu.vector_load %arg12[%get3A_408, %get3A_409] {strides = array<i32>} : memref<256x128xf32, #tpu.memory_space<vmem>>, vector<16xf32>,
      %get3A_411 = arith.index_cast %add3A_392 : i32 to index
      %get3A_412 = arith.constant 32 : index
      %get3A_413 = tpu.vector_load %arg13[%get3A_411, %get3A_412] {strides = array<i32>} : memref<256x128xf32, #tpu.memory_space<vmem>>, vector<16xf32>,
      %mul3A_414 = arith.mulf %get3A_410, %get3A_413 : vector<16xf32>
      %add3A_415 = arith.addf %add3A_407, %mul3A_414 : vector<16xf32>
      %get3A_416 = arith.index_cast %add3A_392 : i32 to index
      %get3A_417 = arith.constant 48 : index
      %get3A_418 = tpu.vector_load %arg12[%get3A_416, %get3A_417] {strides = array<i32>} : memref<256x128xf32, #tpu.memory_space<vmem>>, vector<16xf32>,
      %get3A_419 = arith.index_cast %add3A_392 : i32 to index
      %get3A_420 = arith.constant 48 : index
      %get3A_421 = tpu.vector_load %arg13[%get3A_419, %get3A_420] {strides = array<i32>} : memref<256x128xf32, #tpu.memory_space<vmem>>, vector<16xf32>,
      %mul3A_422 = arith.mulf %get3A_418, %get3A_421 : vector<16xf32>
      %add3A_423 = arith.addf %add3A_415, %mul3A_422 : vector<16xf32>
      %reduce_sum3A_424 = arith.constant true
      %reduce_sum3A_425 = vector.broadcast %reduce_sum3A_424 : i1 to vector<16xi1>
      %reduce_sum3A_426 = tpu.scan <sum>, %add3A_423 masked %reduce_sum3A_425 : vector<16xf32>, vector<16xi1> -> vector<16xf32>
      %reduce_sum3A_427 = vector.extract %reduce_sum3A_426[15] : f32 from vector<16xf32>
      %mul3A_428 = vector.broadcast %reduce_sum3A_427 : f32 to vector<16xf32>
      %mul3A_429 = arith.mulf %mul3A_428, %convert_element_type3A_42 : vector<16xf32>
      %add3A_430 = arith.addf %add3A_390, %mul3A_429 : vector<16xf32>
      %add3A_431 = arith.constant 7 : i32
      %add3A_432 = arith.addi %add3A_141, %add3A_431 : i32
      %get3A_433 = arith.index_cast %add3A_432 : i32 to index
      %get3A_434 = arith.constant 0 : index
      %get3A_435 = tpu.vector_load %arg12[%get3A_433, %get3A_434] {strides = array<i32>} : memref<256x128xf32, #tpu.memory_space<vmem>>, vector<16xf32>,
      %get3A_436 = arith.index_cast %add3A_432 : i32 to index
      %get3A_437 = arith.constant 0 : index
      %get3A_438 = tpu.vector_load %arg13[%get3A_436, %get3A_437] {strides = array<i32>} : memref<256x128xf32, #tpu.memory_space<vmem>>, vector<16xf32>,
      %mul3A_439 = arith.mulf %get3A_435, %get3A_438 : vector<16xf32>
      %get3A_440 = arith.index_cast %add3A_432 : i32 to index
      %get3A_441 = arith.constant 16 : index
      %get3A_442 = tpu.vector_load %arg12[%get3A_440, %get3A_441] {strides = array<i32>} : memref<256x128xf32, #tpu.memory_space<vmem>>, vector<16xf32>,
      %get3A_443 = arith.index_cast %add3A_432 : i32 to index
      %get3A_444 = arith.constant 16 : index
      %get3A_445 = tpu.vector_load %arg13[%get3A_443, %get3A_444] {strides = array<i32>} : memref<256x128xf32, #tpu.memory_space<vmem>>, vector<16xf32>,
      %mul3A_446 = arith.mulf %get3A_442, %get3A_445 : vector<16xf32>
      %add3A_447 = arith.addf %mul3A_439, %mul3A_446 : vector<16xf32>
      %get3A_448 = arith.index_cast %add3A_432 : i32 to index
      %get3A_449 = arith.constant 32 : index
      %get3A_450 = tpu.vector_load %arg12[%get3A_448, %get3A_449] {strides = array<i32>} : memref<256x128xf32, #tpu.memory_space<vmem>>, vector<16xf32>,
      %get3A_451 = arith.index_cast %add3A_432 : i32 to index
      %get3A_452 = arith.constant 32 : index
      %get3A_453 = tpu.vector_load %arg13[%get3A_451, %get3A_452] {strides = array<i32>} : memref<256x128xf32, #tpu.memory_space<vmem>>, vector<16xf32>,
      %mul3A_454 = arith.mulf %get3A_450, %get3A_453 : vector<16xf32>
      %add3A_455 = arith.addf %add3A_447, %mul3A_454 : vector<16xf32>
      %get3A_456 = arith.index_cast %add3A_432 : i32 to index
      %get3A_457 = arith.constant 48 : index
      %get3A_458 = tpu.vector_load %arg12[%get3A_456, %get3A_457] {strides = array<i32>} : memref<256x128xf32, #tpu.memory_space<vmem>>, vector<16xf32>,
      %get3A_459 = arith.index_cast %add3A_432 : i32 to index
      %get3A_460 = arith.constant 48 : index
      %get3A_461 = tpu.vector_load %arg13[%get3A_459, %get3A_460] {strides = array<i32>} : memref<256x128xf32, #tpu.memory_space<vmem>>, vector<16xf32>,
      %mul3A_462 = arith.mulf %get3A_458, %get3A_461 : vector<16xf32>
      %add3A_463 = arith.addf %add3A_455, %mul3A_462 : vector<16xf32>
      %reduce_sum3A_464 = arith.constant true
      %reduce_sum3A_465 = vector.broadcast %reduce_sum3A_464 : i1 to vector<16xi1>
      %reduce_sum3A_466 = tpu.scan <sum>, %add3A_463 masked %reduce_sum3A_465 : vector<16xf32>, vector<16xi1> -> vector<16xf32>
      %reduce_sum3A_467 = vector.extract %reduce_sum3A_466[15] : f32 from vector<16xf32>
      %mul3A_468 = vector.broadcast %reduce_sum3A_467 : f32 to vector<16xf32>
      %mul3A_469 = arith.mulf %mul3A_468, %convert_element_type3A_47 : vector<16xf32>
      %add3A_470 = arith.addf %add3A_430, %mul3A_469 : vector<16xf32>
      %add3A_471 = arith.constant 8 : i32
      %add3A_472 = arith.addi %add3A_141, %add3A_471 : i32
      %get3A_473 = arith.index_cast %add3A_472 : i32 to index
      %get3A_474 = arith.constant 0 : index
      %get3A_475 = tpu.vector_load %arg12[%get3A_473, %get3A_474] {strides = array<i32>} : memref<256x128xf32, #tpu.memory_space<vmem>>, vector<16xf32>,
      %get3A_476 = arith.index_cast %add3A_472 : i32 to index
      %get3A_477 = arith.constant 0 : index
      %get3A_478 = tpu.vector_load %arg13[%get3A_476, %get3A_477] {strides = array<i32>} : memref<256x128xf32, #tpu.memory_space<vmem>>, vector<16xf32>,
      %mul3A_479 = arith.mulf %get3A_475, %get3A_478 : vector<16xf32>
      %get3A_480 = arith.index_cast %add3A_472 : i32 to index
      %get3A_481 = arith.constant 16 : index
      %get3A_482 = tpu.vector_load %arg12[%get3A_480, %get3A_481] {strides = array<i32>} : memref<256x128xf32, #tpu.memory_space<vmem>>, vector<16xf32>,
      %get3A_483 = arith.index_cast %add3A_472 : i32 to index
      %get3A_484 = arith.constant 16 : index
      %get3A_485 = tpu.vector_load %arg13[%get3A_483, %get3A_484] {strides = array<i32>} : memref<256x128xf32, #tpu.memory_space<vmem>>, vector<16xf32>,
      %mul3A_486 = arith.mulf %get3A_482, %get3A_485 : vector<16xf32>
      %add3A_487 = arith.addf %mul3A_479, %mul3A_486 : vector<16xf32>
      %get3A_488 = arith.index_cast %add3A_472 : i32 to index
      %get3A_489 = arith.constant 32 : index
      %get3A_490 = tpu.vector_load %arg12[%get3A_488, %get3A_489] {strides = array<i32>} : memref<256x128xf32, #tpu.memory_space<vmem>>, vector<16xf32>,
      %get3A_491 = arith.index_cast %add3A_472 : i32 to index
      %get3A_492 = arith.constant 32 : index
      %get3A_493 = tpu.vector_load %arg13[%get3A_491, %get3A_492] {strides = array<i32>} : memref<256x128xf32, #tpu.memory_space<vmem>>, vector<16xf32>,
      %mul3A_494 = arith.mulf %get3A_490, %get3A_493 : vector<16xf32>
      %add3A_495 = arith.addf %add3A_487, %mul3A_494 : vector<16xf32>
      %get3A_496 = arith.index_cast %add3A_472 : i32 to index
      %get3A_497 = arith.constant 48 : index
      %get3A_498 = tpu.vector_load %arg12[%get3A_496, %get3A_497] {strides = array<i32>} : memref<256x128xf32, #tpu.memory_space<vmem>>, vector<16xf32>,
      %get3A_499 = arith.index_cast %add3A_472 : i32 to index
      %get3A_500 = arith.constant 48 : index
      %get3A_501 = tpu.vector_load %arg13[%get3A_499, %get3A_500] {strides = array<i32>} : memref<256x128xf32, #tpu.memory_space<vmem>>, vector<16xf32>,
      %mul3A_502 = arith.mulf %get3A_498, %get3A_501 : vector<16xf32>
      %add3A_503 = arith.addf %add3A_495, %mul3A_502 : vector<16xf32>
      %reduce_sum3A_504 = arith.constant true
      %reduce_sum3A_505 = vector.broadcast %reduce_sum3A_504 : i1 to vector<16xi1>
      %reduce_sum3A_506 = tpu.scan <sum>, %add3A_503 masked %reduce_sum3A_505 : vector<16xf32>, vector<16xi1> -> vector<16xf32>
      %reduce_sum3A_507 = vector.extract %reduce_sum3A_506[15] : f32 from vector<16xf32>
      %mul3A_508 = vector.broadcast %reduce_sum3A_507 : f32 to vector<16xf32>
      %mul3A_509 = arith.mulf %mul3A_508, %convert_element_type3A_52 : vector<16xf32>
      %add3A_510 = arith.addf %add3A_470, %mul3A_509 : vector<16xf32>
      %add3A_511 = arith.constant 9 : i32
      %add3A_512 = arith.addi %add3A_141, %add3A_511 : i32
      %get3A_513 = arith.index_cast %add3A_512 : i32 to index
      %get3A_514 = arith.constant 0 : index
      %get3A_515 = tpu.vector_load %arg12[%get3A_513, %get3A_514] {strides = array<i32>} : memref<256x128xf32, #tpu.memory_space<vmem>>, vector<16xf32>,
      %get3A_516 = arith.index_cast %add3A_512 : i32 to index
      %get3A_517 = arith.constant 0 : index
      %get3A_518 = tpu.vector_load %arg13[%get3A_516, %get3A_517] {strides = array<i32>} : memref<256x128xf32, #tpu.memory_space<vmem>>, vector<16xf32>,
      %mul3A_519 = arith.mulf %get3A_515, %get3A_518 : vector<16xf32>
      %get3A_520 = arith.index_cast %add3A_512 : i32 to index
      %get3A_521 = arith.constant 16 : index
      %get3A_522 = tpu.vector_load %arg12[%get3A_520, %get3A_521] {strides = array<i32>} : memref<256x128xf32, #tpu.memory_space<vmem>>, vector<16xf32>,
      %get3A_523 = arith.index_cast %add3A_512 : i32 to index
      %get3A_524 = arith.constant 16 : index
      %get3A_525 = tpu.vector_load %arg13[%get3A_523, %get3A_524] {strides = array<i32>} : memref<256x128xf32, #tpu.memory_space<vmem>>, vector<16xf32>,
      %mul3A_526 = arith.mulf %get3A_522, %get3A_525 : vector<16xf32>
      %add3A_527 = arith.addf %mul3A_519, %mul3A_526 : vector<16xf32>
      %get3A_528 = arith.index_cast %add3A_512 : i32 to index
      %get3A_529 = arith.constant 32 : index
      %get3A_530 = tpu.vector_load %arg12[%get3A_528, %get3A_529] {strides = array<i32>} : memref<256x128xf32, #tpu.memory_space<vmem>>, vector<16xf32>,
      %get3A_531 = arith.index_cast %add3A_512 : i32 to index
      %get3A_532 = arith.constant 32 : index
      %get3A_533 = tpu.vector_load %arg13[%get3A_531, %get3A_532] {strides = array<i32>} : memref<256x128xf32, #tpu.memory_space<vmem>>, vector<16xf32>,
      %mul3A_534 = arith.mulf %get3A_530, %get3A_533 : vector<16xf32>
      %add3A_535 = arith.addf %add3A_527, %mul3A_534 : vector<16xf32>
      %get3A_536 = arith.index_cast %add3A_512 : i32 to index
      %get3A_537 = arith.constant 48 : index
      %get3A_538 = tpu.vector_load %arg12[%get3A_536, %get3A_537] {strides = array<i32>} : memref<256x128xf32, #tpu.memory_space<vmem>>, vector<16xf32>,
      %get3A_539 = arith.index_cast %add3A_512 : i32 to index
      %get3A_540 = arith.constant 48 : index
      %get3A_541 = tpu.vector_load %arg13[%get3A_539, %get3A_540] {strides = array<i32>} : memref<256x128xf32, #tpu.memory_space<vmem>>, vector<16xf32>,
      %mul3A_542 = arith.mulf %get3A_538, %get3A_541 : vector<16xf32>
      %add3A_543 = arith.addf %add3A_535, %mul3A_542 : vector<16xf32>
      %reduce_sum3A_544 = arith.constant true
      %reduce_sum3A_545 = vector.broadcast %reduce_sum3A_544 : i1 to vector<16xi1>
      %reduce_sum3A_546 = tpu.scan <sum>, %add3A_543 masked %reduce_sum3A_545 : vector<16xf32>, vector<16xi1> -> vector<16xf32>
      %reduce_sum3A_547 = vector.extract %reduce_sum3A_546[15] : f32 from vector<16xf32>
      %mul3A_548 = vector.broadcast %reduce_sum3A_547 : f32 to vector<16xf32>
      %mul3A_549 = arith.mulf %mul3A_548, %convert_element_type3A_57 : vector<16xf32>
      %add3A_550 = arith.addf %add3A_510, %mul3A_549 : vector<16xf32>
      %add3A_551 = arith.constant 10 : i32
      %add3A_552 = arith.addi %add3A_141, %add3A_551 : i32
      %get3A_553 = arith.index_cast %add3A_552 : i32 to index
      %get3A_554 = arith.constant 0 : index
      %get3A_555 = tpu.vector_load %arg12[%get3A_553, %get3A_554] {strides = array<i32>} : memref<256x128xf32, #tpu.memory_space<vmem>>, vector<16xf32>,
      %get3A_556 = arith.index_cast %add3A_552 : i32 to index
      %get3A_557 = arith.constant 0 : index
      %get3A_558 = tpu.vector_load %arg13[%get3A_556, %get3A_557] {strides = array<i32>} : memref<256x128xf32, #tpu.memory_space<vmem>>, vector<16xf32>,
      %mul3A_559 = arith.mulf %get3A_555, %get3A_558 : vector<16xf32>
      %get3A_560 = arith.index_cast %add3A_552 : i32 to index
      %get3A_561 = arith.constant 16 : index
      %get3A_562 = tpu.vector_load %arg12[%get3A_560, %get3A_561] {strides = array<i32>} : memref<256x128xf32, #tpu.memory_space<vmem>>, vector<16xf32>,
      %get3A_563 = arith.index_cast %add3A_552 : i32 to index
      %get3A_564 = arith.constant 16 : index
      %get3A_565 = tpu.vector_load %arg13[%get3A_563, %get3A_564] {strides = array<i32>} : memref<256x128xf32, #tpu.memory_space<vmem>>, vector<16xf32>,
      %mul3A_566 = arith.mulf %get3A_562, %get3A_565 : vector<16xf32>
      %add3A_567 = arith.addf %mul3A_559, %mul3A_566 : vector<16xf32>
      %get3A_568 = arith.index_cast %add3A_552 : i32 to index
      %get3A_569 = arith.constant 32 : index
      %get3A_570 = tpu.vector_load %arg12[%get3A_568, %get3A_569] {strides = array<i32>} : memref<256x128xf32, #tpu.memory_space<vmem>>, vector<16xf32>,
      %get3A_571 = arith.index_cast %add3A_552 : i32 to index
      %get3A_572 = arith.constant 32 : index
      %get3A_573 = tpu.vector_load %arg13[%get3A_571, %get3A_572] {strides = array<i32>} : memref<256x128xf32, #tpu.memory_space<vmem>>, vector<16xf32>,
      %mul3A_574 = arith.mulf %get3A_570, %get3A_573 : vector<16xf32>
      %add3A_575 = arith.addf %add3A_567, %mul3A_574 : vector<16xf32>
      %get3A_576 = arith.index_cast %add3A_552 : i32 to index
      %get3A_577 = arith.constant 48 : index
      %get3A_578 = tpu.vector_load %arg12[%get3A_576, %get3A_577] {strides = array<i32>} : memref<256x128xf32, #tpu.memory_space<vmem>>, vector<16xf32>,
      %get3A_579 = arith.index_cast %add3A_552 : i32 to index
      %get3A_580 = arith.constant 48 : index
      %get3A_581 = tpu.vector_load %arg13[%get3A_579, %get3A_580] {strides = array<i32>} : memref<256x128xf32, #tpu.memory_space<vmem>>, vector<16xf32>,
      %mul3A_582 = arith.mulf %get3A_578, %get3A_581 : vector<16xf32>
      %add3A_583 = arith.addf %add3A_575, %mul3A_582 : vector<16xf32>
      %reduce_sum3A_584 = arith.constant true
      %reduce_sum3A_585 = vector.broadcast %reduce_sum3A_584 : i1 to vector<16xi1>
      %reduce_sum3A_586 = tpu.scan <sum>, %add3A_583 masked %reduce_sum3A_585 : vector<16xf32>, vector<16xi1> -> vector<16xf32>
      %reduce_sum3A_587 = vector.extract %reduce_sum3A_586[15] : f32 from vector<16xf32>
      %mul3A_588 = vector.broadcast %reduce_sum3A_587 : f32 to vector<16xf32>
      %mul3A_589 = arith.mulf %mul3A_588, %convert_element_type3A_62 : vector<16xf32>
      %add3A_590 = arith.addf %add3A_550, %mul3A_589 : vector<16xf32>
      %add3A_591 = arith.constant 11 : i32
      %add3A_592 = arith.addi %add3A_141, %add3A_591 : i32
      %get3A_593 = arith.index_cast %add3A_592 : i32 to index
      %get3A_594 = arith.constant 0 : index
      %get3A_595 = tpu.vector_load %arg12[%get3A_593, %get3A_594] {strides = array<i32>} : memref<256x128xf32, #tpu.memory_space<vmem>>, vector<16xf32>,
      %get3A_596 = arith.index_cast %add3A_592 : i32 to index
      %get3A_597 = arith.constant 0 : index
      %get3A_598 = tpu.vector_load %arg13[%get3A_596, %get3A_597] {strides = array<i32>} : memref<256x128xf32, #tpu.memory_space<vmem>>, vector<16xf32>,
      %mul3A_599 = arith.mulf %get3A_595, %get3A_598 : vector<16xf32>
      %get3A_600 = arith.index_cast %add3A_592 : i32 to index
      %get3A_601 = arith.constant 16 : index
      %get3A_602 = tpu.vector_load %arg12[%get3A_600, %get3A_601] {strides = array<i32>} : memref<256x128xf32, #tpu.memory_space<vmem>>, vector<16xf32>,
      %get3A_603 = arith.index_cast %add3A_592 : i32 to index
      %get3A_604 = arith.constant 16 : index
      %get3A_605 = tpu.vector_load %arg13[%get3A_603, %get3A_604] {strides = array<i32>} : memref<256x128xf32, #tpu.memory_space<vmem>>, vector<16xf32>,
      %mul3A_606 = arith.mulf %get3A_602, %get3A_605 : vector<16xf32>
      %add3A_607 = arith.addf %mul3A_599, %mul3A_606 : vector<16xf32>
      %get3A_608 = arith.index_cast %add3A_592 : i32 to index
      %get3A_609 = arith.constant 32 : index
      %get3A_610 = tpu.vector_load %arg12[%get3A_608, %get3A_609] {strides = array<i32>} : memref<256x128xf32, #tpu.memory_space<vmem>>, vector<16xf32>,
      %get3A_611 = arith.index_cast %add3A_592 : i32 to index
      %get3A_612 = arith.constant 32 : index
      %get3A_613 = tpu.vector_load %arg13[%get3A_611, %get3A_612] {strides = array<i32>} : memref<256x128xf32, #tpu.memory_space<vmem>>, vector<16xf32>,
      %mul3A_614 = arith.mulf %get3A_610, %get3A_613 : vector<16xf32>
      %add3A_615 = arith.addf %add3A_607, %mul3A_614 : vector<16xf32>
      %get3A_616 = arith.index_cast %add3A_592 : i32 to index
      %get3A_617 = arith.constant 48 : index
      %get3A_618 = tpu.vector_load %arg12[%get3A_616, %get3A_617] {strides = array<i32>} : memref<256x128xf32, #tpu.memory_space<vmem>>, vector<16xf32>,
      %get3A_619 = arith.index_cast %add3A_592 : i32 to index
      %get3A_620 = arith.constant 48 : index
      %get3A_621 = tpu.vector_load %arg13[%get3A_619, %get3A_620] {strides = array<i32>} : memref<256x128xf32, #tpu.memory_space<vmem>>, vector<16xf32>,
      %mul3A_622 = arith.mulf %get3A_618, %get3A_621 : vector<16xf32>
      %add3A_623 = arith.addf %add3A_615, %mul3A_622 : vector<16xf32>
      %reduce_sum3A_624 = arith.constant true
      %reduce_sum3A_625 = vector.broadcast %reduce_sum3A_624 : i1 to vector<16xi1>
      %reduce_sum3A_626 = tpu.scan <sum>, %add3A_623 masked %reduce_sum3A_625 : vector<16xf32>, vector<16xi1> -> vector<16xf32>
      %reduce_sum3A_627 = vector.extract %reduce_sum3A_626[15] : f32 from vector<16xf32>
      %mul3A_628 = vector.broadcast %reduce_sum3A_627 : f32 to vector<16xf32>
      %mul3A_629 = arith.mulf %mul3A_628, %convert_element_type3A_67 : vector<16xf32>
      %add3A_630 = arith.addf %add3A_590, %mul3A_629 : vector<16xf32>
      %add3A_631 = arith.constant 12 : i32
      %add3A_632 = arith.addi %add3A_141, %add3A_631 : i32
      %get3A_633 = arith.index_cast %add3A_632 : i32 to index
      %get3A_634 = arith.constant 0 : index
      %get3A_635 = tpu.vector_load %arg12[%get3A_633, %get3A_634] {strides = array<i32>} : memref<256x128xf32, #tpu.memory_space<vmem>>, vector<16xf32>,
      %get3A_636 = arith.index_cast %add3A_632 : i32 to index
      %get3A_637 = arith.constant 0 : index
      %get3A_638 = tpu.vector_load %arg13[%get3A_636, %get3A_637] {strides = array<i32>} : memref<256x128xf32, #tpu.memory_space<vmem>>, vector<16xf32>,
      %mul3A_639 = arith.mulf %get3A_635, %get3A_638 : vector<16xf32>
      %get3A_640 = arith.index_cast %add3A_632 : i32 to index
      %get3A_641 = arith.constant 16 : index
      %get3A_642 = tpu.vector_load %arg12[%get3A_640, %get3A_641] {strides = array<i32>} : memref<256x128xf32, #tpu.memory_space<vmem>>, vector<16xf32>,
      %get3A_643 = arith.index_cast %add3A_632 : i32 to index
      %get3A_644 = arith.constant 16 : index
      %get3A_645 = tpu.vector_load %arg13[%get3A_643, %get3A_644] {strides = array<i32>} : memref<256x128xf32, #tpu.memory_space<vmem>>, vector<16xf32>,
      %mul3A_646 = arith.mulf %get3A_642, %get3A_645 : vector<16xf32>
      %add3A_647 = arith.addf %mul3A_639, %mul3A_646 : vector<16xf32>
      %get3A_648 = arith.index_cast %add3A_632 : i32 to index
      %get3A_649 = arith.constant 32 : index
      %get3A_650 = tpu.vector_load %arg12[%get3A_648, %get3A_649] {strides = array<i32>} : memref<256x128xf32, #tpu.memory_space<vmem>>, vector<16xf32>,
      %get3A_651 = arith.index_cast %add3A_632 : i32 to index
      %get3A_652 = arith.constant 32 : index
      %get3A_653 = tpu.vector_load %arg13[%get3A_651, %get3A_652] {strides = array<i32>} : memref<256x128xf32, #tpu.memory_space<vmem>>, vector<16xf32>,
      %mul3A_654 = arith.mulf %get3A_650, %get3A_653 : vector<16xf32>
      %add3A_655 = arith.addf %add3A_647, %mul3A_654 : vector<16xf32>
      %get3A_656 = arith.index_cast %add3A_632 : i32 to index
      %get3A_657 = arith.constant 48 : index
      %get3A_658 = tpu.vector_load %arg12[%get3A_656, %get3A_657] {strides = array<i32>} : memref<256x128xf32, #tpu.memory_space<vmem>>, vector<16xf32>,
      %get3A_659 = arith.index_cast %add3A_632 : i32 to index
      %get3A_660 = arith.constant 48 : index
      %get3A_661 = tpu.vector_load %arg13[%get3A_659, %get3A_660] {strides = array<i32>} : memref<256x128xf32, #tpu.memory_space<vmem>>, vector<16xf32>,
      %mul3A_662 = arith.mulf %get3A_658, %get3A_661 : vector<16xf32>
      %add3A_663 = arith.addf %add3A_655, %mul3A_662 : vector<16xf32>
      %reduce_sum3A_664 = arith.constant true
      %reduce_sum3A_665 = vector.broadcast %reduce_sum3A_664 : i1 to vector<16xi1>
      %reduce_sum3A_666 = tpu.scan <sum>, %add3A_663 masked %reduce_sum3A_665 : vector<16xf32>, vector<16xi1> -> vector<16xf32>
      %reduce_sum3A_667 = vector.extract %reduce_sum3A_666[15] : f32 from vector<16xf32>
      %mul3A_668 = vector.broadcast %reduce_sum3A_667 : f32 to vector<16xf32>
      %mul3A_669 = arith.mulf %mul3A_668, %convert_element_type3A_72 : vector<16xf32>
      %add3A_670 = arith.addf %add3A_630, %mul3A_669 : vector<16xf32>
      %add3A_671 = arith.constant 13 : i32
      %add3A_672 = arith.addi %add3A_141, %add3A_671 : i32
      %get3A_673 = arith.index_cast %add3A_672 : i32 to index
      %get3A_674 = arith.constant 0 : index
      %get3A_675 = tpu.vector_load %arg12[%get3A_673, %get3A_674] {strides = array<i32>} : memref<256x128xf32, #tpu.memory_space<vmem>>, vector<16xf32>,
      %get3A_676 = arith.index_cast %add3A_672 : i32 to index
      %get3A_677 = arith.constant 0 : index
      %get3A_678 = tpu.vector_load %arg13[%get3A_676, %get3A_677] {strides = array<i32>} : memref<256x128xf32, #tpu.memory_space<vmem>>, vector<16xf32>,
      %mul3A_679 = arith.mulf %get3A_675, %get3A_678 : vector<16xf32>
      %get3A_680 = arith.index_cast %add3A_672 : i32 to index
      %get3A_681 = arith.constant 16 : index
      %get3A_682 = tpu.vector_load %arg12[%get3A_680, %get3A_681] {strides = array<i32>} : memref<256x128xf32, #tpu.memory_space<vmem>>, vector<16xf32>,
      %get3A_683 = arith.index_cast %add3A_672 : i32 to index
      %get3A_684 = arith.constant 16 : index
      %get3A_685 = tpu.vector_load %arg13[%get3A_683, %get3A_684] {strides = array<i32>} : memref<256x128xf32, #tpu.memory_space<vmem>>, vector<16xf32>,
      %mul3A_686 = arith.mulf %get3A_682, %get3A_685 : vector<16xf32>
      %add3A_687 = arith.addf %mul3A_679, %mul3A_686 : vector<16xf32>
      %get3A_688 = arith.index_cast %add3A_672 : i32 to index
      %get3A_689 = arith.constant 32 : index
      %get3A_690 = tpu.vector_load %arg12[%get3A_688, %get3A_689] {strides = array<i32>} : memref<256x128xf32, #tpu.memory_space<vmem>>, vector<16xf32>,
      %get3A_691 = arith.index_cast %add3A_672 : i32 to index
      %get3A_692 = arith.constant 32 : index
      %get3A_693 = tpu.vector_load %arg13[%get3A_691, %get3A_692] {strides = array<i32>} : memref<256x128xf32, #tpu.memory_space<vmem>>, vector<16xf32>,
      %mul3A_694 = arith.mulf %get3A_690, %get3A_693 : vector<16xf32>
      %add3A_695 = arith.addf %add3A_687, %mul3A_694 : vector<16xf32>
      %get3A_696 = arith.index_cast %add3A_672 : i32 to index
      %get3A_697 = arith.constant 48 : index
      %get3A_698 = tpu.vector_load %arg12[%get3A_696, %get3A_697] {strides = array<i32>} : memref<256x128xf32, #tpu.memory_space<vmem>>, vector<16xf32>,
      %get3A_699 = arith.index_cast %add3A_672 : i32 to index
      %get3A_700 = arith.constant 48 : index
      %get3A_701 = tpu.vector_load %arg13[%get3A_699, %get3A_700] {strides = array<i32>} : memref<256x128xf32, #tpu.memory_space<vmem>>, vector<16xf32>,
      %mul3A_702 = arith.mulf %get3A_698, %get3A_701 : vector<16xf32>
      %add3A_703 = arith.addf %add3A_695, %mul3A_702 : vector<16xf32>
      %reduce_sum3A_704 = arith.constant true
      %reduce_sum3A_705 = vector.broadcast %reduce_sum3A_704 : i1 to vector<16xi1>
      %reduce_sum3A_706 = tpu.scan <sum>, %add3A_703 masked %reduce_sum3A_705 : vector<16xf32>, vector<16xi1> -> vector<16xf32>
      %reduce_sum3A_707 = vector.extract %reduce_sum3A_706[15] : f32 from vector<16xf32>
      %mul3A_708 = vector.broadcast %reduce_sum3A_707 : f32 to vector<16xf32>
      %mul3A_709 = arith.mulf %mul3A_708, %convert_element_type3A_77 : vector<16xf32>
      %add3A_710 = arith.addf %add3A_670, %mul3A_709 : vector<16xf32>
      %add3A_711 = arith.constant 14 : i32
      %add3A_712 = arith.addi %add3A_141, %add3A_711 : i32
      %get3A_713 = arith.index_cast %add3A_712 : i32 to index
      %get3A_714 = arith.constant 0 : index
      %get3A_715 = tpu.vector_load %arg12[%get3A_713, %get3A_714] {strides = array<i32>} : memref<256x128xf32, #tpu.memory_space<vmem>>, vector<16xf32>,
      %get3A_716 = arith.index_cast %add3A_712 : i32 to index
      %get3A_717 = arith.constant 0 : index
      %get3A_718 = tpu.vector_load %arg13[%get3A_716, %get3A_717] {strides = array<i32>} : memref<256x128xf32, #tpu.memory_space<vmem>>, vector<16xf32>,
      %mul3A_719 = arith.mulf %get3A_715, %get3A_718 : vector<16xf32>
      %get3A_720 = arith.index_cast %add3A_712 : i32 to index
      %get3A_721 = arith.constant 16 : index
      %get3A_722 = tpu.vector_load %arg12[%get3A_720, %get3A_721] {strides = array<i32>} : memref<256x128xf32, #tpu.memory_space<vmem>>, vector<16xf32>,
      %get3A_723 = arith.index_cast %add3A_712 : i32 to index
      %get3A_724 = arith.constant 16 : index
      %get3A_725 = tpu.vector_load %arg13[%get3A_723, %get3A_724] {strides = array<i32>} : memref<256x128xf32, #tpu.memory_space<vmem>>, vector<16xf32>,
      %mul3A_726 = arith.mulf %get3A_722, %get3A_725 : vector<16xf32>
      %add3A_727 = arith.addf %mul3A_719, %mul3A_726 : vector<16xf32>
      %get3A_728 = arith.index_cast %add3A_712 : i32 to index
      %get3A_729 = arith.constant 32 : index
      %get3A_730 = tpu.vector_load %arg12[%get3A_728, %get3A_729] {strides = array<i32>} : memref<256x128xf32, #tpu.memory_space<vmem>>, vector<16xf32>,
      %get3A_731 = arith.index_cast %add3A_712 : i32 to index
      %get3A_732 = arith.constant 32 : index
      %get3A_733 = tpu.vector_load %arg13[%get3A_731, %get3A_732] {strides = array<i32>} : memref<256x128xf32, #tpu.memory_space<vmem>>, vector<16xf32>,
      %mul3A_734 = arith.mulf %get3A_730, %get3A_733 : vector<16xf32>
      %add3A_735 = arith.addf %add3A_727, %mul3A_734 : vector<16xf32>
      %get3A_736 = arith.index_cast %add3A_712 : i32 to index
      %get3A_737 = arith.constant 48 : index
      %get3A_738 = tpu.vector_load %arg12[%get3A_736, %get3A_737] {strides = array<i32>} : memref<256x128xf32, #tpu.memory_space<vmem>>, vector<16xf32>,
      %get3A_739 = arith.index_cast %add3A_712 : i32 to index
      %get3A_740 = arith.constant 48 : index
      %get3A_741 = tpu.vector_load %arg13[%get3A_739, %get3A_740] {strides = array<i32>} : memref<256x128xf32, #tpu.memory_space<vmem>>, vector<16xf32>,
      %mul3A_742 = arith.mulf %get3A_738, %get3A_741 : vector<16xf32>
      %add3A_743 = arith.addf %add3A_735, %mul3A_742 : vector<16xf32>
      %reduce_sum3A_744 = arith.constant true
      %reduce_sum3A_745 = vector.broadcast %reduce_sum3A_744 : i1 to vector<16xi1>
      %reduce_sum3A_746 = tpu.scan <sum>, %add3A_743 masked %reduce_sum3A_745 : vector<16xf32>, vector<16xi1> -> vector<16xf32>
      %reduce_sum3A_747 = vector.extract %reduce_sum3A_746[15] : f32 from vector<16xf32>
      %mul3A_748 = vector.broadcast %reduce_sum3A_747 : f32 to vector<16xf32>
      %mul3A_749 = arith.mulf %mul3A_748, %convert_element_type3A_82 : vector<16xf32>
      %add3A_750 = arith.addf %add3A_710, %mul3A_749 : vector<16xf32>
      %add3A_751 = arith.constant 15 : i32
      %add3A_752 = arith.addi %add3A_141, %add3A_751 : i32
      %get3A_753 = arith.index_cast %add3A_752 : i32 to index
      %get3A_754 = arith.constant 0 : index
      %get3A_755 = tpu.vector_load %arg12[%get3A_753, %get3A_754] {strides = array<i32>} : memref<256x128xf32, #tpu.memory_space<vmem>>, vector<16xf32>,
      %get3A_756 = arith.index_cast %add3A_752 : i32 to index
      %get3A_757 = arith.constant 0 : index
      %get3A_758 = tpu.vector_load %arg13[%get3A_756, %get3A_757] {strides = array<i32>} : memref<256x128xf32, #tpu.memory_space<vmem>>, vector<16xf32>,
      %mul3A_759 = arith.mulf %get3A_755, %get3A_758 : vector<16xf32>
      %get3A_760 = arith.index_cast %add3A_752 : i32 to index
      %get3A_761 = arith.constant 16 : index
      %get3A_762 = tpu.vector_load %arg12[%get3A_760, %get3A_761] {strides = array<i32>} : memref<256x128xf32, #tpu.memory_space<vmem>>, vector<16xf32>,
      %get3A_763 = arith.index_cast %add3A_752 : i32 to index
      %get3A_764 = arith.constant 16 : index
      %get3A_765 = tpu.vector_load %arg13[%get3A_763, %get3A_764] {strides = array<i32>} : memref<256x128xf32, #tpu.memory_space<vmem>>, vector<16xf32>,
      %mul3A_766 = arith.mulf %get3A_762, %get3A_765 : vector<16xf32>
      %add3A_767 = arith.addf %mul3A_759, %mul3A_766 : vector<16xf32>
      %get3A_768 = arith.index_cast %add3A_752 : i32 to index
      %get3A_769 = arith.constant 32 : index
      %get3A_770 = tpu.vector_load %arg12[%get3A_768, %get3A_769] {strides = array<i32>} : memref<256x128xf32, #tpu.memory_space<vmem>>, vector<16xf32>,
      %get3A_771 = arith.index_cast %add3A_752 : i32 to index
      %get3A_772 = arith.constant 32 : index
      %get3A_773 = tpu.vector_load %arg13[%get3A_771, %get3A_772] {strides = array<i32>} : memref<256x128xf32, #tpu.memory_space<vmem>>, vector<16xf32>,
      %mul3A_774 = arith.mulf %get3A_770, %get3A_773 : vector<16xf32>
      %add3A_775 = arith.addf %add3A_767, %mul3A_774 : vector<16xf32>
      %get3A_776 = arith.index_cast %add3A_752 : i32 to index
      %get3A_777 = arith.constant 48 : index
      %get3A_778 = tpu.vector_load %arg12[%get3A_776, %get3A_777] {strides = array<i32>} : memref<256x128xf32, #tpu.memory_space<vmem>>, vector<16xf32>,
      %get3A_779 = arith.index_cast %add3A_752 : i32 to index
      %get3A_780 = arith.constant 48 : index
      %get3A_781 = tpu.vector_load %arg13[%get3A_779, %get3A_780] {strides = array<i32>} : memref<256x128xf32, #tpu.memory_space<vmem>>, vector<16xf32>,
      %mul3A_782 = arith.mulf %get3A_778, %get3A_781 : vector<16xf32>
      %add3A_783 = arith.addf %add3A_775, %mul3A_782 : vector<16xf32>
      %reduce_sum3A_784 = arith.constant true
      %reduce_sum3A_785 = vector.broadcast %reduce_sum3A_784 : i1 to vector<16xi1>
      %reduce_sum3A_786 = tpu.scan <sum>, %add3A_783 masked %reduce_sum3A_785 : vector<16xf32>, vector<16xi1> -> vector<16xf32>
      %reduce_sum3A_787 = vector.extract %reduce_sum3A_786[15] : f32 from vector<16xf32>
      %mul3A_788 = vector.broadcast %reduce_sum3A_787 : f32 to vector<16xf32>
      %mul3A_789 = arith.mulf %mul3A_788, %convert_element_type3A_87 : vector<16xf32>
      %add3A_790 = arith.addf %add3A_750, %mul3A_789 : vector<16xf32>
      %add3A_791 = arith.constant 256 : i32
      %add3A_792 = arith.addi %add3A_791, %add3A_141 : i32
      %swap3A = arith.index_cast %add3A_792 : i32 to index
      %swap3A_793 = tpu.vector_load %arg17[%swap3A] {strides = array<i32>} : memref<512xf32, #tpu.memory_space<vmem>>, vector<16xf32>,
      tpu.vector_store %arg17[%swap3A], %add3A_790 {strides = array<i32>} : memref<512xf32, #tpu.memory_space<vmem>>, vector<16xf32>,
    }
    %scan3A_136 = arith.constant 16 : i32
    "tpu.region"() ({
      %run_scoped3A = tpu.sem_alloc : memref<!tpu.dma_semaphore, #tpu.memory_space<semaphore_mem>>
      %dma_start3A_137 = tpu.memref_slice %arg9[%mul3A_2] : memref<16384xf32, #tpu.memory_space<hbm>> -> memref<512xf32, #tpu.memory_space<hbm>>
      %dma_start3A_138 = tpu.memref_slice %arg9[%mul3A_2] : memref<16384xf32, #tpu.memory_space<hbm>> -> memref<512xf32, #tpu.memory_space<hbm>>
      tpu.enqueue_dma source(%arg17 : memref<512xf32, #tpu.memory_space<vmem>>) target(%dma_start3A_138 : memref<512xf32, #tpu.memory_space<hbm>>) target_semaphore(%run_scoped3A : memref<!tpu.dma_semaphore, #tpu.memory_space<semaphore_mem>>)
      %dma_wait3A_139 = tpu.memref_slice %arg9[%mul3A_2] : memref<16384xf32, #tpu.memory_space<hbm>> -> memref<512xf32, #tpu.memory_space<hbm>>
      %dma_wait3A_140 = tpu.memref_slice %arg9[%mul3A_2] : memref<16384xf32, #tpu.memory_space<hbm>> -> memref<512xf32, #tpu.memory_space<hbm>>
      tpu.wait_dma2 semaphore(%run_scoped3A : memref<!tpu.dma_semaphore, #tpu.memory_space<semaphore_mem>>) src(%arg17 : memref<512xf32, #tpu.memory_space<vmem>>) dst(%dma_wait3A_140 : memref<512xf32, #tpu.memory_space<hbm>>)
      tpu.yield
    }) : () -> ()
    return
  }
}

</mosaic_0001>

<sc_bundles>
// kernel: kernel.3.cloned.1.call-start
scs
__scs_entry_jumppad:
0x0: {  	(pc) =	sbr.rel $0x88, $3  }
0x1: {  	(tag) =	ssettag $0x0;
	lr =	simm.s32 $0x1  }
0x2: {  	[smem:$0x3F9A] =	sst lr;
	_ =	strace $0xD0000000  }
0x3: {  	_ = 	snop  }
0x4: {  	_ = 	snop  }
0x5: {  	_ = 	snop  }
0x6: {  	_ = 	snop  }
0x7: {  	_ = 	snop  }
__scs_overlays_trampoline_lowered:
0x8: {  	[smem:$0x3FA9] =	sst s0  }
0x9: {  	[smem:$0x3FAA] =	sst s1  }
0xa: {  	[smem:$0x3FAB] =	sst s2  }
0xb: {  	[smem:$0x3FAC] =	sst s3  }
0xc: {  	[smem:$0x3FAD] =	sst s4  }
0xd: {  	[smem:$0x3FAE] =	sst s5  }
0xe: {  	[smem:$0x3FAF] =	sst s6  }
0xf: {  	[smem:$0x3FB0] =	sst s7  }
0x10: {  	[smem:$0x3FB1] =	sst s8  }
0x11: {  	[smem:$0x3FB2] =	sst s9;
	s0 =	simm.s32 @!p0 $0x0  }
0x12: {  	s1 =	sld [smem:$0x3F98];
	s0 =	simm.s32 @p0 $0x1  }
0x13: {  	[smem:$0x3FB3] =	sst s0;
	s0 =	simm.s32 @!p1 $0x0  }
0x14: {  	s2 =	sld [smem:$0x3F97];
	s0 =	simm.s32 @p1 $0x1  }
0x15: {  	[smem:$0x3FB4] =	sst s0;
	s0 =	simm.s32 @!p2 $0x0  }
0x16: {  	s3 =	sld [smem:$0x3FDB];
	s0 =	simm.s32 @p2 $0x1  }
0x17: {  	s4 =	simm.s32 $0x1BF5;
	[smem:$0x3FB6] =	sst s0  }
0x18: {  	s0 =	sld [smem:$0x3F99];
	_ =	swait.ge [sflag:s4], $0x0  }
0x19: {  	s7 =	sld [smem:$0x3F9A]  }
0x1a: {  	s8 =	sadd.s32 $0xFFFFE003, lr  }
0x1b: {  	s9 =	sadd.s32 $0xFFFFFEF7, lr;
	s5 =	simm.s32 $0xFFFFFFFF;
	p2 =	slt.u32 s8, $0xFFFFF086  }
0x1c: {  	p1 =	slt.u32 s9, $0xF7A;
	s5 =	simm.s32 @!p2 $0x0  }
0x1d: {  	s5 =	simm.s32 @p1 $0x1;
	p0 =	seq.s32 s7, s2  }
0x1e: {  	s7 =	smul.u32 @!p0 $0xF7A, s2;
	p2 =	seq.s32 @!p0 s5, $0x0  }
0x1f: {  	s9 =	smul.u32 $0xF7A, s1;
	s8 =	simm.s32 @!p0 $0x1BF5;
	p2 =	por !p2, p0  }
0x20: {  	[sflag:s8] =	ssyncset.s32 @!p0 $0xFFFFF086;
	s6 =	sadd.s32 @!p0 s3, s7;
	s7 =	simm.s32 @!p0 $0x108  }
0x21: {  	s3 =	sadd.s32 s3, s9;
	s6 =	sadd.s32 @!p0 $0x88, s6;
	s7 =	simm.s32 @p2 $0x1082  }
0x22: {  	[simem:s7], [sflag:s8] =	dma.local @!p0 [hbm:s6], $0xF7A  }
0x23: {  	s9 =	sor.u32 $0xD0000000, s2;
	s6 =	simm.s32 $0x108;
	_ =	swait.ge @!p0 [sflag:s8], $0x0  }
0x24: {  	s3 =	sadd.s32 $0x88, s3;
	s6 =	simm.s32 @!p1 $0x1082;
	[sflag:s4] =	ssyncset.s32 $0xFFFFF086  }
0x25: {  	[simem:s6], [sflag:s4] =	dma.local [hbm:s3], $0xF7A  }
0x26: {  	[smem:$0x3F9A] =	sst s1;
	(tag) =	ssettag s2;
	_ =	strace s9  }
0x27: {  	s1 =	sld [smem:$0x3FAA]  }
0x28: {  	s2 =	sld [smem:$0x3FAB]  }
0x29: {  	s4 =	sld [smem:$0x3FAD]  }
0x2a: {  	p0 =	seq.s32 s5, $0x0;
	s5 =	sld [smem:$0x3FAE]  }
0x2b: {  	s6 =	sld [smem:$0x3FAF]  }
0x2c: {  	s7 =	sld [smem:$0x3FB0]  }
0x2d: {  	s3 =	simm.s32 $0x108;
	s8 =	sld [smem:$0x3FB1]  }
0x2e: {  	s3 =	simm.s32 @!p0 $0x1082;
	s9 =	sld [smem:$0x3FB2]  }
0x2f: {  	lr =	sadd.s32 s0, s3;
	s0 =	sld [smem:$0x3FA9]  }
0x30: {  	s3 =	sld [smem:$0x3FAC]  }
0x31: {  	[smem:$0x3FB5] =	sst s10  }
0x32: {  	s10 =	sld [smem:$0x3FB3];
	_ =	sdelay $0x3  }
0x33: {  	p0 =	seq.s32 s10, $0x1;
	s10 =	sld [smem:$0x3FB5];
	_ =	sdelay $0x3  }
0x34: {  	[smem:$0x3FB5] =	sst s10  }
0x35: {  	s10 =	sld [smem:$0x3FB4];
	_ =	sdelay $0x3  }
0x36: {  	p1 =	seq.s32 s10, $0x1;
	s10 =	sld [smem:$0x3FB5];
	_ =	sdelay $0x3  }
0x37: {  	[smem:$0x3FB5] =	sst s10  }
0x38: {  	s10 =	sld [smem:$0x3FB6]  }
0x39: {  	_ = 	snop;
	(pc) =	sbr.ind lr, $3  }
0x3a: {  	_ = 	snop  }
0x3b: {  	_ = 	snop  }
0x3c: {  	p2 =	seq.s32 s10, $0x1;
	s10 =	sld [smem:$0x3FB5]  }
0x3d: {  	_ =	shalt  }
0x3e: {  	_ =	shalt  }
0x3f: {  	_ =	shalt  }
0x40: {  	_ =	shalt  }
0x41: {  	_ =	shalt  }
0x42: {  	_ =	shalt  }
0x43: {  	_ =	shalt  }
0x44: {  	_ =	shalt  }
0x45: {  	_ =	shalt  }
0x46: {  	_ =	shalt  }
0x47: {  	_ =	shalt  }
0x48: {  	_ =	shalt  }
0x49: {  	_ =	shalt  }
0x4a: {  	_ =	shalt  }
0x4b: {  	_ =	shalt  }
0x4c: {  	_ =	shalt  }
0x4d: {  	_ =	shalt  }
0x4e: {  	_ =	shalt  }
0x4f: {  	_ =	shalt  }
0x50: {  	_ =	shalt  }
0x51: {  	_ =	shalt  }
0x52: {  	_ =	shalt  }
0x53: {  	_ =	shalt  }
0x54: {  	_ =	shalt  }
0x55: {  	_ =	shalt  }
0x56: {  	_ =	shalt  }
0x57: {  	_ =	shalt  }
0x58: {  	_ =	shalt  }
0x59: {  	_ =	shalt  }
0x5a: {  	_ =	shalt  }
0x5b: {  	_ =	shalt  }
0x5c: {  	_ =	shalt  }
0x5d: {  	_ =	shalt  }
0x5e: {  	_ =	shalt  }
0x5f: {  	_ =	shalt  }
0x60: {  	_ =	shalt  }
0x61: {  	_ =	shalt  }
0x62: {  	_ =	shalt  }
0x63: {  	_ =	shalt  }
0x64: {  	_ =	shalt  }
0x65: {  	_ =	shalt  }
0x66: {  	_ =	shalt  }
0x67: {  	_ =	shalt  }
0x68: {  	_ =	shalt  }
0x69: {  	_ =	shalt  }
0x6a: {  	_ =	shalt  }
0x6b: {  	_ =	shalt  }
0x6c: {  	_ =	shalt  }
0x6d: {  	_ =	shalt  }
0x6e: {  	_ =	shalt  }
0x6f: {  	_ =	shalt  }
0x70: {  	_ =	shalt  }
0x71: {  	_ =	shalt  }
0x72: {  	_ =	shalt  }
0x73: {  	_ =	shalt  }
0x74: {  	_ =	shalt  }
0x75: {  	_ =	shalt  }
0x76: {  	_ =	shalt  }
0x77: {  	_ =	shalt  }
0x78: {  	_ =	shalt  }
0x79: {  	_ =	shalt  }
0x7a: {  	_ =	shalt  }
0x7b: {  	_ =	shalt  }
0x7c: {  	_ =	shalt  }
0x7d: {  	_ =	shalt  }
0x7e: {  	_ =	shalt  }
0x7f: {  	_ =	shalt  }
0x80: {  	_ =	shalt  }
0x81: {  	_ =	shalt  }
0x82: {  	_ =	shalt  }
0x83: {  	_ =	shalt  }
0x84: {  	_ =	shalt  }
0x85: {  	_ =	shalt  }
0x86: {  	_ =	shalt  }
0x87: {  	_ =	shalt  }
.Lfunc_end0:
.L_simem_size_0:
called_computation_lowered:
.L_overlay_start_0:
0x88: {  	s2 =	sld [smem:$0x3FD9]  }
0x89: {  	s3 =	sld [smem:$0x3FFE];
	_ =	sdelay $0x1  }
0x8a: {  	s1 =	srdreg.scid  }
0x8b: {  	s0 =	sand.u32 $0x1, s1  }
0x8c: {  	s17 =	sshll.u32 s0, $0xA;
	s2 =	sadd.s32 s3, s2  }
0x8d: {  	s2 =	sadd.s32 s2, s17  }
0x8e: {  	[smem:$0x3FC1] =	sst s2  }
0x8f: {  	_ = 	snop  }
0x90: {  	s2 =	sld [smem:$0x3FC9]  }
0x91: {  	s18 =	sld [smem:$0x3FC8]  }
0x92: {  	s4 =	sld [smem:$0x3FC5]  }
0x93: {  	s5 =	sld [smem:$0x3FC4]  }
0x94: {  	s6 =	sld [smem:$0x3FD0];
	(tm) =	ssettm $0x1  }
0x95: {  	s7 =	sld [smem:$0x3FFB];
	_ =	sdelay $0x3  }
0x96: {  	_ =	strace s7  }
0x97: {  	s7 =	sld [smem:$0x3FFC];
	_ =	sdelay $0x3  }
0x98: {  	_ =	strace s7  }
0x99: {  	s7 =	sld [smem:$0x3FFD];
	_ =	sdelay $0x3  }
0x9a: {  	_ =	strace s7  }
0x9b: {  	_ =	strace $0x8FFFFFFF  }
0x9c: {  	s19 =	sld [smem:$0x3FDB];
	_ =	sdelay $0x1  }
0x9d: {  	s8 =	simm.s32 $_scs_section_size  }
0x9e: {  	s9 =	simm.s32 $_size__tile_overlayer_lowered;
	s10 =	simm.s32 $_tile_overlayer_lowered  }
0x9f: {  	s22 =	simm.s32 $0x1BFF;
	s21 =	sshll.u32 s10, $0x1;
	s7 =	sadd.s32 s8, s19  }
0xa0: {  	s11 =	simm.s32 $0x0;
	s20 =	sshll.u32 s9, $0x1;
	s9 =	sadd.s32 s21, s7  }
0xa1: {  	[timem:s11], [sflag:s22] =	dma.local [hbm:s9], s20  }
0xa2: {  	_ =	swait.ge [sflag:s22], s20  }
0xa3: {  	s8 =	ssub.s32 $0x0, s20;
	[sflag:s22] =	ssyncset.done $0x0  }
0xa4: {  	[sflag:s22] =	ssyncadd.s32 s8;
	_ =	sdelay $0x1  }
0xa5: {  	s23 =	simm.s32 $0x1B8B  }
0xa6: {  	_ =	swait.ge [sflag:s23], $0x1  }
0xa7: {  	[sflag:s23] =	ssyncset.done $0x0  }
0xa8: {  	s25 =	simm.s32 $0x1B8E;
	s24 =	sld [smem:$0x3FFE];
	[sflag:s23] =	ssyncadd.s32 $0xFFFFFFFF  }
0xa9: {  	s26 =	simm.s32 $execute0_lowered;
	[smem:$0x3FD2] =	sst s25  }
0xaa: {  	s9 =	sshll.u32 s26, $0x1;
	_ =	strace $0x80000046;
	[dreg:$0x1] =	wrdreg $0xFFFFFFFF  }
0xab: {  	s28 =	simm.s32 $_size_execute0_lowered;
	s7 =	sadd.s32 s7, s9;
	[dreg:$0x0] =	wrdreg $0x0  }
0xac: {  	s9 =	sshll.u32 s28, $0x1;
	[dreg:$0x2] =	wrdreg s7  }
0xad: {  	[dreg:$0x3] =	wrdreg s9  }
0xae: {  	[dreg:$0x4] =	wrdreg $0xC0  }
0xaf: {  	_ =	task [dreg:s11], $0x5FFFF  }
0xb0: {  	[dreg:$0x1] =	wrdreg $0xFFFFFFFF  }
0xb1: {  	[dreg:$0x0] =	wrdreg $0x60  }
0xb2: {  	[dreg:$0x2] =	wrdreg s2  }
0xb3: {  	[dreg:$0x3] =	wrdreg s18  }
0xb4: {  	[dreg:$0x4] =	wrdreg s24  }
0xb5: {  	[dreg:$0x5] =	wrdreg s4  }
0xb6: {  	[dreg:$0x6] =	wrdreg s5  }
0xb7: {  	[dreg:$0x7] =	wrdreg s6  }
0xb8: {  	[dreg:$0x8] =	wrdreg $0x9  }
0xb9: {  	_ =	task.clear_ibuf [dreg:s11], $0x9FFFF;
	_ =	strace $0x90000046  }
0xba: {  	s29 =	simm.s32 $0x9;
	_ =	strace $0x80000048  }
0xbb: {  	_ =	swait.ge [sflag:s29], $0x1  }
0xbc: {  	[sflag:s29] =	ssyncadd.s32 $0xFFFFFFFF  }
0xbd: {  	_ =	strace $0x90000048  }
0xbe: {  	_ =	sfence  }
0xbf: {  	s30 =	sld [smem:$0x0];
	_ =	sdelay $0x2  }
0xc0: {  	s31 =	sshll.u32 s1, $0xD;
	s1 =	sshrl.u32 s1, $0x2  }
0xc1: {  	s3 =	sand.u32 $0x4000, s31;
	s1 =	sadd.s32 s1, s30  }
0xc2: {  	s0 =	sor.u32 s3, s0;
	s1 =	sshll.u32 s1, $0x11  }
0xc3: {  	s0 =	sor.u32 s1, s0  }
0xc4: {  	s0 =	sadd.s32 $0x8F2B, s0  }
0xc5: {  	[sflag:s0] =	ssyncadd.remote.s32 $0x1  }
0xc6: {  	_ =	sfence.sel $0xFFFF  }
0xc7: {  	[dreg:$0x0] =	wrdreg $0xFFFFFFFF;
	(pc) =	sbr.abs _section_cstart, $3  }
0xc8: {  	[dreg:$0x1] =	wrdreg $0xFFFFFFFF  }
0xc9: {  	_ =	task.clear_ibuf [dreg:s11], $0x2FFFF;
	_ =	strace $0x9FFFFFFF  }
0xca: {  	(tm) =	ssettm $0x7FFFFFFF  }
0xcb: {  	_ =	shalt  }
tec
execute0_lowered:
.L_overlay_start_1:
0x0: {  	(tag) =	ssettag $0x1  }
0x1: {  	s8 =	rddreg [dreg:$0x0]  }
0x2: {  	s9 =	rddreg [dreg:$0x1]  }
0x3: {  	s7 =	rddreg [dreg:$0x2]  }
0x4: {  	s1 =	rddreg [dreg:$0x3]  }
0x5: {  	s2 =	rddreg [dreg:$0x4]  }
0x6: {  	s10 =	rddreg [dreg:$0x5];
	s3 =	simm.s32 $0x0;
	vm0 =	vcmask $0x300;
	v0 =	vimm.f32 $0.0e+00  }
0x7: {  	vm15 =	vcmask $0x704;
	[smem:$0x7FF] =	sst s3;
	v21 =	vsel vm0, $0x3F800000, v0  }
0x8: {  	s0 =	rddreg [dreg:$0x6];
	vm12 =	vcmask $0x2F2C;
	v22 =	vsel vm15, $0x3F800000, v0;
	_ =	strace $0x80000047;
	[tilespmem:$0x1FF00] =	vst v21  }
0x9: {  	vm13 =	vcmask $0x3330;
	v34 =	vsel vm12, $0x3F800000, v0;
	[tilespmem:$0x1FF10] =	vst v22  }
0xa: {  	vm14 =	vcmask $0x3734;
	v35 =	vsel vm13, $0x3F800000, v0;
	[tilespmem:$0x1FF20] =	vst v34  }
0xb: {  	v1 =	vimm.f32 $1.000000000e+00;
	vm2 =	vcmask $0x3B00;
	v36 =	vsel vm14, $0x3F800000, v0;
	[tilespmem:$0x1FF30] =	vst v35  }
0xc: {  	vm4 =	vcmask $0xB08;
	v31 =	vsel vm2, $0x0, v1;
	[tilespmem:$0x1FF40] =	vst v36  }
0xd: {  	vm1 =	vcmask $0xF0C;
	v23 =	vsel vm4, $0x3F800000, v0;
	[tilespmem:$0x1FF60] =	vst v31  }
0xe: {  	s11 =	srdreg.scid;
	s5 =	stileid.u32;
	vm5 =	vcmask $0x1310;
	v24 =	vsel vm1, $0x3F800000, v0;
	[tilespmem:$0x1FF70] =	vst v23  }
0xf: {  	vm6 =	vcmask $0x1714;
	s15 =	simm.s32 $0x10600;
	s16 =	simm.s32 $0x10800;
	s17 =	simm.s32 $0x2;
	v25 =	vsel vm5, $0x3F800000, v0;
	[tilespmem:$0x1FF80] =	vst v24  }
0x10: {  	vm7 =	vcmask $0x1B18;
	s18 =	simm.s32 $0x100;
	s19 =	simm.s32 $0x400;
	s20 =	simm.s32 $0x8400;
	v27 =	vsel vm6, $0x3F800000, v0;
	[tilespmem:$0x1FF90] =	vst v25  }
0x11: {  	vm8 =	vcmask $0x1F1C;
	s21 =	simm.s32 $0x1;
	s22 =	simm.s32 $0x300;
	s23 =	simm.s32 $0x10810;
	v28 =	vsel vm7, $0x3F800000, v0;
	[tilespmem:$0x1FFA0] =	vst v27  }
0x12: {  	vm9 =	vcmask $0x2320;
	s24 =	simm.s32 $0x0;
	s4 =	sadd.s32 $0x400, s7;
	s11 =	sand.u32 $0x1, s11;
	v29 =	vsel vm8, $0x3F800000, v0;
	[tilespmem:$0x1FFB0] =	vst v28  }
0x13: {  	vm10 =	vcmask $0x2724;
	s6 =	sadd.s32 $0x1E84C00, s7;
	s13 =	sshll.u32 s5, $0x7;
	v30 =	vsel vm9, $0x3F800000, v0;
	s12 =	ssub.s32 $0x2, s11;
	[tilespmem:$0x1FFC0] =	vst v29  }
0x14: {  	vm11 =	vcmask $0x2B28;
	s7 =	sadd.s32 $0xF42800, s7;
	v32 =	vsel vm10, $0x3F800000, v0;
	s11 =	sshll.u32 s11, $0x6;
	[tilespmem:$0x1FFD0] =	vst v30;
	s14 =	sshrl.u32 s12, $0x1  }
0x15: {  	v40 =	vsel vm11, $0x3F800000, v0;
	vm15 =	vcmask $0x3B38;
	[tilespmem:$0x1FFE0] =	vst v32;
	s11 =	sor.u32 s11, s13;
	s13 =	simm.s32 $0x200;
	s12 =	ssub.s32 s12, s14  }
0x16: {  	v37 =	vsel vm15, $0x3F800000, v0;
	[tilespmem:$0x1FFF0] =	vst v40;
	s8 =	sadd.s32 s8, s11;
	s9 =	sadd.s32 s9, s11;
	s10 =	sadd.s32 s10, s11  }
0x17: {  	[tilespmem:$0x1FF50] =	vst v37;
	s14 =	simm.s32 $0x10400;
	s11 =	smax.u32 s12, $0x1;
	s12 =	simm.s32 $0x3  }
.LBB2_1:
0x18: {  	[tilespmem:s3], [sflag:$0x3] =	stream.linear.gather [hbm4b:s8+s3], $0x200, $0x38;
	[tilespmem:$0x10A10] =	vst v63  }
0x19: {  	_ =	swait.ge [sflag:s12], $0x200  }
0x1a: {  	[sflag:s12] =	ssyncset.done $0x0  }
0x1b: {  	[sflag:s12] =	ssyncadd.s32 $0xFFFFFE00  }
0x1c: {  	[tilespmem:s13], [sflag:$0x3] =	stream.linear.gather [hbm4b:s9+s3], $0x200, $0x38;
	[tilespmem:$0x10A10] =	vst v63  }
0x1d: {  	_ =	swait.ge [sflag:s12], $0x200  }
0x1e: {  	[sflag:s12] =	ssyncset.done $0x0  }
0x1f: {  	[sflag:s12] =	ssyncadd.s32 $0xFFFFFE00  }
0x20: {  	[tilespmem:s14], [sflag:$0x2] =	stream.indirect.gather [hbm4b:s1+s13], $0x1, s3, s13, $0xb8;
	[tilespmem:$0x10A10] =	vst v63  }
0x21: {  	_ = 	snop  }
0x22: {  	[tilespmem:s15], [sflag:$0x2] =	stream.indirect.gather [hbm4b:s2+s13], $0x1, s13, s13, $0xb8;
	[tilespmem:$0x10A10] =	vst v63  }
0x23: {  	_ = 	snop  }
0x24: {  	[tilespmem:s16], [sflag:$0x3] =	stream.linear.gather [hbm4b:s7+s3], $0x10, $0x38;
	[tilespmem:$0x10A10] =	vst v63  }
0x25: {  	_ =	swait.ge [sflag:s12], $0x10  }
0x26: {  	[sflag:s12] =	ssyncset.done $0x0  }
0x27: {  	[sflag:s12] =	ssyncadd.s32 $0xFFFFFFF0  }
0x28: {  	_ =	swait.ge [sflag:s17], $0x200  }
0x29: {  	[sflag:s17] =	ssyncset.done $0x0  }
0x2a: {  	[sflag:s17] =	ssyncadd.s32 $0xFFFFFE00  }
0x2b: {  	_ =	swait.ge [sflag:s17], $0x200  }
0x2c: {  	[sflag:s17] =	ssyncset.done $0x0  }
0x2d: {  	[sflag:s17] =	ssyncadd.s32 $0xFFFFFE00  }
0x2e: {  	v0 =	vld [tilespmem:$0x10800];
	_ =	sdelay $0x1  }
0x2f: {  	[tilespmem:s19], [sflag:$0x1] =	stream.indirect.gather [hbm4b:s4+s18], $0x80, s3, s18, $0xb8;
	[tilespmem:$0x10A10] =	vst v63  }
0x30: {  	_ = 	snop  }
0x31: {  	[tilespmem:s20], [sflag:$0x1] =	stream.indirect.gather [hbm4b:s6+s18], $0x80, s13, s18, $0xb8;
	[tilespmem:$0x10A10] =	vst v63  }
0x32: {  	[tilespmem:$0x1FD90] =	vst v0  }
0x33: {  	_ =	swait.ge [sflag:s21], $0x8000  }
0x34: {  	[sflag:s21] =	ssyncset.done $0x0  }
0x35: {  	[sflag:s21] =	ssyncadd.s32 $0xFFFF8000  }
0x36: {  	_ =	swait.ge [sflag:s21], $0x8000  }
0x37: {  	[sflag:s21] =	ssyncset.done $0x0  }
0x38: {  	s28 =	simm.s32 $0x800;
	[sflag:s21] =	ssyncadd.s32 $0xFFFF8000  }
0x39: {  	v0 =	vld [tilespmem:s28+$0x300];
	_ =	sdelay $0x3  }
0x3a: {  	s26 =	simm.s32 $0x8800  }
0x3b: {  	[tilespmem:$0x1FDA0] =	vst v0;
	v0 =	vld [tilespmem:s26+$0x300];
	_ =	sdelay $0x4  }
0x3c: {  	[tilespmem:$0x1FDB0] =	vst v0;
	v0 =	vld [tilespmem:s28+$0x280];
	_ =	sdelay $0x4  }
0x3d: {  	[tilespmem:$0x1FDE0] =	vst v0;
	v0 =	vld [tilespmem:s26+$0x280];
	_ =	sdelay $0x4  }
0x3e: {  	[tilespmem:$0x1FDF0] =	vst v0;
	v0 =	vld [tilespmem:s28+$0x290];
	_ =	sdelay $0x4  }
0x3f: {  	[tilespmem:$0x1FE00] =	vst v0;
	v0 =	vld [tilespmem:s28+$0x200];
	_ =	sdelay $0x4  }
0x40: {  	[tilespmem:$0x1FDC0] =	vst v0;
	v0 =	vld [tilespmem:s26+$0x200];
	_ =	sdelay $0x4  }
0x41: {  	[tilespmem:$0x1FDD0] =	vst v0;
	v0 =	vld [tilespmem:s28+$0x180];
	_ =	sdelay $0x4  }
0x42: {  	[tilespmem:$0x1FE10] =	vst v0;
	v0 =	vld [tilespmem:s26+$0x180];
	_ =	sdelay $0x4  }
0x43: {  	[tilespmem:$0x1FE20] =	vst v0;
	v0 =	vld [tilespmem:s28+$0x190];
	_ =	sdelay $0x4  }
0x44: {  	[tilespmem:$0x1FE30] =	vst v0;
	v0 =	vld [tilespmem:s28+$0x80];
	_ =	sdelay $0x4  }
0x45: {  	[tilespmem:$0x1FE40] =	vst v0;
	v0 =	vld [tilespmem:s28+$0xFFFFFF80]  }
0x46: {  	s25 =	simm.s32 $0x0  }
0x47: {  	v19 =	vld [tilespmem:s25+$0x10400]  }
0x48: {  	v20 =	vld [tilespmem:s25+$0x10600]  }
0x49: {  	v1 =	vld [tilespmem:s28+$0x3B0]  }
0x4a: {  	[tilespmem:$0x1FE50] =	vst v0;
	v0 =	vld [tilespmem:s26+$0xFFFFFF80]  }
0x4b: {  	v3 =	vld [tilespmem:s26+$0x3B0]  }
0x4c: {  	v2 =	vld [tilespmem:s28+$0x3A0]  }
0x4d: {  	v4 =	vld [tilespmem:s26+$0x3A0]  }
0x4e: {  	v6 =	vld [tilespmem:s28+$0x2B0]  }
0x4f: {  	[tilespmem:$0x1FE60] =	vst v0;
	v0 =	vld [tilespmem:s28+$0xFFFFFF90]  }
0x50: {  	v8 =	vld [tilespmem:s26+$0x2B0]  }
0x51: {  	v54 =	vld [tilespmem:s28+$0x380]  }
0x52: {  	v48 =	vld [tilespmem:s26+$0x380]  }
0x53: {  	v58 =	vld [tilespmem:s28+$0x390]  }
0x54: {  	[tilespmem:$0x1FE70] =	vst v0;
	v0 =	vld [tilespmem:s28+$0xFFFFFEA0]  }
0x55: {  	v51 =	vld [tilespmem:s26+$0x390]  }
0x56: {  	v18 =	vld [tilespmem:s28+$0x230]  }
0x57: {  	v23 =	vld [tilespmem:s26+$0x230]  }
0x58: {  	v5 =	vld [tilespmem:s28+$0x2A0]  }
0x59: {  	[tilespmem:$0x1FEB0] =	vst v0;
	v0 =	vld [tilespmem:s26+$0xFFFFFEA0]  }
0x5a: {  	v31 =	vld [tilespmem:s26+$0x2A0]  }
0x5b: {  	v7 =	vld [tilespmem:s28+$0x1B0]  }
0x5c: {  	v9 =	vld [tilespmem:s26+$0x1B0]  }
0x5d: {  	v49 =	vld [tilespmem:s26+$0x290]  }
0x5e: {  	[tilespmem:$0x1FEC0] =	vst v0;
	v0 =	vld [tilespmem:s28+$0xFFFFFE80]  }
0x5f: {  	v17 =	vld [tilespmem:s28+$0x130]  }
0x60: {  	v24 =	vld [tilespmem:s26+$0x130]  }
0x61: {  	v38 =	vld [tilespmem:s28+$0x1A0]  }
0x62: {  	v39 =	vld [tilespmem:s26+$0x1A0]  }
0x63: {  	[tilespmem:$0x1FE80] =	vst v0;
	v0 =	vld [tilespmem:s26+$0xFFFFFE80]  }
0x64: {  	v10 =	vld [tilespmem:s28+$0xB0]  }
0x65: {  	v13 =	vld [tilespmem:s26+$0xB0]  }
0x66: {  	v55 =	vld [tilespmem:s26+$0x190]  }
0x67: {  	v27 =	vld [tilespmem:s28+$0x30]  }
0x68: {  	[tilespmem:$0x1FE90] =	vst v0;
	v0 =	vld [tilespmem:s28+$0xFFFFFE90]  }
0x69: {  	v28 =	vld [tilespmem:s26+$0x30]  }
0x6a: {  	v40 =	vld [tilespmem:s28+$0xA0]  }
0x6b: {  	v57 =	vld [tilespmem:s26+$0xA0]  }
0x6c: {  	v29 =	vld [tilespmem:s28+$0x100]  }
0x6d: {  	[tilespmem:$0x1FEA0] =	vst v0;
	v0 =	vmul.f32 v48, v54;
	v54 =	vmul.f32 v4, v2;
	v2 =	vld [tilespmem:s28+$0xFFFFFD90]  }
0x6e: {  	v30 =	vld [tilespmem:s26+$0x100];
	v51 =	vmul.f32 v51, v58  }
0x6f: {  	v11 =	vld [tilespmem:s28+$0xFFFFFFB0]  }
0x70: {  	v35 =	vld [tilespmem:s26+$0xFFFFFFB0];
	v0 =	vadd.f32 v51, v0  }
0x71: {  	v61 =	vld [tilespmem:s26+$0x80]  }
0x72: {  	[tilespmem:$0x1FEE0] =	vst v2;
	v2 =	vadd.f32 v54, v0;
	v0 =	vld [tilespmem:s26+$0xFFFFFD90]  }
0x73: {  	v53 =	vld [tilespmem:s28+$0x90]  }
0x74: {  	v52 =	vld [tilespmem:s26+$0x90]  }
0x75: {  	v14 =	vld [tilespmem:s28+$0xFFFFFF30]  }
0x76: {  	v58 =	vmul.f32 v3, v1;
	v1 =	vld [tilespmem:$0x1FDF0]  }
0x77: {  	[tilespmem:$0x1FEF0] =	vst v0;
	v0 =	vld [tilespmem:$0x1FDE0]  }
0x78: {  	v15 =	vld [tilespmem:s26+$0xFFFFFF30]  }
0x79: {  	v59 =	vld [tilespmem:s28+$0xFFFFFFA0]  }
0x7a: {  	v60 =	vld [tilespmem:s26+$0xFFFFFFA0]  }
0x7b: {  	v16 =	vld [tilespmem:s28+$0x0]  }
0x7c: {  	v1 =	vmul.f32 v1, v0;
	v0 =	vld [tilespmem:$0x1FE00]  }
0x7d: {  	v25 =	vld [tilespmem:s26+$0x0]  }
0x7e: {  	v12 =	vld [tilespmem:s28+$0xFFFFFEB0]  }
0x7f: {  	v36 =	vld [tilespmem:s26+$0xFFFFFEB0]  }
0x80: {  	v56 =	vld [tilespmem:s26+$0xFFFFFF90]  }
0x81: {  	v26 =	vld [tilespmem:s28+$0xFFFFFE30];
	v0 =	vmul.f32 v49, v0  }
0x82: {  	v3 =	vld [tilespmem:$0x1FE20]  }
0x83: {  	v1 =	vadd.f32 v0, v1;
	v0 =	vld [tilespmem:$0x1FE10]  }
0x84: {  	v32 =	vld [tilespmem:s26+$0xFFFFFE30]  }
0x85: {  	v33 =	vld [tilespmem:s28+$0xFFFFFF00]  }
0x86: {  	v34 =	vld [tilespmem:s26+$0xFFFFFF00]  }
0x87: {  	v44 =	vld [tilespmem:s28+$0xFFFFFDB0]  }
0x88: {  	v4 =	vmul.f32 v3, v0;
	v0 =	vld [tilespmem:$0x1FE30]  }
0x89: {  	v45 =	vld [tilespmem:s26+$0xFFFFFDB0]  }
0x8a: {  	v63 =	vld [tilespmem:s26+$0xFFFFFE90]  }
0x8b: {  	v37 =	vld [tilespmem:s28+$0xFFFFFD30]  }
0x8c: {  	v41 =	vld [tilespmem:s26+$0xFFFFFD30];
	v5 =	vmul.f32 v31, v5  }
0x8d: {  	v47 =	vld [tilespmem:s28+$0xFFFFFDA0];
	v3 =	vmul.f32 v55, v0  }
0x8e: {  	v50 =	vld [tilespmem:s26+$0xFFFFFDA0];
	v1 =	vadd.f32 v5, v1;
	v5 =	vmul.f32 v8, v6  }
0x8f: {  	v42 =	vld [tilespmem:s28+$0xFFFFFE00];
	v31 =	vadd.f32 v3, v4  }
0x90: {  	v4 =	vmul.f32 v39, v38;
	v39 =	vmul.f32 v57, v40;
	v40 =	vadd.f32 v5, v1;
	v1 =	vld [tilespmem:$0x1FE50]  }
0x91: {  	v3 =	vld [tilespmem:$0x1FE60]  }
0x92: {  	v62 =	vld [tilespmem:s28+$0xFFFFFD80]  }
0x93: {  	v6 =	vld [tilespmem:$0x1FE80]  }
0x94: {  	v8 =	vadd.f32 v4, v31;
	v31 =	vmul.f32 v9, v7;
	v7 =	vld [tilespmem:$0x1FE90]  }
0x95: {  	v43 =	vld [tilespmem:s26+$0xFFFFFE00]  }
0x96: {  	v3 =	vmul.f32 v3, v1;
	v1 =	vld [tilespmem:$0x1FE70]  }
0x97: {  	v46 =	vld [tilespmem:s28+$0xFFFFFCB0]  }
0x98: {  	[tilespmem:$0x1FED0] =	vst v62;
	v62 =	vld [tilespmem:s26+$0xFFFFFD80]  }
0x99: {  	v38 =	vmul.f32 v7, v6;
	v6 =	vld [tilespmem:$0x1FEA0]  }
0x9a: {  	v53 =	vmul.f32 v52, v53;
	v52 =	vld [tilespmem:s28+$0xFFFFFD00]  }
0x9b: {  	v48 =	vld [tilespmem:s26+$0xFFFFFCB0];
	v56 =	vmul.f32 v56, v1  }
0x9c: {  	v51 =	vld [tilespmem:s26+$0xFFFFFC30]  }
0x9d: {  	v54 =	vld [tilespmem:s26+$0xFFFFFC00];
	v5 =	vmul.f32 v13, v10;
	v4 =	vmul.f32 v60, v59;
	v10 =	vadd.f32 v56, v3  }
0x9e: {  	v63 =	vmul.f32 v63, v6;
	v6 =	vld [tilespmem:$0x1FEC0]  }
0x9f: {  	v59 =	vadd.f32 v4, v10;
	v4 =	vld [tilespmem:$0x1FEB0]  }
0xa0: {  	v2 =	vadd.f32 v58, v2;
	v58 =	vld [tilespmem:s28+$0xFFFFFC10]  }
0xa1: {  	v0 =	vld [tilespmem:$0x1FE40]  }
0xa2: {  	v49 =	vld [tilespmem:s28+$0xFFFFFC30]  }
0xa3: {  	v55 =	vld [tilespmem:s28+$0xFFFFFCA0]  }
0xa4: {  	(xrf2) =	vadd.scan.msk.f32 $0xffff, v2;
	v4 =	vmul.f32 v6, v4;
	v6 =	vld [tilespmem:$0x1FED0]  }
0xa5: {  	v57 =	vld [tilespmem:s28+$0xFFFFFC00]  }
0xa6: {  	v60 =	vld [tilespmem:s26+$0xFFFFFC10];
	v2 =	vmul.f32 v61, v0  }
0xa7: {  	v0 =	vld [tilespmem:s26+$0xFFFFFCA0]  }
0xa8: {  	v2 =	vadd.f32 v53, v2;
	v7 =	vld [tilespmem:$0x1FEF0]  }
0xa9: {  	v62 =	vmul.f32 v62, v6;
	v6 =	vld [tilespmem:$0x1FEE0]  }
0xaa: {  	v53 =	vld [tilespmem:s26+$0xFFFFFD00];
	v61 =	vadd.f32 v39, v2  }
0xab: {  	(xrf2) =	vadd.scan.msk.f32 $0xffff, v40;
	v40 =	vmul.f32 v35, v11;
	v31 =	vadd.f32 v31, v8;
	v2 =	vld [tilespmem:s26+$0xFFFFFC80]  }
0xac: {  	v39 =	vadd.f32 v5, v61;
	v1 =	vld [tilespmem:s28+$0xFFFFFC80];
	v5 =	vadd.f32 v63, v38  }
0xad: {  	(xrf2) =	vadd.scan.msk.f32 $0xffff, v31;
	v3 =	vld [tilespmem:s28+$0xFFFFFC90];
	v59 =	vadd.f32 v40, v59  }
0xae: {  	s29 =	simm.s32 $0x40;
	v13, _, _ =	vpop (xrf2);
	(xrf2) =	vadd.scan.msk.f32 $0xffff, v39;
	v56 =	vld [tilespmem:s26+$0xFFFFFC90];
	v61 =	vadd.f32 v4, v5;
	v4 =	vmul.f32 v36, v12;
	v63 =	vmul.f32 v7, v6  }
.LBB2_2:
0xaf: {  	_ =	sdelay $0x2  }
0xb0: {  	v5 =	vld [tilespmem:s28+$0xFFFFFC20]  }
0xb1: {  	v40 =	vld [tilespmem:s26+$0xFFFFFC20];
	v1 =	vmul.f32 v2, v1;
	v2 =	vmul.f32 v56, v3  }
0xb2: {  	v62 =	vadd.f32 v63, v62;
	v50 =	vmul.f32 v50, v47;
	v3 =	vadd.f32 v4, v61;
	v4 =	vld [tilespmem:s28+$0xFFFFFD10]  }
0xb3: {  	(xrf2) =	vadd.scan.msk.f32 $0xffff, v59;
	v6 =	vmul.f32 v45, v44;
	v0 =	vmul.f32 v0, v55;
	v1 =	vadd.f32 v2, v1;
	v2 =	vld [tilespmem:s26+$0xFFFFFD10]  }
0xb4: {  	v9 =	vld [tilespmem:s26+$0xFFFFFD20];
	v61, _, _ =	vpop (xrf2);
	v7 =	vmul.f32 v60, v58;
	(xrf2) =	vadd.scan.msk.f32 $0xffff, v3;
	v3 =	vmul.f32 v54, v57  }
0xb5: {  	v50 =	vadd.f32 v50, v62;
	v62 =	vld [tilespmem:s28+$0xFFFFFD20];
	v0 =	vadd.f32 v0, v1;
	v1 =	vmul.f32 v48, v46  }
0xb6: {  	v10 =	vld [tilespmem:s28+$0xFFFFFE10];
	v5 =	vmul.f32 v40, v5;
	v3 =	vadd.f32 v7, v3  }
0xb7: {  	v50 =	vadd.f32 v6, v50;
	v6 =	vadd.f32 v1, v0;
	v1 =	vld [tilespmem:s26+$0xFFFFFE10]  }
0xb8: {  	v38 =	vld [tilespmem:s26+$0xFFFFFE20];
	v3 =	vadd.f32 v5, v3;
	v5 =	vmul.f32 v53, v52;
	v2 =	vmul.f32 v2, v4  }
0xb9: {  	v49 =	vmul.f32 v51, v49;
	v4 =	vld [tilespmem:s28+$0xFFFFFE20]  }
0xba: {  	v51 =	vld [tilespmem:s26+$0xFFFFFF10];
	v2 =	vadd.f32 v2, v5;
	v5 =	vmul.f32 v9, v62  }
0xbb: {  	v63, _, _ =	vpop (xrf2);
	(xrf2) =	vadd.scan.msk.f32 $0xffff, v50;
	v3 =	vadd.f32 v49, v3;
	v49 =	vld [tilespmem:s28+$0xFFFFFF10]  }
0xbc: {  	v11, _, _ =	vpop (xrf2);
	v52 =	vld [tilespmem:s28+$0xFFFFFF20];
	(xrf2) =	vadd.scan.msk.f32 $0xffff, v6;
	v2 =	vadd.f32 v5, v2;
	v5 =	vmul.f32 v43, v42;
	v1 =	vmul.f32 v1, v10  }
0xbd: {  	v40 =	vmul.f32 v41, v37;
	v0, _, _ =	vpop (xrf2);
	(xrf2) =	vadd.scan.msk.f32 $0xffff, v3;
	v3 =	vld [tilespmem:s26+$0xFFFFFF20]  }
0xbe: {  	v54 =	vld [tilespmem:s26+$0x10];
	v4 =	vmul.f32 v38, v4;
	v1 =	vadd.f32 v1, v5  }
0xbf: {  	v6 =	vadd.f32 v40, v2;
	v5 =	vld [tilespmem:s28+$0x10]  }
0xc0: {  	v39 =	vld [tilespmem:s28+$0x20];
	v7 =	vmul.f32 v51, v49;
	v1 =	vadd.f32 v4, v1;
	v4 =	vmul.f32 v34, v33  }
0xc1: {  	v55 =	vld [tilespmem:s26+$0x20]  }
0xc2: {  	v53, _, _ =	vpop (xrf2);
	(xrf2) =	vadd.scan.msk.f32 $0xffff, v6;
	v3 =	vmul.f32 v3, v52;
	v4 =	vadd.f32 v7, v4  }
0xc3: {  	v36 =	vmul.f32 v32, v26;
	v57 =	vmul.f32 v15, v14  }
0xc4: {  	v5 =	vmul.f32 v54, v5;
	v3 =	vadd.f32 v3, v4;
	v4 =	vmul.f32 v25, v16  }
0xc5: {  	v2, _, _ =	vpop (xrf2);
	v1 =	vadd.f32 v36, v1  }
0xc6: {  	v38, _, _ =	vpop (xrf2);
	v3 =	vadd.f32 v57, v3;
	v4 =	vadd.f32 v5, v4;
	v5 =	vmul.f32 v55, v39  }
0xc7: {  	v19 =	vadd.f32 v20, v19;
	(xrf2) =	vadd.scan.msk.f32 $0xffff, v1;
	v26, _, _ =	vpop (xrf2)  }
0xc8: {  	v20 =	vbroadcast v26, $0xF;
	v26 =	vmul.f32 v28, v27;
	v4 =	vadd.f32 v5, v4;
	(xrf2) =	vadd.scan.msk.f32 $0xffff, v3;
	v3 =	vld [tilespmem:$0x1FD90];
	_ =	sdelay $0x1  }
0xc9: {  	v4 =	vadd.f32 v26, v4  }
0xca: {  	v56 =	vld [tilespmem:s28+$0x110]  }
0xcb: {  	v28, _, _ =	vpop (xrf2);
	(xrf2) =	vadd.scan.msk.f32 $0xffff, v4;
	v4 =	vld [tilespmem:$0x1FF70]  }
0xcc: {  	v58 =	vld [tilespmem:s26+$0x110];
	v3 =	vadd.f32 v19, v3;
	v19 =	vmul.f32 v21, v20;
	v20 =	vbroadcast v38, $0xF  }
0xcd: {  	v59 =	vld [tilespmem:s28+$0x120]  }
0xce: {  	v1 =	vld [tilespmem:s26+$0x120];
	v3 =	vadd.f32 v19, v3;
	v19 =	vmul.f32 v22, v20;
	v20 =	vbroadcast v28, $0xF;
	_ =	sdelay $0x1  }
0xcf: {  	v3 =	vadd.f32 v19, v3;
	v4 =	vmul.f32 v4, v20  }
0xd0: {  	v6 =	vmul.f32 v58, v56;
	v5 =	vmul.f32 v30, v29  }
0xd1: {  	v3 =	vadd.f32 v4, v3;
	v4 =	vld [tilespmem:$0x1FF80]  }
0xd2: {  	v25 =	vmul.f32 v24, v17;
	v24 =	vld [tilespmem:s28+$0x210];
	v1 =	vmul.f32 v1, v59;
	v5 =	vadd.f32 v6, v5  }
0xd3: {  	v27 =	vld [tilespmem:s26+$0x210]  }
0xd4: {  	v2 =	vbroadcast v2, $0xF;
	v1 =	vadd.f32 v1, v5;
	_ =	sdelay $0x1  }
0xd5: {  	v1 =	vadd.f32 v25, v1;
	v2 =	vmul.f32 v4, v2;
	_ =	sdelay $0x1  }
0xd6: {  	v21 =	vmul.f32 v27, v24;
	v24, _, _ =	vpop (xrf2);
	(xrf2) =	vadd.scan.msk.f32 $0xffff, v1;
	v1 =	vadd.f32 v2, v3;
	v2 =	vld [tilespmem:$0x1FF90];
	_ =	sdelay $0x2  }
0xd7: {  	v4 =	vbroadcast v24, $0xF;
	_ =	sdelay $0x1  }
0xd8: {  	v2 =	vmul.f32 v2, v4;
	_ =	sdelay $0x1  }
0xd9: {  	v1 =	vadd.f32 v2, v1;
	v2 =	vld [tilespmem:$0x1FFA0];
	_ =	sdelay $0x2  }
0xda: {  	v3 =	vbroadcast v53, $0xF;
	_ =	sdelay $0x1  }
0xdb: {  	v2 =	vmul.f32 v2, v3  }
0xdc: {  	v6 =	vld [tilespmem:$0x1FDD0]  }
0xdd: {  	v1 =	vadd.f32 v2, v1;
	v2 =	vld [tilespmem:$0x1FFB0]  }
0xde: {  	v5 =	vld [tilespmem:$0x1FDC0]  }
0xdf: {  	v23 =	vmul.f32 v23, v18;
	v29 =	vld [tilespmem:s28+$0x220];
	v18, _, _ =	vpop (xrf2)  }
0xe0: {  	v30 =	vld [tilespmem:s26+$0x220];
	v3 =	vbroadcast v18, $0xF;
	_ =	sdelay $0x1  }
0xe1: {  	v2 =	vmul.f32 v2, v3  }
0xe2: {  	v5 =	vmul.f32 v6, v5  }
0xe3: {  	v1 =	vadd.f32 v2, v1;
	v2 =	vld [tilespmem:$0x1FFC0]  }
0xe4: {  	v20 =	vmul.f32 v30, v29;
	v5 =	vadd.f32 v21, v5;
	_ =	sdelay $0x1  }
0xe5: {  	v0 =	vbroadcast v0, $0xF;
	v5 =	vadd.f32 v20, v5  }
0xe6: {  	v7 =	vld [tilespmem:$0x1FDB0]  }
0xe7: {  	v26 =	vld [tilespmem:s28+$0x310];
	v4 =	vadd.f32 v23, v5;
	v0 =	vmul.f32 v2, v0  }
0xe8: {  	v28 =	vld [tilespmem:s26+$0x310]  }
0xe9: {  	v0 =	vadd.f32 v0, v1;
	v1 =	vld [tilespmem:$0x1FFD0]  }
0xea: {  	v6 =	vld [tilespmem:$0x1FDA0]  }
0xeb: {  	v22 =	vld [tilespmem:s28+$0x320];
	(xrf2) =	vadd.scan.msk.f32 $0xffff, v4;
	v4, _, _ =	vpop (xrf2)  }
0xec: {  	v19 =	vld [tilespmem:s26+$0x320];
	v2 =	vbroadcast v4, $0xF  }
0xed: {  	v21 =	vld [tilespmem:s28+$0x330]  }
0xee: {  	v24 =	vld [tilespmem:s26+$0x330];
	v1 =	vmul.f32 v1, v2  }
0xef: {  	v17 =	vmul.f32 v7, v6;
	v6 =	vmul.f32 v28, v26  }
0xf0: {  	v0 =	vadd.f32 v1, v0;
	v1 =	vld [tilespmem:$0x1FFE0]  }
0xf1: {  	v5 =	vadd.f32 v6, v17;
	v17 =	vmul.f32 v19, v22;
	_ =	sdelay $0x1  }
0xf2: {  	v5 =	vadd.f32 v17, v5;
	v17 =	vmul.f32 v24, v21;
	v2 =	vbroadcast v11, $0xF;
	_ =	sdelay $0x1  }
0xf3: {  	v3 =	vadd.f32 v17, v5;
	v1 =	vmul.f32 v1, v2;
	_ =	sdelay $0x1  }
0xf4: {  	v0 =	vadd.f32 v1, v0;
	v1 =	vld [tilespmem:$0x1FFF0];
	_ =	sdelay $0x1  }
0xf5: {  	(xrf2) =	vadd.scan.msk.f32 $0xffff, v3;
	v3, _, _ =	vpop (xrf2)  }
0xf6: {  	v2 =	vbroadcast v3, $0xF;
	_ =	sdelay $0x1  }
0xf7: {  	v1 =	vmul.f32 v1, v2;
	_ =	sdelay $0x1  }
0xf8: {  	v0 =	vadd.f32 v1, v0;
	v1 =	vld [tilespmem:$0x1FF20];
	_ =	sdelay $0x2  }
0xf9: {  	v2 =	vbroadcast v63, $0xF;
	_ =	sdelay $0x1  }
0xfa: {  	v1 =	vmul.f32 v1, v2;
	_ =	sdelay $0x1  }
0xfb: {  	v0 =	vadd.f32 v1, v0;
	v1 =	vld [tilespmem:$0x1FF30];
	_ =	sdelay $0x1  }
0xfc: {  	v3, _, _ =	vpop (xrf2)  }
0xfd: {  	v2 =	vbroadcast v3, $0xF;
	_ =	sdelay $0x1  }
0xfe: {  	v1 =	vmul.f32 v1, v2;
	_ =	sdelay $0x1  }
0xff: {  	v0 =	vadd.f32 v1, v0;
	v1 =	vld [tilespmem:$0x1FF40];
	_ =	sdelay $0x2  }
0x100: {  	v2 =	vbroadcast v61, $0xF;
	_ =	sdelay $0x1  }
0x101: {  	v1 =	vmul.f32 v1, v2;
	_ =	sdelay $0x1  }
0x102: {  	v0 =	vadd.f32 v1, v0;
	v1 =	vld [tilespmem:$0x1FF50];
	_ =	sdelay $0x1  }
0x103: {  	v3, _, _ =	vpop (xrf2)  }
0x104: {  	v2 =	vbroadcast v3, $0xF;
	_ =	sdelay $0x1  }
0x105: {  	v1 =	vmul.f32 v1, v2;
	_ =	sdelay $0x1  }
0x106: {  	v0 =	vadd.f32 v1, v0;
	v1 =	vld [tilespmem:$0x1FF60];
	_ =	sdelay $0x2  }
0x107: {  	v2 =	vbroadcast v13, $0xF;
	_ =	sdelay $0x1  }
0x108: {  	v1 =	vmul.f32 v1, v2  }
0x109: {  	s30 =	sshra.s32 s29, $0x2  }
0x10a: {  	v0 =	vadd.f32 v1, v0;
	v1 =	vld [tilespmem:s30+$0x10400];
	_ =	sdelay $0x4  }
0x10b: {  	[tilespmem:$0x1FD10] =	vst v1  }
0x10c: {  	s28 =	sadd.s32 $0x800, s28;
	v1 =	vld [tilespmem:s30+$0x10600];
	[tilespmem:s25+$0x10810] =	vst v0  }
0x10d: {  	s26 =	sadd.s32 $0x800, s26;
	v0 =	vld [tilespmem:s28+$0x3B0]  }
0x10e: {  	v51 =	vld [tilespmem:s26+$0x3B0]  }
0x10f: {  	v55 =	vld [tilespmem:s28+$0x3A0]  }
0x110: {  	v49 =	vld [tilespmem:s26+$0x3A0]  }
0x111: {  	v48 =	vld [tilespmem:s28+$0x380]  }
0x112: {  	v63 =	vld [tilespmem:s26+$0x380]  }
0x113: {  	v2 =	vld [tilespmem:s26+$0x390]  }
0x114: {  	v59 =	vld [tilespmem:s28+$0x2A0]  }
0x115: {  	v60 =	vld [tilespmem:s26+$0x2A0]  }
0x116: {  	v53 =	vld [tilespmem:s26+$0x1B0]  }
0x117: {  	v6 =	vld [tilespmem:s28+$0x280]  }
0x118: {  	v7 =	vld [tilespmem:s26+$0x280]  }
0x119: {  	v8 =	vld [tilespmem:s28+$0x290]  }
0x11a: {  	v9 =	vld [tilespmem:s26+$0x290]  }
0x11b: {  	v52 =	vld [tilespmem:s28+$0x130]  }
0x11c: {  	v3 =	vld [tilespmem:s26+$0x1A0]  }
0x11d: {  	v4 =	vld [tilespmem:s28+$0x200]  }
0x11e: {  	v56 =	vld [tilespmem:s26+$0xB0]  }
0x11f: {  	v10 =	vld [tilespmem:s28+$0x180]  }
0x120: {  	v11 =	vld [tilespmem:s26+$0x180]  }
0x121: {  	v12 =	vld [tilespmem:s28+$0x190]  }
0x122: {  	v13 =	vld [tilespmem:s26+$0x190]  }
0x123: {  	v58 =	vld [tilespmem:s26+$0x30]  }
0x124: {  	v31 =	vld [tilespmem:s28+$0xA0]  }
0x125: {  	v38 =	vld [tilespmem:s26+$0xA0]  }
0x126: {  	v57 =	vld [tilespmem:s28+$0x100]  }
0x127: {  	v54 =	vld [tilespmem:s26+$0x100]  }
0x128: {  	v61 =	vld [tilespmem:s28+$0xFFFFFFB0]  }
0x129: {  	v62 =	vld [tilespmem:s26+$0xFFFFFFB0]  }
0x12a: {  	v39 =	vld [tilespmem:s28+$0x80]  }
0x12b: {  	v17 =	vld [tilespmem:s26+$0x80]  }
0x12c: {  	v18 =	vld [tilespmem:s28+$0x90]  }
0x12d: {  	v19 =	vld [tilespmem:s26+$0x90]  }
0x12e: {  	v14 =	vld [tilespmem:s28+$0xFFFFFF30]  }
0x12f: {  	v15 =	vld [tilespmem:s26+$0xFFFFFF30]  }
0x130: {  	v20 =	vld [tilespmem:s28+$0xFFFFFFA0]  }
0x131: {  	v21 =	vld [tilespmem:s26+$0xFFFFFFA0]  }
0x132: {  	v16 =	vld [tilespmem:s28+$0x0]  }
0x133: {  	v5 =	vld [tilespmem:s28+$0xFFFFFEB0]  }
0x134: {  	v35 =	vld [tilespmem:s26+$0xFFFFFEB0]  }
0x135: {  	v22 =	vld [tilespmem:s28+$0xFFFFFF80]  }
0x136: {  	v23 =	vld [tilespmem:s26+$0xFFFFFF80]  }
0x137: {  	v24 =	vld [tilespmem:s28+$0xFFFFFF90]  }
0x138: {  	v25 =	vld [tilespmem:s26+$0xFFFFFF90]  }
0x139: {  	v40 =	vld [tilespmem:s26+$0xFFFFFE30]  }
0x13a: {  	v26 =	vld [tilespmem:s28+$0xFFFFFEA0]  }
0x13b: {  	v27 =	vld [tilespmem:s26+$0xFFFFFEA0]  }
0x13c: {  	v36 =	vld [tilespmem:s28+$0xFFFFFF00]  }
0x13d: {  	v34 =	vld [tilespmem:s26+$0xFFFFFF00]  }
0x13e: {  	v44 =	vld [tilespmem:s28+$0xFFFFFDB0]  }
0x13f: {  	v45 =	vld [tilespmem:s26+$0xFFFFFDB0]  }
0x140: {  	v28 =	vld [tilespmem:s28+$0xFFFFFE80]  }
0x141: {  	v29 =	vld [tilespmem:s26+$0xFFFFFE80]  }
0x142: {  	v30 =	vld [tilespmem:s28+$0xFFFFFE90]  }
0x143: {  	v32 =	vld [tilespmem:s26+$0xFFFFFE90]  }
0x144: {  	v37 =	vld [tilespmem:s28+$0xFFFFFD30]  }
0x145: {  	[tilespmem:$0x1FD60] =	vst v1;
	v1 =	vld [tilespmem:s28+$0x230]  }
0x146: {  	v41 =	vld [tilespmem:s26+$0xFFFFFD30]  }
0x147: {  	[tilespmem:$0x1FCD0] =	vst v0;
	v0 =	vld [tilespmem:s28+$0x2B0]  }
0x148: {  	v47 =	vld [tilespmem:s28+$0xFFFFFDA0]  }
0x149: {  	v50 =	vld [tilespmem:s26+$0xFFFFFDA0]  }
0x14a: {  	[tilespmem:$0x1FD00] =	vst v1;
	v1 =	vld [tilespmem:s26+$0x230]  }
0x14b: {  	v42 =	vld [tilespmem:s28+$0xFFFFFE00]  }
0x14c: {  	[tilespmem:$0x1FCE0] =	vst v0;
	v0 =	vld [tilespmem:s26+$0x2B0]  }
0x14d: {  	[tilespmem:$0x1FDC0] =	vst v4;
	v4 =	vld [tilespmem:s26+$0x200]  }
0x14e: {  	v43 =	vld [tilespmem:s26+$0xFFFFFE00]  }
0x14f: {  	[tilespmem:$0x1FD30] =	vst v1;
	v1 =	vld [tilespmem:s28+$0x300]  }
0x150: {  	v46 =	vld [tilespmem:s28+$0xFFFFFCB0]  }
0x151: {  	[tilespmem:$0x1FCF0] =	vst v0;
	v0 =	vld [tilespmem:s28+$0x390]  }
0x152: {  	[tilespmem:$0x1FDD0] =	vst v4;
	v4 =	vld [tilespmem:s28+$0xB0]  }
0x153: {  	v33 =	vld [tilespmem:s28+$0xFFFFFD80]  }
0x154: {  	[tilespmem:$0x1FDA0] =	vst v1;
	v1 =	vld [tilespmem:s26+$0x300]  }
0x155: {  	[tilespmem:$0x1FD80] =	vst v5;
	v5 =	vld [tilespmem:s28+$0xFFFFFE30]  }
0x156: {  	v63 =	vmul.f32 v63, v48;
	v48 =	vld [tilespmem:s26+$0xFFFFFCB0];
	v0 =	vmul.f32 v2, v0  }
0x157: {  	v6 =	vmul.f32 v7, v6;
	[tilespmem:$0x1FD50] =	vst v4;
	v4 =	vld [tilespmem:s28+$0x30]  }
0x158: {  	v7 =	vmul.f32 v9, v8;
	v8 =	vld [tilespmem:s28+$0xFFFFFD90];
	v2 =	vmul.f32 v49, v55;
	v0 =	vadd.f32 v0, v63  }
0x159: {  	[tilespmem:$0x1FDB0] =	vst v1;
	v1 =	vld [tilespmem:s28+$0x1B0]  }
0x15a: {  	v0 =	vadd.f32 v2, v0;
	v2 =	vld [tilespmem:$0x1FCD0]  }
0x15b: {  	v9 =	vld [tilespmem:s26+$0xFFFFFD90]  }
0x15c: {  	[tilespmem:$0x1FD70] =	vst v4;
	v4 =	vld [tilespmem:s26+$0x0]  }
0x15d: {  	v49 =	vld [tilespmem:s28+$0xFFFFFC30]  }
0x15e: {  	[tilespmem:$0x1FD20] =	vst v1;
	v1 =	vld [tilespmem:s26+$0x130]  }
0x15f: {  	v6 =	vadd.f32 v7, v6;
	v7 =	vmul.f32 v60, v59;
	v55 =	vld [tilespmem:s28+$0xFFFFFCA0];
	v2 =	vmul.f32 v51, v2  }
0x160: {  	v63 =	vld [tilespmem:s26+$0xFFFFFD80]  }
0x161: {  	v0 =	vadd.f32 v2, v0;
	v2 =	vadd.f32 v7, v6;
	v6 =	vld [tilespmem:$0x1FCE0]  }
0x162: {  	v7 =	vld [tilespmem:$0x1FCF0]  }
0x163: {  	v60 =	vmul.f32 v13, v12;
	[tilespmem:$0x1FD40] =	vst v1;
	v1 =	vld [tilespmem:s28+$0x1A0]  }
0x164: {  	v12 =	vmul.f32 v25, v24;
	v25 =	vmovc v4;
	v4 =	vmul.f32 v32, v30;
	v30 =	vmov v54;
	v54 =	vld [tilespmem:s26+$0xFFFFFC00]  }
0x165: {  	v51 =	vld [tilespmem:s26+$0xFFFFFC30]  }
0x166: {  	v10 =	vmul.f32 v11, v10;
	(xrf2) =	vadd.scan.msk.f32 $0xffff, v0;
	v0 =	vld [tilespmem:s26+$0xFFFFFCA0]  }
0x167: {  	v24 =	vld [tilespmem:$0x1FD40];
	v6 =	vmul.f32 v7, v6  }
0x168: {  	v7 =	vadd.f32 v60, v10;
	v60 =	vmul.f32 v23, v22;
	v23 =	vld [tilespmem:$0x1FD30];
	v1 =	vmul.f32 v3, v1  }
0x169: {  	v22 =	vld [tilespmem:$0x1FF10]  }
0x16a: {  	v2 =	vadd.f32 v6, v2;
	v6 =	vadd.f32 v1, v7;
	v1 =	vld [tilespmem:$0x1FD20]  }
0x16b: {  	v11 =	vadd.f32 v12, v60;
	v12 =	vmul.f32 v21, v20;
	v20 =	vld [tilespmem:$0x1FD60]  }
0x16c: {  	v21 =	vld [tilespmem:$0x1FF00]  }
0x16d: {  	v60 =	vld [tilespmem:s26+$0xFFFFFC10];
	v3 =	vmul.f32 v17, v39;
	v39 =	vmul.f32 v19, v18  }
0x16e: {  	v18 =	vld [tilespmem:$0x1FD00]  }
0x16f: {  	v59 =	vmul.f32 v38, v31;
	v19 =	vld [tilespmem:$0x1FD10];
	v3 =	vadd.f32 v39, v3;
	v7 =	vmul.f32 v53, v1  }
0x170: {  	v17 =	vmov v52;
	v52 =	vld [tilespmem:s28+$0xFFFFFD00]  }
0x171: {  	v6 =	vadd.f32 v7, v6;
	v7 =	vadd.f32 v59, v3;
	v3 =	vld [tilespmem:$0x1FD50]  }
0x172: {  	(xrf2) =	vadd.scan.msk.f32 $0xffff, v2;
	v2 =	vld [tilespmem:s26+$0xFFFFFC80]  }
0x173: {  	v39 =	vadd.f32 v12, v11;
	v12 =	vmul.f32 v27, v26;
	v27 =	vld [tilespmem:$0x1FD70];
	(xrf2) =	vadd.scan.msk.f32 $0xffff, v6;
	v6 =	vmul.f32 v29, v28  }
0x174: {  	v53 =	vld [tilespmem:s26+$0xFFFFFD00]  }
0x175: {  	p0 =	sne.s32 s29, $0x3C0;
	v6 =	vadd.f32 v4, v6;
	v4 =	vld [tilespmem:$0x1FD80]  }
.Ltmp0:
0x176: {  	v1 =	vld [tilespmem:s28+$0xFFFFFC80];
	v38 =	vmul.f32 v56, v3;
	(pc) =	sbr.rel @p0 .LBB2_2-.Ltmp0, $4  }
0x177: {  	v29 =	vmov v57;
	v57 =	vld [tilespmem:s28+$0xFFFFFC00]  }
0x178: {  	v32 =	vmovc v40;
	v40 =	vmul.f32 v62, v61;
	v28 =	vmov v58;
	v58 =	vld [tilespmem:s28+$0xFFFFFC10];
	v7 =	vadd.f32 v38, v7  }
0x179: {  	v62 =	vmul.f32 v63, v33;
	v33 =	vmovc v36;
	v63 =	vmul.f32 v9, v8;
	v26 =	vmov v5;
	v3 =	vld [tilespmem:s28+$0xFFFFFC90]  }
0x17a: {  	s29 =	sadd.s32 $0x40, s29;
	s25 =	smov.u32 s30;
	v13, _, _ =	vpop (xrf2);
	v59 =	vadd.f32 v40, v39;
	v56 =	vld [tilespmem:s26+$0xFFFFFC90];
	v61 =	vadd.f32 v12, v6;
	(xrf2) =	vadd.scan.msk.f32 $0xffff, v7;
	v4 =	vmul.f32 v35, v4  }
0x17b: {  	v5 =	vld [tilespmem:s28+$0xFFFFFC20]  }
0x17c: {  	v6 =	vld [tilespmem:s26+$0xFFFFFC20]  }
0x17d: {  	v1 =	vmul.f32 v2, v1;
	v2 =	vld [tilespmem:s28+$0xFFFFFD10]  }
0x17e: {  	v10 =	vld [tilespmem:s26+$0xFFFFFD10]  }
0x17f: {  	v8 =	vmul.f32 v50, v47;
	v12 =	vld [tilespmem:s28+$0xFFFFFD20];
	v3 =	vmul.f32 v56, v3  }
0x180: {  	v7 =	vadd.f32 v63, v62;
	v9 =	vmul.f32 v45, v44;
	v0 =	vmul.f32 v0, v55;
	v44 =	vld [tilespmem:s26+$0xFFFFFE10]  }
0x181: {  	v39 =	vmul.f32 v54, v57;
	v11 =	vmul.f32 v60, v58;
	v1 =	vadd.f32 v3, v1;
	v3 =	vld [tilespmem:s26+$0xFFFFFD20]  }
0x182: {  	v4 =	vadd.f32 v4, v61;
	v7 =	vadd.f32 v8, v7;
	v5 =	vmul.f32 v6, v5;
	v6 =	vld [tilespmem:s28+$0xFFFFFE10]  }
0x183: {  	v8 =	vadd.f32 v11, v39;
	v0 =	vadd.f32 v0, v1;
	v1 =	vmul.f32 v48, v46  }
0x184: {  	v45 =	vmul.f32 v53, v52;
	(xrf2) =	vadd.scan.msk.f32 $0xffff, v59;
	v7 =	vadd.f32 v9, v7;
	v2 =	vmul.f32 v10, v2;
	v46 =	vld [tilespmem:s28+$0xFFFFFE20]  }
0x185: {  	v40 =	vmul.f32 v51, v49;
	(xrf2) =	vadd.scan.msk.f32 $0xffff, v4;
	v5 =	vadd.f32 v5, v8;
	v0 =	vadd.f32 v1, v0;
	v1 =	vld [tilespmem:s26+$0xFFFFFE20]  }
0x186: {  	(xrf2) =	vadd.scan.msk.f32 $0xffff, v7;
	v7 =	vld [tilespmem:s26+$0xFFFFFF10];
	v2 =	vadd.f32 v2, v45;
	v3 =	vmul.f32 v3, v12  }
0x187: {  	v4 =	vadd.f32 v40, v5;
	v5 =	vld [tilespmem:s28+$0xFFFFFF10];
	v6 =	vmul.f32 v44, v6  }
0x188: {  	v47 =	vld [tilespmem:s28+$0xFFFFFF20];
	(xrf2) =	vadd.scan.msk.f32 $0xffff, v0;
	v0 =	vmul.f32 v41, v37;
	v2 =	vadd.f32 v3, v2;
	v3 =	vmul.f32 v43, v42  }
0x189: {  	(xrf2) =	vadd.scan.msk.f32 $0xffff, v4;
	v4 =	vld [tilespmem:s26+$0xFFFFFF20]  }
0x18a: {  	v49 =	vld [tilespmem:s26+$0x10];
	v0 =	vadd.f32 v0, v2;
	v2 =	vadd.f32 v6, v3;
	v1 =	vmul.f32 v1, v46  }
0x18b: {  	v3 =	vld [tilespmem:s28+$0x10]  }
0x18c: {  	v12 =	vld [tilespmem:s26+$0x20];
	v5 =	vmul.f32 v7, v5;
	v1 =	vadd.f32 v1, v2;
	v2 =	vmul.f32 v34, v33  }
0x18d: {  	v7 =	vld [tilespmem:s28+$0x20]  }
0x18e: {  	v52 =	vmul.f32 v15, v14;
	v14 =	vld [tilespmem:s26+$0x110];
	v4 =	vmul.f32 v4, v47;
	v2 =	vadd.f32 v5, v2  }
0x18f: {  	v48 =	vmul.f32 v32, v26;
	v5 =	vld [tilespmem:s28+$0x110]  }
0x190: {  	v53 =	vld [tilespmem:s28+$0x120];
	v3 =	vmul.f32 v49, v3;
	v2 =	vadd.f32 v4, v2;
	v4 =	vmul.f32 v25, v16  }
0x191: {  	v16 =	vld [tilespmem:s26+$0x120]  }
0x192: {  	v6, _, _ =	vpop (xrf2);
	v1 =	vadd.f32 v48, v1;
	v3 =	vadd.f32 v3, v4;
	v4 =	vmul.f32 v12, v7  }
0x193: {  	v50, _, _ =	vpop (xrf2);
	(xrf2) =	vadd.scan.msk.f32 $0xffff, v0;
	v2 =	vadd.f32 v52, v2  }
0x194: {  	v0, _, _ =	vpop (xrf2);
	(xrf2) =	vadd.scan.msk.f32 $0xffff, v1;
	v7 =	vld [tilespmem:s28+$0x210];
	v5 =	vmul.f32 v14, v5;
	v3 =	vadd.f32 v4, v3;
	v4 =	vmul.f32 v30, v29  }
0x195: {  	v12 =	vadd.f32 v20, v19;
	v19 =	vmul.f32 v28, v27;
	(xrf2) =	vadd.scan.msk.f32 $0xffff, v2;
	v2 =	vld [tilespmem:$0x1FD90]  }
0x196: {  	v20 =	vld [tilespmem:s26+$0x210];
	v4 =	vadd.f32 v5, v4;
	v5 =	vmul.f32 v16, v53  }
0x197: {  	v3 =	vadd.f32 v19, v3;
	v19 =	vld [tilespmem:$0x1FDD0]  }
0x198: {  	v4 =	vadd.f32 v5, v4;
	v5 =	vld [tilespmem:$0x1FDC0]  }
0x199: {  	v26, _, _ =	vpop (xrf2);
	v14 =	vld [tilespmem:s28+$0x220]  }
0x19a: {  	v51, _, _ =	vpop (xrf2);
	v2 =	vadd.f32 v12, v2;
	v12 =	vld [tilespmem:s26+$0x220]  }
0x19b: {  	v15, _, _ =	vpop (xrf2)  }
0x19c: {  	v18 =	vmul.f32 v23, v18;
	v55 =	vld [tilespmem:s28+$0x310];
	v1, _, _ =	vpop (xrf2)  }
0x19d: {  	v23 =	vld [tilespmem:$0x1FF70];
	v54, _, _ =	vpop (xrf2);
	v7 =	vmul.f32 v20, v7;
	v5 =	vmul.f32 v19, v5  }
0x19e: {  	v17 =	vmul.f32 v24, v17;
	v24 =	vld [tilespmem:$0x1FF80];
	v9 =	vbroadcast v54, $0xF;
	v16, _, _ =	vpop (xrf2)  }
0x19f: {  	v56 =	vbroadcast v16, $0xF;
	v16 =	vld [tilespmem:s26+$0x310];
	v5 =	vadd.f32 v7, v5;
	v7 =	vmul.f32 v12, v14  }
0x1a0: {  	(xrf2) =	vadd.scan.msk.f32 $0xffff, v3;
	v3 =	vbroadcast v15, $0xF;
	v15 =	vld [tilespmem:$0x1FDB0]  }
0x1a1: {  	v1 =	vbroadcast v1, $0xF;
	v9 =	vmul.f32 v21, v9;
	v5 =	vadd.f32 v7, v5;
	v7 =	vld [tilespmem:$0x1FDA0]  }
0x1a2: {  	v57 =	vld [tilespmem:s26+$0x320]  }
0x1a3: {  	v1 =	vmul.f32 v22, v1;
	v2 =	vadd.f32 v9, v2;
	v19 =	vld [tilespmem:s28+$0x320]  }
0x1a4: {  	v25 =	vld [tilespmem:$0x1FF90]  }
0x1a5: {  	v27 =	vld [tilespmem:$0x1FFA0];
	v1 =	vadd.f32 v1, v2;
	v2 =	vmul.f32 v23, v56  }
0x1a6: {  	v4 =	vadd.f32 v17, v4;
	v10 =	vmul.f32 v16, v55;
	v12 =	vld [tilespmem:s28+$0x330];
	v14, _, _ =	vpop (xrf2);
	v7 =	vmul.f32 v15, v7  }
0x1a7: {  	v1 =	vadd.f32 v2, v1;
	v2 =	vmul.f32 v24, v3;
	v3 =	vbroadcast v14, $0xF;
	v14 =	vld [tilespmem:s26+$0x330]  }
0x1a8: {  	v28 =	vld [tilespmem:$0x1FFB0];
	(xrf2) =	vadd.scan.msk.f32 $0xffff, v4;
	v4 =	vadd.f32 v18, v5;
	v5 =	vadd.f32 v10, v7;
	v7 =	vmul.f32 v57, v19  }
0x1a9: {  	v1 =	vadd.f32 v2, v1;
	v2 =	vmul.f32 v25, v3;
	v3 =	vbroadcast v51, $0xF  }
0x1aa: {  	v29 =	vld [tilespmem:$0x1FFC0];
	v58, _, _ =	vpop (xrf2);
	v5 =	vadd.f32 v7, v5  }
0x1ab: {  	v1 =	vadd.f32 v2, v1;
	v2 =	vmul.f32 v27, v3;
	v3 =	vbroadcast v58, $0xF  }
0x1ac: {  	v7 =	vmul.f32 v14, v12  }
0x1ad: {  	v30 =	vld [tilespmem:$0x1FFD0];
	(xrf2) =	vadd.scan.msk.f32 $0xffff, v4;
	v1 =	vadd.f32 v2, v1;
	v2 =	vmul.f32 v28, v3;
	v3 =	vbroadcast v26, $0xF  }
0x1ae: {  	v4 =	vadd.f32 v7, v5;
	v5, _, _ =	vpop (xrf2)  }
0x1af: {  	v32 =	vld [tilespmem:$0x1FFE0];
	v1 =	vadd.f32 v2, v1;
	v2 =	vmul.f32 v29, v3;
	v3 =	vbroadcast v5, $0xF;
	_ =	sdelay $0x1  }
0x1b0: {  	v40 =	vld [tilespmem:$0x1FFF0];
	(xrf2) =	vadd.scan.msk.f32 $0xffff, v4  }
0x1b1: {  	v0 =	vbroadcast v0, $0xF;
	v1 =	vadd.f32 v2, v1;
	v2 =	vmul.f32 v30, v3  }
0x1b2: {  	v34 =	vld [tilespmem:$0x1FF20];
	v3, _, _ =	vpop (xrf2)  }
0x1b3: {  	v0 =	vmul.f32 v32, v0;
	v1 =	vadd.f32 v2, v1;
	v2 =	vbroadcast v3, $0xF  }
0x1b4: {  	v35 =	vld [tilespmem:$0x1FF30]  }
0x1b5: {  	v0 =	vadd.f32 v0, v1;
	v1 =	vmul.f32 v40, v2;
	v2 =	vbroadcast v50, $0xF  }
0x1b6: {  	v36 =	vld [tilespmem:$0x1FF40];
	v3, _, _ =	vpop (xrf2)  }
0x1b7: {  	v0 =	vadd.f32 v1, v0;
	v1 =	vmul.f32 v34, v2;
	v2 =	vbroadcast v3, $0xF  }
0x1b8: {  	v37 =	vld [tilespmem:$0x1FF50]  }
0x1b9: {  	v0 =	vadd.f32 v1, v0;
	v1 =	vmul.f32 v35, v2;
	v2 =	vbroadcast v6, $0xF  }
0x1ba: {  	v31 =	vld [tilespmem:$0x1FF60];
	v3, _, _ =	vpop (xrf2)  }
0x1bb: {  	v0 =	vadd.f32 v1, v0;
	v1 =	vmul.f32 v36, v2;
	v2 =	vbroadcast v3, $0xF;
	_ =	sdelay $0x1  }
0x1bc: {  	v0 =	vadd.f32 v1, v0;
	v1 =	vmul.f32 v37, v2;
	v2 =	vbroadcast v13, $0xF;
	_ =	sdelay $0x1  }
0x1bd: {  	v0 =	vadd.f32 v1, v0;
	v1 =	vmul.f32 v31, v2;
	_ =	sdelay $0x1  }
0x1be: {  	v0 =	vadd.f32 v1, v0;
	_ =	sdelay $0x1  }
0x1bf: {  	[tilespmem:s25+$0x10810] =	vst v0  }
0x1c0: {  	[tilespmem:s19], [sflag:$0x1] =	stream.indirect.gather [hbm4b:s4+s18], $0x80, s18, s18, $0xb8;
	[tilespmem:$0x10A10] =	vst v63  }
0x1c1: {  	_ = 	snop  }
0x1c2: {  	[tilespmem:s20], [sflag:$0x1] =	stream.indirect.gather [hbm4b:s6+s18], $0x80, s22, s18, $0xb8;
	[tilespmem:$0x10A10] =	vst v63  }
0x1c3: {  	_ =	swait.ge [sflag:s21], $0x8000  }
0x1c4: {  	[sflag:s21] =	ssyncset.done $0x0  }
0x1c5: {  	[sflag:s21] =	ssyncadd.s32 $0xFFFF8000  }
0x1c6: {  	_ =	swait.ge [sflag:s21], $0x8000  }
0x1c7: {  	[sflag:s21] =	ssyncset.done $0x0  }
0x1c8: {  	s26 =	simm.s32 $0x8800;
	[sflag:s21] =	ssyncadd.s32 $0xFFFF8000  }
0x1c9: {  	v0 =	vld [tilespmem:s26+$0x3B0];
	_ =	sdelay $0x4  }
0x1ca: {  	[tilespmem:$0x1FBE0] =	vst v0;
	v0 =	vld [tilespmem:s26+$0x2B0];
	_ =	sdelay $0x4  }
0x1cb: {  	[tilespmem:$0x1FC10] =	vst v0;
	v0 =	vld [tilespmem:s26+$0x230];
	_ =	sdelay $0x3  }
0x1cc: {  	s28 =	simm.s32 $0x800  }
0x1cd: {  	[tilespmem:$0x1FAD0] =	vst v0;
	v0 =	vld [tilespmem:s28+$0x2A0];
	_ =	sdelay $0x4  }
0x1ce: {  	[tilespmem:$0x1FBF0] =	vst v0;
	v0 =	vld [tilespmem:s26+$0x2A0];
	_ =	sdelay $0x4  }
0x1cf: {  	[tilespmem:$0x1FC00] =	vst v0;
	v0 =	vld [tilespmem:s28+$0x1B0];
	_ =	sdelay $0x4  }
0x1d0: {  	[tilespmem:$0x1FC40] =	vst v0;
	v0 =	vld [tilespmem:s26+$0x1B0];
	_ =	sdelay $0x4  }
0x1d1: {  	[tilespmem:$0x1FC50] =	vst v0;
	v0 =	vld [tilespmem:s26+$0x130];
	_ =	sdelay $0x4  }
0x1d2: {  	[tilespmem:$0x1FAE0] =	vst v0;
	v0 =	vld [tilespmem:s28+$0x1A0];
	_ =	sdelay $0x4  }
0x1d3: {  	[tilespmem:$0x1FC20] =	vst v0;
	v0 =	vld [tilespmem:s26+$0x1A0];
	_ =	sdelay $0x4  }
0x1d4: {  	[tilespmem:$0x1FC30] =	vst v0;
	v0 =	vld [tilespmem:s28+$0xB0];
	_ =	sdelay $0x4  }
0x1d5: {  	[tilespmem:$0x1FC60] =	vst v0;
	v0 =	vld [tilespmem:s26+$0xB0];
	_ =	sdelay $0x4  }
0x1d6: {  	[tilespmem:$0x1FC70] =	vst v0;
	v0 =	vld [tilespmem:s28+$0x30];
	_ =	sdelay $0x4  }
0x1d7: {  	[tilespmem:$0x1FAF0] =	vst v0;
	v0 =	vld [tilespmem:s26+$0x30];
	_ =	sdelay $0x4  }
0x1d8: {  	[tilespmem:$0x1FB00] =	vst v0;
	v0 =	vld [tilespmem:s28+$0x100];
	_ =	sdelay $0x4  }
0x1d9: {  	[tilespmem:$0x1FB10] =	vst v0;
	v0 =	vld [tilespmem:s26+$0x100];
	_ =	sdelay $0x4  }
0x1da: {  	[tilespmem:$0x1FB20] =	vst v0;
	v0 =	vld [tilespmem:s28+$0xFFFFFFB0];
	_ =	sdelay $0x4  }
0x1db: {  	[tilespmem:$0x1FC90] =	vst v0;
	v0 =	vld [tilespmem:s26+$0xFFFFFFB0];
	_ =	sdelay $0x4  }
0x1dc: {  	[tilespmem:$0x1FCA0] =	vst v0;
	v0 =	vld [tilespmem:s28+$0xFFFFFF30];
	_ =	sdelay $0x4  }
0x1dd: {  	[tilespmem:$0x1FB30] =	vst v0;
	v0 =	vld [tilespmem:s26+$0xFFFFFF30];
	_ =	sdelay $0x4  }
0x1de: {  	[tilespmem:$0x1FB40] =	vst v0;
	v0 =	vld [tilespmem:s28+$0xFFFFFFA0];
	_ =	sdelay $0x4  }
0x1df: {  	[tilespmem:$0x1FC80] =	vst v0;
	v0 =	vld [tilespmem:s28+$0x0]  }
0x1e0: {  	s25 =	simm.s32 $0x0  }
0x1e1: {  	v19 =	vld [tilespmem:s25+$0x10500]  }
0x1e2: {  	v20 =	vld [tilespmem:s25+$0x10700]  }
0x1e3: {  	v4 =	vld [tilespmem:s28+$0x3B0]  }
0x1e4: {  	[tilespmem:$0x1FB50] =	vst v0;
	v0 =	vld [tilespmem:s26+$0x0]  }
0x1e5: {  	v5 =	vld [tilespmem:s28+$0x3A0]  }
0x1e6: {  	v63 =	vld [tilespmem:s26+$0x3A0]  }
0x1e7: {  	v26 =	vld [tilespmem:s28+$0x2B0]  }
0x1e8: {  	v49 =	vld [tilespmem:s28+$0x380]  }
0x1e9: {  	[tilespmem:$0x1FB60] =	vst v0;
	v0 =	vld [tilespmem:s28+$0xFFFFFEB0]  }
0x1ea: {  	v48 =	vld [tilespmem:s26+$0x380]  }
0x1eb: {  	v13 =	vld [tilespmem:s28+$0x390]  }
0x1ec: {  	v12 =	vld [tilespmem:s26+$0x390]  }
0x1ed: {  	v42 =	vld [tilespmem:s28+$0x230]  }
0x1ee: {  	[tilespmem:$0x1FCB0] =	vst v0;
	v0 =	vld [tilespmem:s26+$0xFFFFFEB0]  }
0x1ef: {  	v33 =	vld [tilespmem:s28+$0x300]  }
0x1f0: {  	v38 =	vld [tilespmem:s26+$0x300]  }
0x1f1: {  	v54 =	vld [tilespmem:s28+$0x280]  }
0x1f2: {  	v51 =	vld [tilespmem:s26+$0x280]  }
0x1f3: {  	[tilespmem:$0x1FCC0] =	vst v0;
	v0 =	vld [tilespmem:s28+$0xFFFFFE30]  }
0x1f4: {  	v53 =	vld [tilespmem:s28+$0x290]  }
0x1f5: {  	v17 =	vld [tilespmem:s26+$0x290]  }
0x1f6: {  	v15 =	vld [tilespmem:s28+$0x130]  }
0x1f7: {  	v39 =	vld [tilespmem:s28+$0x200]  }
0x1f8: {  	[tilespmem:$0x1FB70] =	vst v0;
	v0 =	vld [tilespmem:s26+$0xFFFFFE30]  }
0x1f9: {  	v41 =	vld [tilespmem:s26+$0x200]  }
0x1fa: {  	v52 =	vld [tilespmem:s28+$0x180]  }
0x1fb: {  	v55 =	vld [tilespmem:s26+$0x180]  }
0x1fc: {  	v58 =	vld [tilespmem:s28+$0x190]  }
0x1fd: {  	[tilespmem:$0x1FB80] =	vst v0;
	v0 =	vld [tilespmem:s28+$0xFFFFFF00]  }
0x1fe: {  	v59 =	vld [tilespmem:s26+$0x190]  }
0x1ff: {  	v60 =	vld [tilespmem:s28+$0xA0]  }
0x200: {  	v61 =	vld [tilespmem:s26+$0xA0]  }
0x201: {  	v14 =	vld [tilespmem:s28+$0x80]  }
0x202: {  	[tilespmem:$0x1FB90] =	vst v0;
	v0 =	vld [tilespmem:s26+$0xFFFFFF00]  }
0x203: {  	v8 =	vld [tilespmem:s26+$0x80]  }
0x204: {  	v11 =	vld [tilespmem:s28+$0x90]  }
0x205: {  	v2 =	vld [tilespmem:s26+$0x90]  }
0x206: {  	v56 =	vld [tilespmem:s26+$0xFFFFFFA0]  }
0x207: {  	[tilespmem:$0x1FBA0] =	vst v0;
	v0 =	vld [tilespmem:s28+$0xFFFFFD30]  }
0x208: {  	v18 =	vld [tilespmem:s28+$0xFFFFFF80]  }
0x209: {  	v10 =	vld [tilespmem:s26+$0xFFFFFF80]  }
0x20a: {  	v3 =	vld [tilespmem:s28+$0xFFFFFF90]  }
0x20b: {  	v1 =	vld [tilespmem:s26+$0xFFFFFF90]  }
0x20c: {  	[tilespmem:$0x1FBB0] =	vst v0;
	v0 =	vld [tilespmem:s26+$0xFFFFFD30]  }
0x20d: {  	v62 =	vld [tilespmem:s28+$0xFFFFFEA0]  }
0x20e: {  	v57 =	vld [tilespmem:s26+$0xFFFFFEA0]  }
0x20f: {  	v44 =	vld [tilespmem:s28+$0xFFFFFDB0]  }
0x210: {  	v45 =	vld [tilespmem:s26+$0xFFFFFDB0]  }
0x211: {  	[tilespmem:$0x1FBC0] =	vst v0;
	v0 =	vld [tilespmem:s28+$0xFFFFFE00]  }
0x212: {  	v16 =	vld [tilespmem:s28+$0xFFFFFE80]  }
0x213: {  	v9 =	vld [tilespmem:s26+$0xFFFFFE80]  }
0x214: {  	v7 =	vld [tilespmem:s28+$0xFFFFFE90]  }
0x215: {  	v6 =	vld [tilespmem:s26+$0xFFFFFE90]  }
0x216: {  	v49 =	vmul.f32 v48, v49;
	[tilespmem:$0x1FBD0] =	vst v0;
	v0 =	vld [tilespmem:$0x1FBE0]  }
0x217: {  	v12 =	vmul.f32 v12, v13;
	v54 =	vmul.f32 v51, v54;
	v51 =	vld [tilespmem:$0x1FBF0]  }
0x218: {  	v17 =	vmul.f32 v17, v53;
	v53 =	vld [tilespmem:$0x1FC00]  }
0x219: {  	v47 =	vld [tilespmem:s28+$0xFFFFFDA0];
	v12 =	vadd.f32 v12, v49;
	v49 =	vmul.f32 v63, v5  }
0x21a: {  	v50 =	vld [tilespmem:s26+$0xFFFFFDA0]  }
0x21b: {  	v43 =	vld [tilespmem:s26+$0xFFFFFE00];
	v12 =	vadd.f32 v49, v12;
	v0 =	vmul.f32 v0, v4  }
0x21c: {  	v46 =	vld [tilespmem:s28+$0xFFFFFCB0]  }
0x21d: {  	v48 =	vld [tilespmem:s26+$0xFFFFFCB0];
	v53 =	vmul.f32 v53, v51;
	v0 =	vadd.f32 v0, v12;
	v12 =	vadd.f32 v17, v54  }
0x21e: {  	v13 =	vld [tilespmem:s28+$0xFFFFFD80]  }
0x21f: {  	v59 =	vmul.f32 v59, v58;
	v58 =	vadd.f32 v53, v12;
	v12 =	vld [tilespmem:$0x1FC10]  }
0x220: {  	v3 =	vmul.f32 v1, v3;
	v1 =	vld [tilespmem:s28+$0xFFFFFC80]  }
0x221: {  	v63 =	vld [tilespmem:s26+$0xFFFFFD80];
	v17 =	vmul.f32 v55, v52  }
0x222: {  	v8 =	vmul.f32 v8, v14;
	v5 =	vld [tilespmem:s28+$0xFFFFFD90]  }
0x223: {  	v9 =	vmul.f32 v9, v16;
	v6 =	vmul.f32 v6, v7;
	v14 =	vadd.f32 v59, v17;
	v17 =	vld [tilespmem:$0x1FC20]  }
0x224: {  	v12 =	vmul.f32 v12, v26;
	v26 =	vld [tilespmem:$0x1FC30]  }
0x225: {  	v6 =	vadd.f32 v6, v9;
	v9 =	vmul.f32 v57, v62;
	v57 =	vld [tilespmem:s28+$0xFFFFFC00]  }
0x226: {  	v10 =	vmul.f32 v10, v18;
	v49 =	vld [tilespmem:s28+$0xFFFFFC30]  }
0x227: {  	v51 =	vld [tilespmem:s26+$0xFFFFFC30]  }
0x228: {  	v10 =	vadd.f32 v3, v10;
	v3 =	vld [tilespmem:$0x1FC80]  }
0x229: {  	v4 =	vld [tilespmem:s26+$0xFFFFFD90];
	v17 =	vmul.f32 v26, v17  }
0x22a: {  	v55 =	vld [tilespmem:s28+$0xFFFFFCA0]  }
0x22b: {  	v2 =	vmul.f32 v2, v11;
	v11 =	vadd.f32 v12, v58;
	v12 =	vadd.f32 v17, v14;
	v14 =	vld [tilespmem:$0x1FC40]  }
0x22c: {  	v17 =	vld [tilespmem:$0x1FC50]  }
0x22d: {  	v52 =	vld [tilespmem:s28+$0xFFFFFD00]  }
0x22e: {  	v54 =	vld [tilespmem:s26+$0xFFFFFC00]  }
0x22f: {  	(xrf2) =	vadd.scan.msk.f32 $0xffff, v0;
	v0 =	vld [tilespmem:s26+$0xFFFFFCA0]  }
0x230: {  	v59 =	vmul.f32 v61, v60;
	v60 =	vld [tilespmem:$0x1FC90]  }
0x231: {  	v18 =	vmul.f32 v17, v14;
	v14 =	vld [tilespmem:$0x1FC60]  }
0x232: {  	v17 =	vld [tilespmem:$0x1FC70]  }
0x233: {  	v61 =	vld [tilespmem:$0x1FCA0]  }
0x234: {  	v2 =	vadd.f32 v2, v8;
	v62 =	vmul.f32 v63, v13;
	v63 =	vmul.f32 v4, v5;
	v4 =	vld [tilespmem:$0x1FCB0]  }
0x235: {  	v5 =	vld [tilespmem:$0x1FCC0]  }
0x236: {  	v8 =	vadd.f32 v59, v2;
	v2 =	vld [tilespmem:s26+$0xFFFFFC80];
	(xrf2) =	vadd.scan.msk.f32 $0xffff, v11  }
0x237: {  	v14 =	vmul.f32 v17, v14;
	v17 =	vmul.f32 v56, v3;
	v3 =	vld [tilespmem:s28+$0xFFFFFC90]  }
0x238: {  	v12 =	vadd.f32 v18, v12;
	v56 =	vld [tilespmem:s26+$0xFFFFFC90]  }
0x239: {  	v53 =	vld [tilespmem:s26+$0xFFFFFD00];
	v7 =	vadd.f32 v14, v8;
	v8 =	vadd.f32 v17, v10;
	v10 =	vmul.f32 v61, v60  }
0x23a: {  	v58 =	vld [tilespmem:s28+$0xFFFFFC10];
	(xrf2) =	vadd.scan.msk.f32 $0xffff, v12  }
0x23b: {  	s29 =	simm.s32 $0x40;
	v4 =	vmul.f32 v5, v4;
	v26, _, _ =	vpop (xrf2);
	v61 =	vadd.f32 v9, v6;
	v60 =	vld [tilespmem:s26+$0xFFFFFC10];
	(xrf2) =	vadd.scan.msk.f32 $0xffff, v7;
	v59 =	vadd.f32 v10, v8  }
.LBB2_4:
0x23c: {  	v5 =	vld [tilespmem:s28+$0xFFFFFC20];
	v7 =	vmul.f32 v50, v47  }
0x23d: {  	v8 =	vld [tilespmem:s26+$0xFFFFFC20];
	v6 =	vadd.f32 v63, v62;
	v1 =	vmul.f32 v2, v1;
	v2 =	vmul.f32 v56, v3  }
0x23e: {  	v3 =	vadd.f32 v4, v61;
	v4 =	vld [tilespmem:s28+$0xFFFFFD10]  }
0x23f: {  	(xrf2) =	vadd.scan.msk.f32 $0xffff, v59;
	v6 =	vadd.f32 v7, v6;
	v7 =	vmul.f32 v45, v44;
	v1 =	vadd.f32 v2, v1;
	v2 =	vld [tilespmem:s26+$0xFFFFFD10]  }
0x240: {  	v10 =	vld [tilespmem:s28+$0xFFFFFD20];
	v47, _, _ =	vpop (xrf2);
	v9 =	vmul.f32 v60, v58;
	(xrf2) =	vadd.scan.msk.f32 $0xffff, v3;
	v3 =	vmul.f32 v54, v57  }
0x241: {  	v0 =	vmul.f32 v0, v55;
	v6 =	vadd.f32 v7, v6;
	v7 =	vld [tilespmem:s26+$0xFFFFFD20]  }
0x242: {  	v5 =	vmul.f32 v8, v5;
	v3 =	vadd.f32 v9, v3  }
0x243: {  	v0 =	vadd.f32 v0, v1;
	v1 =	vmul.f32 v48, v46  }
0x244: {  	v12 =	vld [tilespmem:$0x1FBA0];
	v3 =	vadd.f32 v5, v3;
	v5 =	vmul.f32 v53, v52;
	v2 =	vmul.f32 v2, v4  }
0x245: {  	v48 =	vld [tilespmem:s28+$0xFFFFFE10]  }
0x246: {  	v11 =	vadd.f32 v1, v0;
	v1 =	vld [tilespmem:s26+$0xFFFFFE10];
	v2 =	vadd.f32 v2, v5;
	v5 =	vmul.f32 v7, v10  }
0x247: {  	v44, _, _ =	vpop (xrf2);
	(xrf2) =	vadd.scan.msk.f32 $0xffff, v6;
	v6 =	vmul.f32 v51, v49;
	v51 =	vld [tilespmem:s26+$0xFFFFFE20]  }
0x248: {  	v2 =	vadd.f32 v5, v2;
	v5 =	vld [tilespmem:$0x1FBD0]  }
0x249: {  	v52 =	vld [tilespmem:$0x1FBC0]  }
0x24a: {  	v4 =	vld [tilespmem:s28+$0xFFFFFE20]  }
0x24b: {  	v7 =	vld [tilespmem:$0x1FBB0]  }
0x24c: {  	v14 =	vld [tilespmem:$0x1FB60]  }
0x24d: {  	v56 =	vld [tilespmem:$0x1FB80];
	v1 =	vmul.f32 v1, v48;
	v5 =	vmul.f32 v43, v5  }
0x24e: {  	v54 =	vld [tilespmem:s28+$0xFFFFFF20]  }
0x24f: {  	v53 =	vld [tilespmem:s26+$0xFFFFFF10];
	v4 =	vmul.f32 v51, v4;
	v1 =	vadd.f32 v1, v5  }
0x250: {  	v3 =	vadd.f32 v6, v3;
	v6 =	vld [tilespmem:s28+$0xFFFFFF10];
	v7 =	vmul.f32 v52, v7  }
0x251: {  	v1 =	vadd.f32 v4, v1;
	v4 =	vld [tilespmem:$0x1FB90]  }
0x252: {  	v50, _, _ =	vpop (xrf2);
	(xrf2) =	vadd.scan.msk.f32 $0xffff, v11;
	v13 =	vadd.f32 v7, v2;
	v7 =	vld [tilespmem:$0x1FB70]  }
0x253: {  	v0, _, _ =	vpop (xrf2);
	(xrf2) =	vadd.scan.msk.f32 $0xffff, v3;
	v3 =	vld [tilespmem:s26+$0xFFFFFF20]  }
0x254: {  	v16 =	vld [tilespmem:$0x1FAF0]  }
0x255: {  	v17 =	vld [tilespmem:$0x1FB00]  }
0x256: {  	v59 =	vld [tilespmem:$0x1FB40];
	v6 =	vmul.f32 v53, v6;
	v4 =	vmul.f32 v12, v4  }
0x257: {  	v57 =	vld [tilespmem:s26+$0x10];
	v7 =	vmul.f32 v56, v7  }
0x258: {  	v3 =	vmul.f32 v3, v54;
	v5 =	vld [tilespmem:s28+$0x10];
	v4 =	vadd.f32 v6, v4  }
0x259: {  	v1 =	vadd.f32 v7, v1;
	v7 =	vld [tilespmem:$0x1FB30]  }
0x25a: {  	v3 =	vadd.f32 v3, v4;
	v4 =	vld [tilespmem:$0x1FB50]  }
0x25b: {  	v58 =	vld [tilespmem:s28+$0x20]  }
0x25c: {  	v12 =	vld [tilespmem:s26+$0x20]  }
0x25d: {  	v60 =	vld [tilespmem:s26+$0x110]  }
0x25e: {  	v61 =	vld [tilespmem:s28+$0x120];
	v16 =	vmul.f32 v17, v16;
	v7 =	vmul.f32 v59, v7  }
0x25f: {  	v17 =	vld [tilespmem:$0x1FB20];
	v55, _, _ =	vpop (xrf2);
	v5 =	vmul.f32 v57, v5;
	v4 =	vmul.f32 v14, v4  }
0x260: {  	v2, _, _ =	vpop (xrf2);
	(xrf2) =	vadd.scan.msk.f32 $0xffff, v13;
	v3 =	vadd.f32 v7, v3;
	v14 =	vld [tilespmem:$0x1FAE0]  }
0x261: {  	v13, _, _ =	vpop (xrf2);
	(xrf2) =	vadd.scan.msk.f32 $0xffff, v1;
	v6 =	vld [tilespmem:s28+$0x110];
	v4 =	vadd.f32 v5, v4;
	v5 =	vmul.f32 v12, v58  }
0x262: {  	v62, _, _ =	vpop (xrf2);
	(xrf2) =	vadd.scan.msk.f32 $0xffff, v3;
	v3 =	vld [tilespmem:$0x1FD90]  }
0x263: {  	v4 =	vadd.f32 v5, v4;
	v5 =	vld [tilespmem:$0x1FB10]  }
0x264: {  	v1 =	vld [tilespmem:s26+$0x120]  }
0x265: {  	v14 =	vmul.f32 v14, v15;
	v15 =	vld [tilespmem:$0x1FAD0]  }
0x266: {  	v7 =	vld [tilespmem:s28+$0x210];
	v12 =	vadd.f32 v20, v19  }
0x267: {  	v10 =	vbroadcast v62, $0xF;
	v6 =	vmul.f32 v60, v6;
	v19 =	vld [tilespmem:s26+$0x210]  }
0x268: {  	v63 =	vld [tilespmem:s28+$0x220];
	v3 =	vadd.f32 v12, v3;
	v12 =	vbroadcast v13, $0xF;
	v5 =	vmul.f32 v17, v5  }
0x269: {  	v10 =	vmul.f32 v21, v10;
	v1 =	vmul.f32 v1, v61;
	v13 =	vld [tilespmem:s26+$0x220];
	v4 =	vadd.f32 v16, v4  }
0x26a: {  	v17 =	vmul.f32 v22, v12;
	v12 =	vld [tilespmem:s26+$0x310];
	v15 =	vmul.f32 v15, v42;
	v42, _, _ =	vpop (xrf2);
	v5 =	vadd.f32 v6, v5  }
0x26b: {  	v3 =	vadd.f32 v10, v3;
	v6 =	vld [tilespmem:s28+$0x310];
	v9 =	vbroadcast v42, $0xF  }
0x26c: {  	v43 =	vld [tilespmem:s26+$0x320];
	v7 =	vmul.f32 v19, v7;
	(xrf2) =	vadd.scan.msk.f32 $0xffff, v4;
	v1 =	vadd.f32 v1, v5;
	v5 =	vmul.f32 v41, v39  }
0x26d: {  	v2 =	vbroadcast v2, $0xF;
	v16 =	vld [tilespmem:s28+$0x320];
	v3 =	vadd.f32 v17, v3;
	v4 =	vmul.f32 v23, v9  }
0x26e: {  	v46 =	vld [tilespmem:s28+$0x330];
	v48, _, _ =	vpop (xrf2);
	v1 =	vadd.f32 v14, v1;
	v5 =	vadd.f32 v7, v5;
	v7 =	vmul.f32 v13, v63  }
0x26f: {  	v49 =	vld [tilespmem:s26+$0x330];
	v2 =	vmul.f32 v24, v2;
	v3 =	vadd.f32 v4, v3;
	v4 =	vbroadcast v48, $0xF  }
0x270: {  	v13 =	vmul.f32 v38, v33;
	v6 =	vmul.f32 v12, v6;
	v5 =	vadd.f32 v7, v5;
	(xrf2) =	vadd.scan.msk.f32 $0xffff, v1  }
0x271: {  	v1 =	vadd.f32 v2, v3;
	v2 =	vmul.f32 v25, v4;
	v3 =	vbroadcast v55, $0xF  }
0x272: {  	v4 =	vadd.f32 v15, v5;
	v5 =	vadd.f32 v6, v13;
	v6 =	vmul.f32 v43, v16;
	v7, _, _ =	vpop (xrf2)  }
0x273: {  	v1 =	vadd.f32 v2, v1;
	v2 =	vmul.f32 v27, v3;
	v3 =	vbroadcast v7, $0xF  }
0x274: {  	v5 =	vadd.f32 v6, v5;
	v6 =	vmul.f32 v49, v46;
	(xrf2) =	vadd.scan.msk.f32 $0xffff, v4  }
0x275: {  	v0 =	vbroadcast v0, $0xF;
	v1 =	vadd.f32 v2, v1;
	v2 =	vmul.f32 v28, v3  }
0x276: {  	v3 =	vadd.f32 v6, v5;
	v4, _, _ =	vpop (xrf2)  }
0x277: {  	v0 =	vmul.f32 v29, v0;
	v1 =	vadd.f32 v2, v1;
	v2 =	vbroadcast v4, $0xF  }
0x278: {  	(xrf2) =	vadd.scan.msk.f32 $0xffff, v3  }
0x279: {  	v0 =	vadd.f32 v0, v1;
	v1 =	vmul.f32 v30, v2;
	v2 =	vbroadcast v50, $0xF  }
0x27a: {  	v3, _, _ =	vpop (xrf2)  }
0x27b: {  	v0 =	vadd.f32 v1, v0;
	v1 =	vmul.f32 v32, v2;
	v2 =	vbroadcast v3, $0xF;
	_ =	sdelay $0x1  }
0x27c: {  	v0 =	vadd.f32 v1, v0;
	v1 =	vmul.f32 v40, v2;
	v2 =	vbroadcast v44, $0xF  }
0x27d: {  	v3, _, _ =	vpop (xrf2)  }
0x27e: {  	v0 =	vadd.f32 v1, v0;
	v1 =	vmul.f32 v34, v2;
	v2 =	vbroadcast v3, $0xF;
	_ =	sdelay $0x1  }
0x27f: {  	v0 =	vadd.f32 v1, v0;
	v1 =	vmul.f32 v35, v2;
	v2 =	vbroadcast v47, $0xF  }
0x280: {  	v3, _, _ =	vpop (xrf2)  }
0x281: {  	v0 =	vadd.f32 v1, v0;
	v1 =	vmul.f32 v36, v2;
	v2 =	vbroadcast v3, $0xF;
	_ =	sdelay $0x1  }
0x282: {  	v0 =	vadd.f32 v1, v0;
	v1 =	vmul.f32 v37, v2;
	v2 =	vbroadcast v26, $0xF;
	_ =	sdelay $0x1  }
0x283: {  	v0 =	vadd.f32 v1, v0;
	v1 =	vmul.f32 v31, v2  }
0x284: {  	s30 =	sshra.s32 s29, $0x2  }
0x285: {  	v0 =	vadd.f32 v1, v0;
	v1 =	vld [tilespmem:s30+$0x10500];
	_ =	sdelay $0x4  }
0x286: {  	[tilespmem:$0x1FA20] =	vst v1  }
0x287: {  	s28 =	sadd.s32 $0x800, s28;
	v1 =	vld [tilespmem:s30+$0x10700];
	[tilespmem:s25+$0x10910] =	vst v0  }
0x288: {  	s26 =	sadd.s32 $0x800, s26;
	v52 =	vld [tilespmem:s28+$0x3B0]  }
0x289: {  	v51 =	vld [tilespmem:s26+$0x3B0]  }
0x28a: {  	v55 =	vld [tilespmem:s28+$0x3A0]  }
0x28b: {  	v49 =	vld [tilespmem:s26+$0x3A0]  }
0x28c: {  	v0 =	vld [tilespmem:s28+$0x2B0]  }
0x28d: {  	v48 =	vld [tilespmem:s28+$0x380]  }
0x28e: {  	v63 =	vld [tilespmem:s26+$0x380]  }
0x28f: {  	v2 =	vld [tilespmem:s26+$0x390]  }
0x290: {  	v59 =	vld [tilespmem:s28+$0x2A0]  }
0x291: {  	v60 =	vld [tilespmem:s26+$0x2A0]  }
0x292: {  	v53 =	vld [tilespmem:s26+$0x1B0]  }
0x293: {  	v6 =	vld [tilespmem:s28+$0x280]  }
0x294: {  	v7 =	vld [tilespmem:s26+$0x280]  }
0x295: {  	v8 =	vld [tilespmem:s28+$0x290]  }
0x296: {  	v9 =	vld [tilespmem:s26+$0x290]  }
0x297: {  	v3 =	vld [tilespmem:s26+$0x1A0]  }
0x298: {  	v4 =	vld [tilespmem:s28+$0x200]  }
0x299: {  	v57 =	vld [tilespmem:s28+$0xB0]  }
0x29a: {  	v58 =	vld [tilespmem:s26+$0xB0]  }
0x29b: {  	v10 =	vld [tilespmem:s28+$0x180]  }
0x29c: {  	v11 =	vld [tilespmem:s26+$0x180]  }
0x29d: {  	v12 =	vld [tilespmem:s28+$0x190]  }
0x29e: {  	v13 =	vld [tilespmem:s26+$0x190]  }
0x29f: {  	v56 =	vld [tilespmem:s28+$0xA0]  }
0x2a0: {  	v54 =	vld [tilespmem:s26+$0xA0]  }
0x2a1: {  	[tilespmem:$0x1FA80] =	vst v4;
	v4 =	vld [tilespmem:s26+$0x200]  }
0x2a2: {  	v61 =	vld [tilespmem:s28+$0xFFFFFFB0]  }
0x2a3: {  	v62 =	vld [tilespmem:s26+$0xFFFFFFB0]  }
0x2a4: {  	v16 =	vld [tilespmem:s28+$0x80]  }
0x2a5: {  	v17 =	vld [tilespmem:s26+$0x80]  }
0x2a6: {  	[tilespmem:$0x1FA60] =	vst v4;
	v4 =	vld [tilespmem:s28+$0x30]  }
0x2a7: {  	v18 =	vld [tilespmem:s28+$0x90]  }
0x2a8: {  	v19 =	vld [tilespmem:s26+$0x90]  }
0x2a9: {  	v20 =	vld [tilespmem:s28+$0xFFFFFFA0]  }
0x2aa: {  	v21 =	vld [tilespmem:s26+$0xFFFFFFA0]  }
0x2ab: {  	[tilespmem:$0x1FAF0] =	vst v4;
	v4 =	vld [tilespmem:s26+$0x30]  }
0x2ac: {  	v22 =	vld [tilespmem:s28+$0xFFFFFF80]  }
0x2ad: {  	v5 =	vld [tilespmem:s26+$0xFFFFFF80]  }
0x2ae: {  	v14 =	vmov v35;
	v35 =	vld [tilespmem:s28+$0xFFFFFF90]  }
0x2af: {  	v15 =	vmov v36;
	v36 =	vld [tilespmem:s26+$0xFFFFFF90]  }
0x2b0: {  	[tilespmem:$0x1FB00] =	vst v4;
	v4 =	vld [tilespmem:s28+$0x100]  }
0x2b1: {  	v26 =	vld [tilespmem:s28+$0xFFFFFEA0]  }
0x2b2: {  	v42 =	vld [tilespmem:s26+$0xFFFFFEA0]  }
0x2b3: {  	v44 =	vld [tilespmem:s28+$0xFFFFFDB0]  }
0x2b4: {  	v45 =	vld [tilespmem:s26+$0xFFFFFDB0]  }
0x2b5: {  	[tilespmem:$0x1FB10] =	vst v4;
	v4 =	vld [tilespmem:s26+$0x100]  }
0x2b6: {  	v41 =	vld [tilespmem:s28+$0xFFFFFE80]  }
0x2b7: {  	v38 =	vld [tilespmem:s26+$0xFFFFFE80]  }
0x2b8: {  	v39 =	vld [tilespmem:s28+$0xFFFFFE90]  }
0x2b9: {  	v50 =	vld [tilespmem:s28+$0xFFFFFD30]  }
0x2ba: {  	[tilespmem:$0x1FB20] =	vst v4;
	v4 =	vld [tilespmem:s28+$0xFFFFFF30]  }
0x2bb: {  	v43 =	vld [tilespmem:s26+$0xFFFFFD30]  }
0x2bc: {  	v47 =	vld [tilespmem:s28+$0xFFFFFDA0]  }
0x2bd: {  	v46 =	vld [tilespmem:s28+$0xFFFFFE00]  }
0x2be: {  	[tilespmem:$0x1FA50] =	vst v1;
	v1 =	vld [tilespmem:s28+$0x230]  }
0x2bf: {  	[tilespmem:$0x1FB30] =	vst v4;
	v4 =	vld [tilespmem:s26+$0xFFFFFF30]  }
0x2c0: {  	v33 =	vld [tilespmem:s28+$0xFFFFFD80]  }
0x2c1: {  	[tilespmem:$0x1FA00] =	vst v0;
	v0 =	vld [tilespmem:s26+$0x2B0]  }
0x2c2: {  	[tilespmem:$0x1FBB0] =	vst v50;
	v50 =	vld [tilespmem:s26+$0xFFFFFDA0]  }
0x2c3: {  	[tilespmem:$0x1FA90] =	vst v1;
	v1 =	vld [tilespmem:s26+$0x230]  }
0x2c4: {  	[tilespmem:$0x1FB40] =	vst v4;
	v4 =	vld [tilespmem:s28+$0x0]  }
0x2c5: {  	[tilespmem:$0x1FBC0] =	vst v43;
	v43 =	vld [tilespmem:s26+$0xFFFFFE00]  }
0x2c6: {  	[tilespmem:$0x1FBD0] =	vst v46;
	v46 =	vld [tilespmem:s28+$0xFFFFFCB0]  }
0x2c7: {  	v63 =	vmul.f32 v63, v48;
	v48 =	vld [tilespmem:s26+$0xFFFFFCB0]  }
0x2c8: {  	[tilespmem:$0x1FAD0] =	vst v1;
	v1 =	vld [tilespmem:s28+$0x300]  }
0x2c9: {  	[tilespmem:$0x1FB50] =	vst v4;
	v4 =	vld [tilespmem:s26+$0x0]  }
0x2ca: {  	v6 =	vmul.f32 v7, v6;
	v7 =	vmul.f32 v9, v8;
	v8 =	vld [tilespmem:s28+$0xFFFFFD90]  }
0x2cb: {  	[tilespmem:$0x1FA10] =	vst v0;
	v0 =	vld [tilespmem:s28+$0x390]  }
0x2cc: {  	v9 =	vld [tilespmem:s26+$0xFFFFFD90]  }
0x2cd: {  	[tilespmem:$0x1FAA0] =	vst v1;
	v1 =	vld [tilespmem:s26+$0x300]  }
0x2ce: {  	[tilespmem:$0x1FB60] =	vst v4;
	v4 =	vld [tilespmem:s28+$0xFFFFFEB0]  }
0x2cf: {  	v56 =	vmul.f32 v54, v56;
	v54 =	vld [tilespmem:s26+$0xFFFFFC00];
	v6 =	vadd.f32 v7, v6;
	v7 =	vmul.f32 v60, v59  }
0x2d0: {  	v60 =	vmul.f32 v19, v18;
	v19 =	vld [tilespmem:$0x1FA20];
	v0 =	vmul.f32 v2, v0  }
0x2d1: {  	v2 =	vmul.f32 v49, v55;
	v49 =	vld [tilespmem:s28+$0xFFFFFC30]  }
0x2d2: {  	v0 =	vadd.f32 v0, v63;
	[tilespmem:$0x1FA70] =	vst v1;
	v1 =	vld [tilespmem:s28+$0x1B0]  }
0x2d3: {  	[tilespmem:$0x1FAB0] =	vst v4;
	v4 =	vld [tilespmem:s26+$0xFFFFFEB0]  }
0x2d4: {  	v55 =	vld [tilespmem:s28+$0xFFFFFCA0];
	v0 =	vadd.f32 v2, v0;
	v2 =	vmul.f32 v51, v52  }
0x2d5: {  	v63 =	vld [tilespmem:s26+$0xFFFFFD80]  }
0x2d6: {  	v0 =	vadd.f32 v2, v0;
	v2 =	vadd.f32 v7, v6;
	v6 =	vld [tilespmem:$0x1FA00]  }
0x2d7: {  	[tilespmem:$0x1FA30] =	vst v1;
	v1 =	vld [tilespmem:s28+$0x130]  }
0x2d8: {  	[tilespmem:$0x1FAC0] =	vst v4;
	v4 =	vld [tilespmem:s28+$0xFFFFFE30]  }
0x2d9: {  	v7 =	vld [tilespmem:$0x1FA10]  }
0x2da: {  	v51 =	vld [tilespmem:s26+$0xFFFFFC30]  }
0x2db: {  	v52 =	vld [tilespmem:s28+$0xFFFFFD00]  }
0x2dc: {  	v10 =	vmul.f32 v11, v10;
	v59 =	vmul.f32 v13, v12;
	[tilespmem:$0x1FA40] =	vst v1;
	v1 =	vld [tilespmem:s26+$0x130]  }
0x2dd: {  	v12 =	vmul.f32 v36, v35;
	[tilespmem:$0x1FB70] =	vst v4;
	v4 =	vld [tilespmem:s26+$0xFFFFFE30]  }
0x2de: {  	(xrf2) =	vadd.scan.msk.f32 $0xffff, v0;
	v0 =	vld [tilespmem:s26+$0xFFFFFCA0];
	v6 =	vmul.f32 v7, v6;
	v7 =	vadd.f32 v59, v10;
	v59 =	vmul.f32 v5, v22  }
0x2df: {  	v22 =	vld [tilespmem:$0x1FF10]  }
0x2e0: {  	v11 =	vadd.f32 v12, v59;
	v12 =	vmul.f32 v21, v20;
	v20 =	vld [tilespmem:$0x1FA50]  }
0x2e1: {  	[tilespmem:$0x1FAE0] =	vst v1;
	v1 =	vld [tilespmem:s28+$0x1A0]  }
0x2e2: {  	v2 =	vadd.f32 v6, v2;
	[tilespmem:$0x1FB80] =	vst v4;
	v4 =	vld [tilespmem:s28+$0xFFFFFF00]  }
0x2e3: {  	v21 =	vld [tilespmem:$0x1FF00]  }
0x2e4: {  	(xrf2) =	vadd.scan.msk.f32 $0xffff, v2;
	v2 =	vld [tilespmem:s26+$0xFFFFFC80]  }
0x2e5: {  	v10 =	vadd.f32 v12, v11;
	v11 =	vmul.f32 v62, v61;
	v12 =	vmul.f32 v42, v26;
	v42 =	vld [tilespmem:$0x1FA90]  }
0x2e6: {  	v62 =	vmul.f32 v63, v33;
	v33 =	vld [tilespmem:$0x1FAA0];
	v1 =	vmul.f32 v3, v1  }
0x2e7: {  	[tilespmem:$0x1FB90] =	vst v4;
	v4 =	vld [tilespmem:s26+$0xFFFFFF00]  }
0x2e8: {  	v3 =	vmul.f32 v17, v16;
	v6 =	vadd.f32 v1, v7;
	v1 =	vld [tilespmem:$0x1FA30]  }
0x2e9: {  	v36 =	vmov v15;
	v15 =	vld [tilespmem:$0x1FA40]  }
0x2ea: {  	v3 =	vadd.f32 v60, v3;
	v60 =	vmul.f32 v58, v57;
	v57 =	vld [tilespmem:s28+$0xFFFFFC00]  }
0x2eb: {  	v58 =	vld [tilespmem:s28+$0xFFFFFC10]  }
0x2ec: {  	[tilespmem:$0x1FBA0] =	vst v4;
	v4 =	vld [tilespmem:s26+$0xFFFFFE90]  }
0x2ed: {  	v7 =	vmul.f32 v53, v1;
	v53 =	vld [tilespmem:s26+$0xFFFFFD00]  }
0x2ee: {  	v1 =	vld [tilespmem:s28+$0xFFFFFC80]  }
0x2ef: {  	v6 =	vadd.f32 v7, v6;
	v7 =	vadd.f32 v56, v3;
	v3 =	vld [tilespmem:s28+$0xFFFFFC90]  }
0x2f0: {  	v5 =	vld [tilespmem:$0x1FAC0]  }
0x2f1: {  	p0 =	sne.s32 s29, $0x3C0;
	v13 =	vmul.f32 v4, v39;
	v4 =	vld [tilespmem:$0x1FAB0]  }
.Ltmp1:
0x2f2: {  	v56 =	vld [tilespmem:s26+$0xFFFFFC90];
	(xrf2) =	vadd.scan.msk.f32 $0xffff, v6;
	v6 =	vmul.f32 v38, v41;
	(pc) =	sbr.rel @p0 .LBB2_4-.Ltmp1, $4  }
0x2f3: {  	v41 =	vld [tilespmem:$0x1FA60]  }
0x2f4: {  	v38 =	vld [tilespmem:$0x1FA70];
	v7 =	vadd.f32 v60, v7;
	v6 =	vadd.f32 v13, v6  }
0x2f5: {  	v35 =	vmov v14;
	v63 =	vmul.f32 v9, v8;
	v60 =	vld [tilespmem:s26+$0xFFFFFC10]  }
0x2f6: {  	s29 =	sadd.s32 $0x40, s29;
	s25 =	smov.u32 s30;
	v59 =	vadd.f32 v11, v10;
	v26, _, _ =	vpop (xrf2);
	(xrf2) =	vadd.scan.msk.f32 $0xffff, v7;
	v39 =	vld [tilespmem:$0x1FA80];
	v61 =	vadd.f32 v12, v6;
	v4 =	vmul.f32 v5, v4  }
0x2f7: {  	v5 =	vld [tilespmem:s28+$0xFFFFFC20]  }
0x2f8: {  	v6 =	vld [tilespmem:s26+$0xFFFFFC20]  }
0x2f9: {  	v8 =	vmul.f32 v50, v47;
	v47 =	vld [tilespmem:s28+$0xFFFFFD10]  }
0x2fa: {  	v10 =	vld [tilespmem:s26+$0xFFFFFD10]  }
0x2fb: {  	v12 =	vld [tilespmem:s28+$0xFFFFFD20]  }
0x2fc: {  	v50 =	vmul.f32 v54, v57;
	v54 =	vld [tilespmem:s26+$0xFFFFFD20]  }
0x2fd: {  	v0 =	vmul.f32 v0, v55;
	v55 =	vld [tilespmem:s28+$0xFFFFFE10]  }
0x2fe: {  	v7 =	vadd.f32 v63, v62;
	v63 =	vld [tilespmem:s28+$0xFFFFFF10]  }
0x2ff: {  	v16 =	vld [tilespmem:$0x1FBB0]  }
0x300: {  	v17 =	vld [tilespmem:$0x1FBC0]  }
0x301: {  	v18 =	vld [tilespmem:s26+$0xFFFFFF10]  }
0x302: {  	v9 =	vmul.f32 v45, v44;
	v44 =	vld [tilespmem:$0x1FBD0]  }
0x303: {  	v45 =	vld [tilespmem:s28+$0xFFFFFF20]  }
0x304: {  	v3 =	vmul.f32 v56, v3;
	v56 =	vmul.f32 v48, v46;
	v46 =	vld [tilespmem:s26+$0xFFFFFF20]  }
0x305: {  	v48 =	vld [tilespmem:s28+$0x10]  }
0x306: {  	v57 =	vmul.f32 v51, v49;
	v49 =	vld [tilespmem:$0x1FB70]  }
0x307: {  	v51 =	vld [tilespmem:s26+$0x10]  }
0x308: {  	v13 =	vld [tilespmem:$0x1FB30]  }
0x309: {  	v14 =	vld [tilespmem:$0x1FB40]  }
0x30a: {  	v4 =	vadd.f32 v4, v61;
	v61 =	vld [tilespmem:s26+$0xFFFFFE20]  }
0x30b: {  	(xrf2) =	vadd.scan.msk.f32 $0xffff, v59;
	v59 =	vmul.f32 v53, v52;
	v52 =	vld [tilespmem:$0x1FB90]  }
0x30c: {  	v1 =	vmul.f32 v2, v1;
	v53 =	vld [tilespmem:$0x1FBA0]  }
0x30d: {  	v7 =	vadd.f32 v8, v7;
	v11 =	vmul.f32 v60, v58;
	v58 =	vld [tilespmem:s26+$0xFFFFFE10]  }
0x30e: {  	v1 =	vadd.f32 v3, v1;
	v60 =	vld [tilespmem:s28+$0xFFFFFE20]  }
0x30f: {  	v7 =	vadd.f32 v9, v7;
	v8 =	vadd.f32 v11, v50;
	v5 =	vmul.f32 v6, v5;
	v50 =	vld [tilespmem:$0x1FB80]  }
0x310: {  	v0 =	vadd.f32 v0, v1;
	v2 =	vmul.f32 v10, v47;
	v3 =	vmul.f32 v54, v12;
	v54 =	vld [tilespmem:s28+$0x20]  }
0x311: {  	(xrf2) =	vadd.scan.msk.f32 $0xffff, v4;
	v4 =	vmul.f32 v46, v45;
	v45 =	vadd.f32 v20, v19;
	v46 =	vld [tilespmem:$0x1FAF0];
	v5 =	vadd.f32 v5, v8  }
0x312: {  	v20 =	vld [tilespmem:$0x1FB00];
	v0 =	vadd.f32 v56, v0;
	v2 =	vadd.f32 v2, v59  }
0x313: {  	(xrf2) =	vadd.scan.msk.f32 $0xffff, v7;
	v11 =	vmul.f32 v53, v52;
	v56 =	vld [tilespmem:s28+$0x110];
	v62 =	vadd.f32 v57, v5  }
0x314: {  	v52 =	vld [tilespmem:s26+$0x220];
	(xrf2) =	vadd.scan.msk.f32 $0xffff, v0;
	v0 =	vmul.f32 v17, v16;
	v6 =	vmul.f32 v58, v55;
	v2 =	vadd.f32 v3, v2  }
0x315: {  	v59 =	vld [tilespmem:s28+$0x120];
	v3 =	vmul.f32 v43, v44;
	(xrf2) =	vadd.scan.msk.f32 $0xffff, v62  }
0x316: {  	v55 =	vld [tilespmem:s26+$0x20];
	v0 =	vadd.f32 v0, v2  }
0x317: {  	v1 =	vmul.f32 v61, v60;
	v58 =	vld [tilespmem:$0x1FB50];
	v9 =	vmul.f32 v50, v49;
	v47 =	vadd.f32 v6, v3  }
0x318: {  	v16 =	vld [tilespmem:$0x1FB60];
	v6, _, _ =	vpop (xrf2)  }
0x319: {  	v60 =	vld [tilespmem:$0x1FAE0];
	v5 =	vmul.f32 v18, v63;
	v1 =	vadd.f32 v1, v47;
	v2, _, _ =	vpop (xrf2);
	(xrf2) =	vadd.scan.msk.f32 $0xffff, v0  }
0x31a: {  	v57 =	vld [tilespmem:s26+$0x110];
	v0, _, _ =	vpop (xrf2)  }
0x31b: {  	v5 =	vadd.f32 v5, v11;
	v3 =	vmul.f32 v51, v48;
	v48 =	vld [tilespmem:$0x1FB20];
	v1 =	vadd.f32 v9, v1;
	v9, _, _ =	vpop (xrf2)  }
0x31c: {  	v47 =	vld [tilespmem:$0x1FB10];
	v11, _, _ =	vpop (xrf2)  }
0x31d: {  	v13 =	vmul.f32 v14, v13;
	v50 =	vld [tilespmem:$0x1FD90];
	v4 =	vadd.f32 v4, v5;
	v5 =	vmul.f32 v16, v58;
	(xrf2) =	vadd.scan.msk.f32 $0xffff, v1;
	v10, _, _ =	vpop (xrf2)  }
0x31e: {  	v38 =	vmul.f32 v38, v33;
	v18 =	vld [tilespmem:s26+$0x120];
	v19 =	vmul.f32 v20, v46;
	v61, _, _ =	vpop (xrf2)  }
0x31f: {  	v63 =	vld [tilespmem:s28+$0x210];
	v62 =	vmul.f32 v55, v54;
	v4 =	vadd.f32 v13, v4;
	v3 =	vadd.f32 v3, v5;
	v44, _, _ =	vpop (xrf2)  }
0x320: {  	v20 =	vld [tilespmem:s26+$0x210];
	v15 =	vmul.f32 v60, v15;
	v12 =	vbroadcast v44, $0xF  }
0x321: {  	v53 =	vld [tilespmem:s28+$0x310];
	v8 =	vmul.f32 v57, v56;
	v3 =	vadd.f32 v62, v3;
	v5 =	vmul.f32 v48, v47;
	(xrf2) =	vadd.scan.msk.f32 $0xffff, v4  }
0x322: {  	v49 =	vld [tilespmem:s28+$0x220];
	v13 =	vadd.f32 v45, v50;
	v51 =	vbroadcast v61, $0xF;
	v12 =	vmul.f32 v21, v12  }
0x323: {  	v17 =	vld [tilespmem:$0x1FAD0];
	v1 =	vmul.f32 v18, v59;
	v3 =	vadd.f32 v19, v3;
	v5 =	vadd.f32 v8, v5;
	v54, _, _ =	vpop (xrf2)  }
0x324: {  	v57 =	vld [tilespmem:s26+$0x310];
	v55 =	vmul.f32 v22, v51;
	v56 =	vbroadcast v54, $0xF;
	v12 =	vadd.f32 v12, v13  }
0x325: {  	v58 =	vmul.f32 v41, v39;
	v7 =	vmul.f32 v20, v63;
	v59 =	vld [tilespmem:s28+$0x320];
	v1 =	vadd.f32 v1, v5;
	(xrf2) =	vadd.scan.msk.f32 $0xffff, v3  }
0x326: {  	v10 =	vbroadcast v10, $0xF;
	v61 =	vld [tilespmem:s26+$0x320];
	v60 =	vmul.f32 v23, v56;
	v12 =	vadd.f32 v55, v12  }
0x327: {  	v62 =	vld [tilespmem:s28+$0x330];
	v4 =	vmul.f32 v52, v49;
	v5 =	vadd.f32 v7, v58;
	v1 =	vadd.f32 v15, v1;
	v63, _, _ =	vpop (xrf2)  }
0x328: {  	v10 =	vmul.f32 v24, v10;
	v24 =	vld [tilespmem:s26+$0x330];
	v19 =	vbroadcast v63, $0xF;
	v12 =	vadd.f32 v60, v12  }
0x329: {  	v17 =	vmul.f32 v17, v42;
	v8 =	vmul.f32 v57, v53;
	v4 =	vadd.f32 v4, v5;
	(xrf2) =	vadd.scan.msk.f32 $0xffff, v1  }
0x32a: {  	v11 =	vbroadcast v11, $0xF;
	v41 =	vmul.f32 v25, v19;
	v39 =	vadd.f32 v10, v12  }
0x32b: {  	v5 =	vadd.f32 v8, v38;
	v3 =	vmul.f32 v61, v59;
	v4 =	vadd.f32 v17, v4;
	v42, _, _ =	vpop (xrf2)  }
0x32c: {  	v43 =	vmul.f32 v27, v11;
	v8 =	vbroadcast v42, $0xF;
	v1 =	vadd.f32 v41, v39  }
0x32d: {  	v44 =	vmul.f32 v24, v62;
	v3 =	vadd.f32 v3, v5;
	(xrf2) =	vadd.scan.msk.f32 $0xffff, v4  }
0x32e: {  	v46 =	vbroadcast v9, $0xF;
	v45 =	vmul.f32 v28, v8;
	v1 =	vadd.f32 v43, v1  }
0x32f: {  	v3 =	vadd.f32 v44, v3;
	v47, _, _ =	vpop (xrf2)  }
0x330: {  	v48 =	vmul.f32 v29, v46;
	v5 =	vbroadcast v47, $0xF;
	v1 =	vadd.f32 v45, v1  }
0x331: {  	(xrf2) =	vadd.scan.msk.f32 $0xffff, v3  }
0x332: {  	v0 =	vbroadcast v0, $0xF;
	v49 =	vmul.f32 v30, v5;
	v1 =	vadd.f32 v48, v1  }
0x333: {  	v50, _, _ =	vpop (xrf2)  }
0x334: {  	v0 =	vmul.f32 v32, v0;
	v51 =	vbroadcast v50, $0xF;
	v1 =	vadd.f32 v49, v1;
	_ =	sdelay $0x1  }
0x335: {  	v2 =	vbroadcast v2, $0xF;
	v52 =	vmul.f32 v40, v51;
	v0 =	vadd.f32 v0, v1  }
0x336: {  	v53, _, _ =	vpop (xrf2)  }
0x337: {  	v54 =	vmul.f32 v34, v2;
	v55 =	vbroadcast v53, $0xF;
	v0 =	vadd.f32 v52, v0;
	_ =	sdelay $0x1  }
0x338: {  	v57 =	vbroadcast v6, $0xF;
	v56 =	vmul.f32 v35, v55;
	v0 =	vadd.f32 v54, v0  }
0x339: {  	v58, _, _ =	vpop (xrf2)  }
0x33a: {  	v59 =	vmul.f32 v36, v57;
	v60 =	vbroadcast v58, $0xF;
	v0 =	vadd.f32 v56, v0;
	_ =	sdelay $0x1  }
0x33b: {  	v62 =	vbroadcast v26, $0xF;
	v61 =	vmul.f32 v37, v60;
	v0 =	vadd.f32 v59, v0;
	_ =	sdelay $0x1  }
0x33c: {  	v63 =	vmul.f32 v31, v62;
	v0 =	vadd.f32 v61, v0;
	_ =	sdelay $0x1  }
0x33d: {  	s24 =	sadd.s32 $0x1, s24;
	v0 =	vadd.f32 v63, v0  }
0x33e: {  	p0 =	sne.s32 s24, s11  }
.Ltmp2:
0x33f: {  	[tilespmem:s25+$0x10910] =	vst v0;
	(pc) =	sbr.rel @p0 .LBB2_1-.Ltmp2, $4  }
0x340: {  	[hbm4b:s10+s3] =	stream.linear.scatter [tilespmem:s23], [sflag:$0x3], $0x200, $0x38;
	[tilespmem:$0x10A10] =	vst v63  }
0x341: {  	_ =	swait.ge [sflag:s12], $0x200  }
0x342: {  	[sflag:s12] =	ssyncset.done $0x0  }
0x343: {  	[sflag:s12] =	ssyncadd.s32 $0xFFFFFE00  }
0x344: {  	_ =	sfence.sel $0x180000  }
0x345: {  	[bflag:$0x0] =	sbarrier.arrive $0xFFFF  }
0x346: {  	p0 =	sne.s32 s5, $0x0;
	_ =	strace $0x90000047  }
0x347: {  	s0 =	sadd.s32 @!p0 $0x100000, s0;
	[bflag:$0x2] =	sbarrier.arrive $0xFFFF  }
0x348: {  	[sflag:s0] =	ssyncadd.tile.s32 @!p0 $0x1;
	_ =	shalt  }
.Lfunc_end2:
_tile_overlayer_lowered:
.L_overlay_start_2:
0x349: {  	(tag) =	ssettag $0x2  }
0x34a: {  	s0 =	rddreg [dreg:$0x0];
	s2 =	stileid.u32  }
0x34b: {  	s1 =	rddreg [dreg:$0x1];
	p0 =	sne.s32 s2, $0x0  }
0x34c: {  	s3 =	rddreg [dreg:$0x2];
	[bflag:$0x3] =	sbarrier.arrive $0xFFFF;
	s2 =	simm.s32 @!p0 $0x1C03  }
0x34d: {  	[timem:s3], [sflag:s2] =	dma.local @!p0 [hbm:s0], s1  }
0x34e: {  	s0 =	simm.s32 @!p0 $0x3  }
0x34f: {  	_ =	swait.ge @!p0 [sflag:s0], s1  }
0x350: {  	s1 =	ssub.s32 @!p0 $0x0, s1;
	[sflag:s0] =	ssyncset.done @!p0 $0x0  }
0x351: {  	[sflag:s0] =	ssyncadd.s32 @!p0 s1  }
0x352: {  	[bflag:$0x3] =	sbarrier.arrive $0xFFFF  }
0x353: {  	_ =	shalt  }

</sc_bundles>
